<compile_context>
chip_gen: v7x
topology: tpu7x:2x2x1
jax: 0.10.2.dev20260603
libtpu: 0.0.44.dev20260713+nightly
codegen_flags: <defaults>
</compile_context>

<pallas_src>
import functools

import jax
import jax.numpy as jnp
from jax import lax
from jax.experimental import pallas as pl
from jax.experimental.pallas import tpu as pltpu
from jax.experimental.pallas import tpu_sc as plsc

N = 10000
E = 320000
D = 128
HD = D // 2
G = 64

NUM_CORES = 2
NUM_SUBCORES = 16
CHUNK = 128
E_PAD = 327680
PAD = E_PAD - E
EDGES_PER_SUBCORE = E_PAD // NUM_SUBCORES
NCHUNKS = EDGES_PER_SUBCORE // CHUNK
NSLOTS = 5
NSTEPS = NCHUNKS // NSLOTS
ROWS_PER_SUBCORE = 624
TAIL_ROWS = N - NUM_SUBCORES * ROWS_PER_SUBCORE


def _sc_segment_sum(src2, dst2, hs):
    mesh = plsc.VectorSubcoreMesh(
        core_axis_name="c", subcore_axis_name="s",
        num_cores=NUM_CORES, num_subcores=NUM_SUBCORES)

    @functools.partial(
        pl.kernel,
        out_type=jax.ShapeDtypeStruct((NUM_CORES, N, HD), jnp.float32),
        mesh=mesh,
        scratch_types=(
            [pltpu.VMEM((CHUNK,), jnp.int32)] * NSLOTS
            + [pltpu.VMEM((CHUNK,), jnp.int32)] * NSLOTS
            + [pltpu.VMEM((CHUNK, HD), jnp.float32)] * NSLOTS
            + [pltpu.VMEM((ROWS_PER_SUBCORE, HD), jnp.float32)]
            + [pltpu.VMEM_SHARED((N, HD), jnp.float32)]
            + [pltpu.SemaphoreType.DMA] * (3 * NSLOTS)
        ),
        compiler_params=pltpu.CompilerParams(use_tc_tiling_on_sc=False),
    )
    def k(src_hbm, dst_hbm, hs_hbm, out_hbm, *refs):
        src_bufs = refs[0:NSLOTS]
        dst_bufs = refs[NSLOTS:2 * NSLOTS]
        row_bufs = refs[2 * NSLOTS:3 * NSLOTS]
        zero_v = refs[3 * NSLOTS]
        agg_sh = refs[3 * NSLOTS + 1]
        isems = refs[3 * NSLOTS + 2:3 * NSLOTS + 2 + NSLOTS]
        gsems = refs[3 * NSLOTS + 2 + NSLOTS:3 * NSLOTS + 2 + 2 * NSLOTS]
        ssems = refs[3 * NSLOTS + 2 + 2 * NSLOTS:3 * NSLOTS + 2 + 3 * NSLOTS]
        cid = lax.axis_index("c")
        sid = lax.axis_index("s")

        zvec = jnp.zeros((16,), jnp.float32)

        def zrow(r, carry):
            for j in range(HD // 16):
                zero_v[r, pl.ds(j * 16, 16)] = zvec
            return carry

        lax.fori_loop(0, ROWS_PER_SUBCORE, zrow, None)

        row0 = sid * ROWS_PER_SUBCORE
        pltpu.sync_copy(zero_v, agg_sh.at[pl.ds(row0, ROWS_PER_SUBCORE)])

        @pl.when(sid == NUM_SUBCORES - 1)
        def _():
            pltpu.sync_copy(zero_v.at[pl.ds(0, TAIL_ROWS)],
                            agg_sh.at[pl.ds(N - TAIL_ROWS, TAIL_ROWS)])

        plsc.subcore_barrier()

        ebase = sid * EDGES_PER_SUBCORE
        h_view = hs_hbm.at[cid]

        def step(t, carry):
            off = ebase + t * NSLOTS * CHUNK
            iloads = []
            for j in range(NSLOTS):
                o = off + j * CHUNK
                i0 = pltpu.async_copy(src_hbm.at[pl.ds(o, CHUNK)],
                                      src_bufs[j], isems[j])
                i1 = pltpu.async_copy(dst_hbm.at[pl.ds(o, CHUNK)],
                                      dst_bufs[j], isems[j])
                iloads.append((i0, i1))
            gathers = []
            for j in range(NSLOTS):
                iloads[j][0].wait()
                iloads[j][1].wait()
                gathers.append(pltpu.async_copy(h_view.at[src_bufs[j]],
                                                row_bufs[j], gsems[j]))
            scatters = []
            for j in range(NSLOTS):
                gathers[j].wait()
                scatters.append(pltpu.async_copy(
                    row_bufs[j], agg_sh.at[dst_bufs[j]], ssems[j], add=True))
            for s in scatters:
                s.wait()
            return carry

        lax.fori_loop(0, NSTEPS, step, None)
        plsc.subcore_barrier()

        pltpu.sync_copy(agg_sh.at[pl.ds(row0, ROWS_PER_SUBCORE)],
                        out_hbm.at[cid, pl.ds(row0, ROWS_PER_SUBCORE)])

        @pl.when(sid == NUM_SUBCORES - 1)
        def _():
            pltpu.sync_copy(agg_sh.at[pl.ds(N - TAIL_ROWS, TAIL_ROWS)],
                            out_hbm.at[cid, pl.ds(N - TAIL_ROWS, TAIL_ROWS)])

    return k(src2, dst2, hs)


_VMEM_SPEC = pl.BlockSpec(memory_space=pltpu.VMEM)
_SMEM_SPEC = pl.BlockSpec(memory_space=pltpu.SMEM)


def _dense_common(hs_ref, parts_ref, W_ref, b_ref, sc_ref, g_ref, be_ref):
    h = jnp.concatenate([hs_ref[0], hs_ref[1]], axis=1)
    agg = jnp.concatenate([parts_ref[0], parts_ref[1]], axis=1)
    padrow = (lax.broadcasted_iota(jnp.int32, (N, 1), 0) < PAD)
    agg = agg - jnp.where(padrow, 1.0, 0.0) * h
    y = sc_ref[0, 0] * h + agg
    y = jnp.dot(y, W_ref[...], preferred_element_type=jnp.float32)
    y = y + b_ref[...]
    mu = jnp.mean(y, axis=0, keepdims=True)
    var = jnp.mean((y - mu) ** 2, axis=0, keepdims=True)
    y = (y - mu) * lax.rsqrt(var + 1e-5) * g_ref[...] + be_ref[...]
    return jnp.maximum(y, 0.0)


def _dense_layer(hs, parts, W, b, scale, g, be):
    def body(hs_ref, parts_ref, W_ref, b_ref, sc_ref, g_ref, be_ref, o_ref):
        y = _dense_common(hs_ref, parts_ref, W_ref, b_ref, sc_ref, g_ref,
                          be_ref)
        o_ref[0] = y[:, :HD]
        o_ref[1] = y[:, HD:]

    return pl.pallas_call(
        body,
        out_shape=jax.ShapeDtypeStruct((NUM_CORES, N, HD), jnp.float32),
        in_specs=[_VMEM_SPEC, _VMEM_SPEC, _VMEM_SPEC, _VMEM_SPEC, _SMEM_SPEC,
                  _VMEM_SPEC, _VMEM_SPEC],
        out_specs=_VMEM_SPEC,
    )(hs, parts, W, b, scale, g, be)


def _dense_layer_pool(hs, parts, W, b, scale, g, be, batch):
    def body(hs_ref, parts_ref, W_ref, b_ref, sc_ref, g_ref, be_ref,
             batch_ref, o_ref):
        y = _dense_common(hs_ref, parts_ref, W_ref, b_ref, sc_ref, g_ref,
                          be_ref)
        seg = lax.broadcasted_iota(jnp.int32, (G, N), 0)
        onehot = (seg == batch_ref[...].reshape(1, N)).astype(jnp.float32)
        sums = jnp.dot(onehot, y, preferred_element_type=jnp.float32)
        counts = jnp.sum(onehot, axis=1, keepdims=True)
        o_ref[...] = sums / jnp.maximum(counts, 1.0)

    return pl.pallas_call(
        body,
        out_shape=jax.ShapeDtypeStruct((G, D), jnp.float32),
        in_specs=[_VMEM_SPEC, _VMEM_SPEC, _VMEM_SPEC, _VMEM_SPEC, _SMEM_SPEC,
                  _VMEM_SPEC, _VMEM_SPEC, _VMEM_SPEC],
        out_specs=_VMEM_SPEC,
    )(hs, parts, W, b, scale, g, be, batch)


def kernel(edge_index, x, batch, W0, b0, eps0, g0, be0, W1, b1, eps1, g1, be1,
           W2, b2, eps2, g2, be2):
    zpad = jnp.arange(PAD, dtype=jnp.int32)
    src2 = jnp.concatenate([edge_index[0], zpad])
    dst2 = jnp.concatenate([edge_index[1], zpad])
    batch2d = batch.reshape(N, 1)
    hs = jnp.stack([x[:, :HD], x[:, HD:]])
    params = [(W0, b0, eps0, g0, be0), (W1, b1, eps1, g1, be1),
              (W2, b2, eps2, g2, be2)]
    for i, (W, b, eps, g, be) in enumerate(params):
        parts = _sc_segment_sum(src2, dst2, hs)
        scale = (1.0 + eps).reshape(1, 1)
        b2d = b.reshape(1, D)
        g2d = g.reshape(1, D)
        be2d = be.reshape(1, D)
        if i < 2:
            hs = _dense_layer(hs, parts, W, b2d, scale, g2d, be2d)
        else:
            out = _dense_layer_pool(hs, parts, W, b2d, scale, g2d, be2d,
                                    batch2d)
    return out

# --- scband reference (transcript-rebuilt; emitter-appended) ---
"""Pipeline reference for scband-g-gin-16449724744437 (READ-ONLY COPY).

The authoritative reference and input builder live on the scoring server;
editing this copy changes nothing except your own understanding.
"""

import jax, jax.numpy as jnp
import numpy as np

N = 10000
E = 320000
D = 128
H = 128
G = 64

def setup_inputs(seed: int = 0):
    key = jax.random.key(seed)
    ks = jax.random.split(key, 16)
    inp = {}
    inp["edge_index"] = jax.random.randint(ks[0], (2, E), 0, N, dtype=jnp.int32)
    inp["x"] = jax.random.normal(ks[1], (N, D), dtype=jnp.float32)
    inp["batch"] = jnp.sort(jax.random.randint(ks[2], (N,), 0, G, dtype=jnp.int32))
    dims = [(D, H), (H, H), (H, H)]
    for i, (di, do) in enumerate(dims):
        inp[f"W{i}"] = jax.random.normal(ks[3 + i], (di, do), dtype=jnp.float32) * (1.0 / np.sqrt(di))
        inp[f"b{i}"] = jnp.zeros((do,), dtype=jnp.float32)
        inp[f"eps{i}"] = jnp.zeros((), dtype=jnp.float32)
        inp[f"g{i}"] = jnp.ones((do,), dtype=jnp.float32)
        inp[f"be{i}"] = jnp.zeros((do,), dtype=jnp.float32)
    return inp

def _bn(h, gamma, beta):
    mu = jnp.mean(h, axis=0)
    var = jnp.mean((h - mu) ** 2, axis=0)
    return (h - mu) / jnp.sqrt(var + 1e-5) * gamma + beta

def reference(edge_index, x, batch, W0, b0, eps0, g0, be0, W1, b1, eps1, g1, be1, W2, b2, eps2, g2, be2):
    src = edge_index[0]
    dst = edge_index[1]
    params = [(W0, b0, eps0, g0, be0), (W1, b1, eps1, g1, be1), (W2, b2, eps2, g2, be2)]
    h = x
    for (W, b, eps, g, be) in params:
        agg = jax.ops.segment_sum(h[src], dst, num_segments=N)
        h = ((1.0 + eps) * h + agg) @ W + b
        h = _bn(h, g, be)
        h = jax.nn.relu(h)
    sums = jax.ops.segment_sum(h, batch, num_segments=G)
    counts = jax.ops.segment_sum(jnp.ones((N,), dtype=jnp.float32), batch, num_segments=G)
    return sums / jnp.maximum(counts, 1.0)[:, None]

if __name__ == "__main__":
    import jax
    _d = setup_inputs()
    print(jax.jit(kernel)(*tuple(_d.values())))

</pallas_src>

<mosaic_0001>
#map = affine_map<(d0, d1) -> (0)>
#map1 = affine_map<(d0, d1) -> (0, 0, 0)>
module attributes {stable_mosaic.version = 14 : i64} {
  func.func @k(%arg0: i32, %arg1: i32, %arg2: memref<327680xi32, #tpu.memory_space<hbm>>, %arg3: memref<327680xi32, #tpu.memory_space<hbm>>, %arg4: memref<2x10000x64xf32, #tpu.memory_space<hbm>>, %arg5: memref<2x10000x64xf32, #tpu.memory_space<hbm>>, %arg6: memref<128xi32, #tpu.memory_space<vmem>>, %arg7: memref<128xi32, #tpu.memory_space<vmem>>, %arg8: memref<128xi32, #tpu.memory_space<vmem>>, %arg9: memref<128xi32, #tpu.memory_space<vmem>>, %arg10: memref<128xi32, #tpu.memory_space<vmem>>, %arg11: memref<128xi32, #tpu.memory_space<vmem>>, %arg12: memref<128xi32, #tpu.memory_space<vmem>>, %arg13: memref<128xi32, #tpu.memory_space<vmem>>, %arg14: memref<128xi32, #tpu.memory_space<vmem>>, %arg15: memref<128xi32, #tpu.memory_space<vmem>>, %arg16: memref<128x64xf32, #tpu.memory_space<vmem>>, %arg17: memref<128x64xf32, #tpu.memory_space<vmem>>, %arg18: memref<128x64xf32, #tpu.memory_space<vmem>>, %arg19: memref<128x64xf32, #tpu.memory_space<vmem>>, %arg20: memref<128x64xf32, #tpu.memory_space<vmem>>, %arg21: memref<624x64xf32, #tpu.memory_space<vmem>>, %arg22: memref<10000x64xf32, #tpu.memory_space<vmem_shared>>, %arg23: memref<!tpu.dma_semaphore, #tpu.memory_space<semaphore_mem>>, %arg24: memref<!tpu.dma_semaphore, #tpu.memory_space<semaphore_mem>>, %arg25: memref<!tpu.dma_semaphore, #tpu.memory_space<semaphore_mem>>, %arg26: memref<!tpu.dma_semaphore, #tpu.memory_space<semaphore_mem>>, %arg27: memref<!tpu.dma_semaphore, #tpu.memory_space<semaphore_mem>>, %arg28: memref<!tpu.dma_semaphore, #tpu.memory_space<semaphore_mem>>, %arg29: memref<!tpu.dma_semaphore, #tpu.memory_space<semaphore_mem>>, %arg30: memref<!tpu.dma_semaphore, #tpu.memory_space<semaphore_mem>>, %arg31: memref<!tpu.dma_semaphore, #tpu.memory_space<semaphore_mem>>, %arg32: memref<!tpu.dma_semaphore, #tpu.memory_space<semaphore_mem>>, %arg33: memref<!tpu.dma_semaphore, #tpu.memory_space<semaphore_mem>>, %arg34: memref<!tpu.dma_semaphore, #tpu.memory_space<semaphore_mem>>, %arg35: memref<!tpu.dma_semaphore, #tpu.memory_space<semaphore_mem>>, %arg36: memref<!tpu.dma_semaphore, #tpu.memory_space<semaphore_mem>>, %arg37: memref<!tpu.dma_semaphore, #tpu.memory_space<semaphore_mem>>) attributes {dimension_semantics = [#tpu.dimension_semantics<core_parallel>, #tpu.dimension_semantics<subcore_parallel>], iteration_bounds = array<i64: 2, 16>, scalar_prefetch = 0 : i64, scratch_operands = 32 : i64, tpu.core_type = #tpu.core_type<sc_vector_subcore>, window_params = [{transform_indices = #map}, {transform_indices = #map}, {transform_indices = #map1}, {transform_indices = #map1}]} {
    %broadcast_in_dim3A = arith.constant 0.000000e+00 : f32
    %broadcast_in_dim3A_0 = vector.broadcast %broadcast_in_dim3A : f32 to vector<16xf32>
    %scan3A = arith.constant 0 : i32
    %scan3A_1 = arith.constant 624 : i32
    %scan3A_2 = arith.addi %scan3A, %scan3A_1 : i32
    %scan3A_3 = arith.constant 1 : i32
    scf.for %scan3A_21 = %scan3A to %scan3A_2 step %scan3A_3  : i32 {
      %swap3A = arith.index_cast %scan3A_21 : i32 to index
      %swap3A_22 = arith.constant 0 : index
      %swap3A_23 = tpu.vector_load %arg21[%swap3A, %swap3A_22] {strides = array<i32>} : memref<624x64xf32, #tpu.memory_space<vmem>>, vector<1x16xf32>,
      %swap3A_24 = vector.shape_cast %swap3A_23 : vector<1x16xf32> to vector<16xf32>
      %swap3A_25 = vector.shape_cast %broadcast_in_dim3A_0 : vector<16xf32> to vector<1x16xf32>
      tpu.vector_store %arg21[%swap3A, %swap3A_22], %swap3A_25 {strides = array<i32>} : memref<624x64xf32, #tpu.memory_space<vmem>>, vector<1x16xf32>,
      %swap3A_26 = arith.index_cast %scan3A_21 : i32 to index
      %swap3A_27 = arith.constant 16 : index
      %swap3A_28 = tpu.vector_load %arg21[%swap3A_26, %swap3A_27] {strides = array<i32>} : memref<624x64xf32, #tpu.memory_space<vmem>>, vector<1x16xf32>,
      %swap3A_29 = vector.shape_cast %swap3A_28 : vector<1x16xf32> to vector<16xf32>
      %swap3A_30 = vector.shape_cast %broadcast_in_dim3A_0 : vector<16xf32> to vector<1x16xf32>
      tpu.vector_store %arg21[%swap3A_26, %swap3A_27], %swap3A_30 {strides = array<i32>} : memref<624x64xf32, #tpu.memory_space<vmem>>, vector<1x16xf32>,
      %swap3A_31 = arith.index_cast %scan3A_21 : i32 to index
      %swap3A_32 = arith.constant 32 : index
      %swap3A_33 = tpu.vector_load %arg21[%swap3A_31, %swap3A_32] {strides = array<i32>} : memref<624x64xf32, #tpu.memory_space<vmem>>, vector<1x16xf32>,
      %swap3A_34 = vector.shape_cast %swap3A_33 : vector<1x16xf32> to vector<16xf32>
      %swap3A_35 = vector.shape_cast %broadcast_in_dim3A_0 : vector<16xf32> to vector<1x16xf32>
      tpu.vector_store %arg21[%swap3A_31, %swap3A_32], %swap3A_35 {strides = array<i32>} : memref<624x64xf32, #tpu.memory_space<vmem>>, vector<1x16xf32>,
      %swap3A_36 = arith.index_cast %scan3A_21 : i32 to index
      %swap3A_37 = arith.constant 48 : index
      %swap3A_38 = tpu.vector_load %arg21[%swap3A_36, %swap3A_37] {strides = array<i32>} : memref<624x64xf32, #tpu.memory_space<vmem>>, vector<1x16xf32>,
      %swap3A_39 = vector.shape_cast %swap3A_38 : vector<1x16xf32> to vector<16xf32>
      %swap3A_40 = vector.shape_cast %broadcast_in_dim3A_0 : vector<16xf32> to vector<1x16xf32>
      tpu.vector_store %arg21[%swap3A_36, %swap3A_37], %swap3A_40 {strides = array<i32>} : memref<624x64xf32, #tpu.memory_space<vmem>>, vector<1x16xf32>,
    }
    %scan3A_4 = arith.constant 624 : i32
    %mul3A = arith.constant 624 : i32
    %mul3A_5 = arith.muli %arg1, %mul3A : i32
    "tpu.region"() ({
      %run_scoped3A = tpu.sem_alloc : memref<!tpu.dma_semaphore, #tpu.memory_space<semaphore_mem>>
      %dma_start3A = arith.constant 0 : i32
      %dma_start3A_21 = tpu.memref_slice %arg22[%mul3A_5, %dma_start3A] : memref<10000x64xf32, #tpu.memory_space<vmem_shared>> -> memref<624x64xf32, #tpu.memory_space<vmem_shared>>
      %dma_start3A_22 = arith.constant 0 : i32
      %dma_start3A_23 = tpu.memref_slice %arg22[%mul3A_5, %dma_start3A_22] : memref<10000x64xf32, #tpu.memory_space<vmem_shared>> -> memref<624x64xf32, #tpu.memory_space<vmem_shared>>
      tpu.enqueue_dma source(%arg21 : memref<624x64xf32, #tpu.memory_space<vmem>>) target(%dma_start3A_23 : memref<624x64xf32, #tpu.memory_space<vmem_shared>>) target_semaphore(%run_scoped3A : memref<!tpu.dma_semaphore, #tpu.memory_space<semaphore_mem>>)
      %dma_wait3A = arith.constant 0 : i32
      %dma_wait3A_24 = tpu.memref_slice %arg22[%mul3A_5, %dma_wait3A] : memref<10000x64xf32, #tpu.memory_space<vmem_shared>> -> memref<624x64xf32, #tpu.memory_space<vmem_shared>>
      %dma_wait3A_25 = arith.constant 0 : i32
      %dma_wait3A_26 = tpu.memref_slice %arg22[%mul3A_5, %dma_wait3A_25] : memref<10000x64xf32, #tpu.memory_space<vmem_shared>> -> memref<624x64xf32, #tpu.memory_space<vmem_shared>>
      tpu.wait_dma2 semaphore(%run_scoped3A : memref<!tpu.dma_semaphore, #tpu.memory_space<semaphore_mem>>) src(%arg21 : memref<624x64xf32, #tpu.memory_space<vmem>>) dst(%dma_wait3A_26 : memref<624x64xf32, #tpu.memory_space<vmem_shared>>)
      tpu.yield
    }) : () -> ()
    %eq3A = arith.constant 15 : i32
    %eq3A_6 = arith.cmpi eq, %arg1, %eq3A : i32
    %convert_element_type3A = arith.extui %eq3A_6 : i1 to i32
    %cond3A = arith.constant 0 : i32
    %cond3A_7 = arith.cmpi ne, %convert_element_type3A, %cond3A : i32
    scf.if %cond3A_7 {
      "tpu.region"() ({
        %run_scoped3A = tpu.sem_alloc : memref<!tpu.dma_semaphore, #tpu.memory_space<semaphore_mem>>
        %dma_start3A = arith.constant 0 : i32
        %dma_start3A_21 = arith.constant 0 : i32
        %dma_start3A_22 = tpu.memref_slice %arg21[%dma_start3A, %dma_start3A_21] : memref<624x64xf32, #tpu.memory_space<vmem>> -> memref<16x64xf32, #tpu.memory_space<vmem>>
        %dma_start3A_23 = arith.constant 9984 : i32
        %dma_start3A_24 = arith.constant 0 : i32
        %dma_start3A_25 = tpu.memref_slice %arg22[%dma_start3A_23, %dma_start3A_24] : memref<10000x64xf32, #tpu.memory_space<vmem_shared>> -> memref<16x64xf32, #tpu.memory_space<vmem_shared>>
        %dma_start3A_26 = arith.constant 9984 : i32
        %dma_start3A_27 = arith.constant 0 : i32
        %dma_start3A_28 = tpu.memref_slice %arg22[%dma_start3A_26, %dma_start3A_27] : memref<10000x64xf32, #tpu.memory_space<vmem_shared>> -> memref<16x64xf32, #tpu.memory_space<vmem_shared>>
        %dma_start3A_29 = arith.constant 0 : i32
        %dma_start3A_30 = arith.constant 0 : i32
        %dma_start3A_31 = tpu.memref_slice %arg21[%dma_start3A_29, %dma_start3A_30] : memref<624x64xf32, #tpu.memory_space<vmem>> -> memref<16x64xf32, #tpu.memory_space<vmem>>
        tpu.enqueue_dma source(%dma_start3A_31 : memref<16x64xf32, #tpu.memory_space<vmem>>) target(%dma_start3A_28 : memref<16x64xf32, #tpu.memory_space<vmem_shared>>) target_semaphore(%run_scoped3A : memref<!tpu.dma_semaphore, #tpu.memory_space<semaphore_mem>>)
        %dma_wait3A = arith.constant 0 : i32
        %dma_wait3A_32 = arith.constant 0 : i32
        %dma_wait3A_33 = tpu.memref_slice %arg21[%dma_wait3A, %dma_wait3A_32] : memref<624x64xf32, #tpu.memory_space<vmem>> -> memref<16x64xf32, #tpu.memory_space<vmem>>
        %dma_wait3A_34 = arith.constant 9984 : i32
        %dma_wait3A_35 = arith.constant 0 : i32
        %dma_wait3A_36 = tpu.memref_slice %arg22[%dma_wait3A_34, %dma_wait3A_35] : memref<10000x64xf32, #tpu.memory_space<vmem_shared>> -> memref<16x64xf32, #tpu.memory_space<vmem_shared>>
        %dma_wait3A_37 = arith.constant 9984 : i32
        %dma_wait3A_38 = arith.constant 0 : i32
        %dma_wait3A_39 = tpu.memref_slice %arg22[%dma_wait3A_37, %dma_wait3A_38] : memref<10000x64xf32, #tpu.memory_space<vmem_shared>> -> memref<16x64xf32, #tpu.memory_space<vmem_shared>>
        %dma_wait3A_40 = arith.constant 0 : i32
        %dma_wait3A_41 = arith.constant 0 : i32
        %dma_wait3A_42 = tpu.memref_slice %arg21[%dma_wait3A_40, %dma_wait3A_41] : memref<624x64xf32, #tpu.memory_space<vmem>> -> memref<16x64xf32, #tpu.memory_space<vmem>>
        tpu.wait_dma2 semaphore(%run_scoped3A : memref<!tpu.dma_semaphore, #tpu.memory_space<semaphore_mem>>) src(%dma_wait3A_42 : memref<16x64xf32, #tpu.memory_space<vmem>>) dst(%dma_wait3A_39 : memref<16x64xf32, #tpu.memory_space<vmem_shared>>)
        tpu.yield
      }) : () -> ()
    } else {
    }
    %barrier3A = arith.constant 0 : index
    tpu.barrier barrier_id(%barrier3A)
    %mul3A_8 = arith.constant 20480 : i32
    %mul3A_9 = arith.muli %arg1, %mul3A_8 : i32
    %scan3A_10 = arith.constant 0 : i32
    %scan3A_11 = arith.constant 32 : i32
    %scan3A_12 = arith.addi %scan3A_10, %scan3A_11 : i32
    %scan3A_13 = arith.constant 1 : i32
    scf.for %scan3A_21 = %scan3A_10 to %scan3A_12 step %scan3A_13  : i32 {
      %mul3A_22 = arith.constant 5 : i32
      %mul3A_23 = arith.muli %scan3A_21, %mul3A_22 : i32
      %mul3A_24 = arith.constant 128 : i32
      %mul3A_25 = arith.muli %mul3A_23, %mul3A_24 : i32
      %add3A = arith.addi %mul3A_9, %mul3A_25 : i32
      %add3A_26 = arith.constant 0 : i32
      %add3A_27 = arith.addi %add3A, %add3A_26 : i32
      %dma_start3A = tpu.memref_slice %arg2[%add3A_27] : memref<327680xi32, #tpu.memory_space<hbm>> -> memref<128xi32, #tpu.memory_space<hbm>>
      %dma_start3A_28 = tpu.memref_slice %arg2[%add3A_27] : memref<327680xi32, #tpu.memory_space<hbm>> -> memref<128xi32, #tpu.memory_space<hbm>>
      tpu.enqueue_dma source(%dma_start3A_28 : memref<128xi32, #tpu.memory_space<hbm>>) target(%arg6 : memref<128xi32, #tpu.memory_space<vmem>>) target_semaphore(%arg23 : memref<!tpu.dma_semaphore, #tpu.memory_space<semaphore_mem>>)
      %dma_start3A_29 = tpu.memref_slice %arg3[%add3A_27] : memref<327680xi32, #tpu.memory_space<hbm>> -> memref<128xi32, #tpu.memory_space<hbm>>
      %dma_start3A_30 = tpu.memref_slice %arg3[%add3A_27] : memref<327680xi32, #tpu.memory_space<hbm>> -> memref<128xi32, #tpu.memory_space<hbm>>
      tpu.enqueue_dma source(%dma_start3A_30 : memref<128xi32, #tpu.memory_space<hbm>>) target(%arg11 : memref<128xi32, #tpu.memory_space<vmem>>) target_semaphore(%arg23 : memref<!tpu.dma_semaphore, #tpu.memory_space<semaphore_mem>>)
      %add3A_31 = arith.constant 128 : i32
      %add3A_32 = arith.addi %add3A, %add3A_31 : i32
      %dma_start3A_33 = tpu.memref_slice %arg2[%add3A_32] : memref<327680xi32, #tpu.memory_space<hbm>> -> memref<128xi32, #tpu.memory_space<hbm>>
      %dma_start3A_34 = tpu.memref_slice %arg2[%add3A_32] : memref<327680xi32, #tpu.memory_space<hbm>> -> memref<128xi32, #tpu.memory_space<hbm>>
      tpu.enqueue_dma source(%dma_start3A_34 : memref<128xi32, #tpu.memory_space<hbm>>) target(%arg7 : memref<128xi32, #tpu.memory_space<vmem>>) target_semaphore(%arg24 : memref<!tpu.dma_semaphore, #tpu.memory_space<semaphore_mem>>)
      %dma_start3A_35 = tpu.memref_slice %arg3[%add3A_32] : memref<327680xi32, #tpu.memory_space<hbm>> -> memref<128xi32, #tpu.memory_space<hbm>>
      %dma_start3A_36 = tpu.memref_slice %arg3[%add3A_32] : memref<327680xi32, #tpu.memory_space<hbm>> -> memref<128xi32, #tpu.memory_space<hbm>>
      tpu.enqueue_dma source(%dma_start3A_36 : memref<128xi32, #tpu.memory_space<hbm>>) target(%arg12 : memref<128xi32, #tpu.memory_space<vmem>>) target_semaphore(%arg24 : memref<!tpu.dma_semaphore, #tpu.memory_space<semaphore_mem>>)
      %add3A_37 = arith.constant 256 : i32
      %add3A_38 = arith.addi %add3A, %add3A_37 : i32
      %dma_start3A_39 = tpu.memref_slice %arg2[%add3A_38] : memref<327680xi32, #tpu.memory_space<hbm>> -> memref<128xi32, #tpu.memory_space<hbm>>
      %dma_start3A_40 = tpu.memref_slice %arg2[%add3A_38] : memref<327680xi32, #tpu.memory_space<hbm>> -> memref<128xi32, #tpu.memory_space<hbm>>
      tpu.enqueue_dma source(%dma_start3A_40 : memref<128xi32, #tpu.memory_space<hbm>>) target(%arg8 : memref<128xi32, #tpu.memory_space<vmem>>) target_semaphore(%arg25 : memref<!tpu.dma_semaphore, #tpu.memory_space<semaphore_mem>>)
      %dma_start3A_41 = tpu.memref_slice %arg3[%add3A_38] : memref<327680xi32, #tpu.memory_space<hbm>> -> memref<128xi32, #tpu.memory_space<hbm>>
      %dma_start3A_42 = tpu.memref_slice %arg3[%add3A_38] : memref<327680xi32, #tpu.memory_space<hbm>> -> memref<128xi32, #tpu.memory_space<hbm>>
      tpu.enqueue_dma source(%dma_start3A_42 : memref<128xi32, #tpu.memory_space<hbm>>) target(%arg13 : memref<128xi32, #tpu.memory_space<vmem>>) target_semaphore(%arg25 : memref<!tpu.dma_semaphore, #tpu.memory_space<semaphore_mem>>)
      %add3A_43 = arith.constant 384 : i32
      %add3A_44 = arith.addi %add3A, %add3A_43 : i32
      %dma_start3A_45 = tpu.memref_slice %arg2[%add3A_44] : memref<327680xi32, #tpu.memory_space<hbm>> -> memref<128xi32, #tpu.memory_space<hbm>>
      %dma_start3A_46 = tpu.memref_slice %arg2[%add3A_44] : memref<327680xi32, #tpu.memory_space<hbm>> -> memref<128xi32, #tpu.memory_space<hbm>>
      tpu.enqueue_dma source(%dma_start3A_46 : memref<128xi32, #tpu.memory_space<hbm>>) target(%arg9 : memref<128xi32, #tpu.memory_space<vmem>>) target_semaphore(%arg26 : memref<!tpu.dma_semaphore, #tpu.memory_space<semaphore_mem>>)
      %dma_start3A_47 = tpu.memref_slice %arg3[%add3A_44] : memref<327680xi32, #tpu.memory_space<hbm>> -> memref<128xi32, #tpu.memory_space<hbm>>
      %dma_start3A_48 = tpu.memref_slice %arg3[%add3A_44] : memref<327680xi32, #tpu.memory_space<hbm>> -> memref<128xi32, #tpu.memory_space<hbm>>
      tpu.enqueue_dma source(%dma_start3A_48 : memref<128xi32, #tpu.memory_space<hbm>>) target(%arg14 : memref<128xi32, #tpu.memory_space<vmem>>) target_semaphore(%arg26 : memref<!tpu.dma_semaphore, #tpu.memory_space<semaphore_mem>>)
      %add3A_49 = arith.constant 512 : i32
      %add3A_50 = arith.addi %add3A, %add3A_49 : i32
      %dma_start3A_51 = tpu.memref_slice %arg2[%add3A_50] : memref<327680xi32, #tpu.memory_space<hbm>> -> memref<128xi32, #tpu.memory_space<hbm>>
      %dma_start3A_52 = tpu.memref_slice %arg2[%add3A_50] : memref<327680xi32, #tpu.memory_space<hbm>> -> memref<128xi32, #tpu.memory_space<hbm>>
      tpu.enqueue_dma source(%dma_start3A_52 : memref<128xi32, #tpu.memory_space<hbm>>) target(%arg10 : memref<128xi32, #tpu.memory_space<vmem>>) target_semaphore(%arg27 : memref<!tpu.dma_semaphore, #tpu.memory_space<semaphore_mem>>)
      %dma_start3A_53 = tpu.memref_slice %arg3[%add3A_50] : memref<327680xi32, #tpu.memory_space<hbm>> -> memref<128xi32, #tpu.memory_space<hbm>>
      %dma_start3A_54 = tpu.memref_slice %arg3[%add3A_50] : memref<327680xi32, #tpu.memory_space<hbm>> -> memref<128xi32, #tpu.memory_space<hbm>>
      tpu.enqueue_dma source(%dma_start3A_54 : memref<128xi32, #tpu.memory_space<hbm>>) target(%arg15 : memref<128xi32, #tpu.memory_space<vmem>>) target_semaphore(%arg27 : memref<!tpu.dma_semaphore, #tpu.memory_space<semaphore_mem>>)
      %dma_wait3A = tpu.memref_slice %arg2[%add3A_27] : memref<327680xi32, #tpu.memory_space<hbm>> -> memref<128xi32, #tpu.memory_space<hbm>>
      %dma_wait3A_55 = tpu.memref_slice %arg2[%add3A_27] : memref<327680xi32, #tpu.memory_space<hbm>> -> memref<128xi32, #tpu.memory_space<hbm>>
      tpu.wait_dma2 semaphore(%arg23 : memref<!tpu.dma_semaphore, #tpu.memory_space<semaphore_mem>>) src(%dma_wait3A_55 : memref<128xi32, #tpu.memory_space<hbm>>) dst(%arg6 : memref<128xi32, #tpu.memory_space<vmem>>)
      %dma_wait3A_56 = tpu.memref_slice %arg3[%add3A_27] : memref<327680xi32, #tpu.memory_space<hbm>> -> memref<128xi32, #tpu.memory_space<hbm>>
      %dma_wait3A_57 = tpu.memref_slice %arg3[%add3A_27] : memref<327680xi32, #tpu.memory_space<hbm>> -> memref<128xi32, #tpu.memory_space<hbm>>
      tpu.wait_dma2 semaphore(%arg23 : memref<!tpu.dma_semaphore, #tpu.memory_space<semaphore_mem>>) src(%dma_wait3A_57 : memref<128xi32, #tpu.memory_space<hbm>>) dst(%arg11 : memref<128xi32, #tpu.memory_space<vmem>>)
      %dma_start3A_58 = arith.constant 0 : i32
      %dma_start3A_59 = arith.constant 0 : i32
      %dma_start3A_60 = tpu.memref_slice %arg4[%arg0, %dma_start3A_58, %dma_start3A_59] : memref<2x10000x64xf32, #tpu.memory_space<hbm>> -> memref<1x10000x64xf32, #tpu.memory_space<hbm>>
      %dma_start3A_61 = tpu.memref_squeeze %dma_start3A_60 : memref<1x10000x64xf32, #tpu.memory_space<hbm>> -> memref<10000x64xf32, #tpu.memory_space<hbm>>
      %dma_start3A_62 = arith.constant 0 : i32
      %dma_start3A_63 = arith.constant 0 : i32
      %dma_start3A_64 = tpu.memref_slice %dma_start3A_61[%dma_start3A_62, %dma_start3A_63] : memref<10000x64xf32, #tpu.memory_space<hbm>> -> memref<10000x64xf32, #tpu.memory_space<hbm>>
      tpu.enqueue_indirect_dma source(%dma_start3A_64 : memref<10000x64xf32, #tpu.memory_space<hbm>>) target(%arg16 : memref<128x64xf32, #tpu.memory_space<vmem>>) offsets(%arg6 : memref<128xi32, #tpu.memory_space<vmem>>) semaphore(%arg28 : memref<!tpu.dma_semaphore, #tpu.memory_space<semaphore_mem>>)
      %dma_wait3A_65 = tpu.memref_slice %arg2[%add3A_32] : memref<327680xi32, #tpu.memory_space<hbm>> -> memref<128xi32, #tpu.memory_space<hbm>>
      %dma_wait3A_66 = tpu.memref_slice %arg2[%add3A_32] : memref<327680xi32, #tpu.memory_space<hbm>> -> memref<128xi32, #tpu.memory_space<hbm>>
      tpu.wait_dma2 semaphore(%arg24 : memref<!tpu.dma_semaphore, #tpu.memory_space<semaphore_mem>>) src(%dma_wait3A_66 : memref<128xi32, #tpu.memory_space<hbm>>) dst(%arg7 : memref<128xi32, #tpu.memory_space<vmem>>)
      %dma_wait3A_67 = tpu.memref_slice %arg3[%add3A_32] : memref<327680xi32, #tpu.memory_space<hbm>> -> memref<128xi32, #tpu.memory_space<hbm>>
      %dma_wait3A_68 = tpu.memref_slice %arg3[%add3A_32] : memref<327680xi32, #tpu.memory_space<hbm>> -> memref<128xi32, #tpu.memory_space<hbm>>
      tpu.wait_dma2 semaphore(%arg24 : memref<!tpu.dma_semaphore, #tpu.memory_space<semaphore_mem>>) src(%dma_wait3A_68 : memref<128xi32, #tpu.memory_space<hbm>>) dst(%arg12 : memref<128xi32, #tpu.memory_space<vmem>>)
      %dma_start3A_69 = arith.constant 0 : i32
      %dma_start3A_70 = arith.constant 0 : i32
      %dma_start3A_71 = tpu.memref_slice %arg4[%arg0, %dma_start3A_69, %dma_start3A_70] : memref<2x10000x64xf32, #tpu.memory_space<hbm>> -> memref<1x10000x64xf32, #tpu.memory_space<hbm>>
      %dma_start3A_72 = tpu.memref_squeeze %dma_start3A_71 : memref<1x10000x64xf32, #tpu.memory_space<hbm>> -> memref<10000x64xf32, #tpu.memory_space<hbm>>
      %dma_start3A_73 = arith.constant 0 : i32
      %dma_start3A_74 = arith.constant 0 : i32
      %dma_start3A_75 = tpu.memref_slice %dma_start3A_72[%dma_start3A_73, %dma_start3A_74] : memref<10000x64xf32, #tpu.memory_space<hbm>> -> memref<10000x64xf32, #tpu.memory_space<hbm>>
      tpu.enqueue_indirect_dma source(%dma_start3A_75 : memref<10000x64xf32, #tpu.memory_space<hbm>>) target(%arg17 : memref<128x64xf32, #tpu.memory_space<vmem>>) offsets(%arg7 : memref<128xi32, #tpu.memory_space<vmem>>) semaphore(%arg29 : memref<!tpu.dma_semaphore, #tpu.memory_space<semaphore_mem>>)
      %dma_wait3A_76 = tpu.memref_slice %arg2[%add3A_38] : memref<327680xi32, #tpu.memory_space<hbm>> -> memref<128xi32, #tpu.memory_space<hbm>>
      %dma_wait3A_77 = tpu.memref_slice %arg2[%add3A_38] : memref<327680xi32, #tpu.memory_space<hbm>> -> memref<128xi32, #tpu.memory_space<hbm>>
      tpu.wait_dma2 semaphore(%arg25 : memref<!tpu.dma_semaphore, #tpu.memory_space<semaphore_mem>>) src(%dma_wait3A_77 : memref<128xi32, #tpu.memory_space<hbm>>) dst(%arg8 : memref<128xi32, #tpu.memory_space<vmem>>)
      %dma_wait3A_78 = tpu.memref_slice %arg3[%add3A_38] : memref<327680xi32, #tpu.memory_space<hbm>> -> memref<128xi32, #tpu.memory_space<hbm>>
      %dma_wait3A_79 = tpu.memref_slice %arg3[%add3A_38] : memref<327680xi32, #tpu.memory_space<hbm>> -> memref<128xi32, #tpu.memory_space<hbm>>
      tpu.wait_dma2 semaphore(%arg25 : memref<!tpu.dma_semaphore, #tpu.memory_space<semaphore_mem>>) src(%dma_wait3A_79 : memref<128xi32, #tpu.memory_space<hbm>>) dst(%arg13 : memref<128xi32, #tpu.memory_space<vmem>>)
      %dma_start3A_80 = arith.constant 0 : i32
      %dma_start3A_81 = arith.constant 0 : i32
      %dma_start3A_82 = tpu.memref_slice %arg4[%arg0, %dma_start3A_80, %dma_start3A_81] : memref<2x10000x64xf32, #tpu.memory_space<hbm>> -> memref<1x10000x64xf32, #tpu.memory_space<hbm>>
      %dma_start3A_83 = tpu.memref_squeeze %dma_start3A_82 : memref<1x10000x64xf32, #tpu.memory_space<hbm>> -> memref<10000x64xf32, #tpu.memory_space<hbm>>
      %dma_start3A_84 = arith.constant 0 : i32
      %dma_start3A_85 = arith.constant 0 : i32
      %dma_start3A_86 = tpu.memref_slice %dma_start3A_83[%dma_start3A_84, %dma_start3A_85] : memref<10000x64xf32, #tpu.memory_space<hbm>> -> memref<10000x64xf32, #tpu.memory_space<hbm>>
      tpu.enqueue_indirect_dma source(%dma_start3A_86 : memref<10000x64xf32, #tpu.memory_space<hbm>>) target(%arg18 : memref<128x64xf32, #tpu.memory_space<vmem>>) offsets(%arg8 : memref<128xi32, #tpu.memory_space<vmem>>) semaphore(%arg30 : memref<!tpu.dma_semaphore, #tpu.memory_space<semaphore_mem>>)
      %dma_wait3A_87 = tpu.memref_slice %arg2[%add3A_44] : memref<327680xi32, #tpu.memory_space<hbm>> -> memref<128xi32, #tpu.memory_space<hbm>>
      %dma_wait3A_88 = tpu.memref_slice %arg2[%add3A_44] : memref<327680xi32, #tpu.memory_space<hbm>> -> memref<128xi32, #tpu.memory_space<hbm>>
      tpu.wait_dma2 semaphore(%arg26 : memref<!tpu.dma_semaphore, #tpu.memory_space<semaphore_mem>>) src(%dma_wait3A_88 : memref<128xi32, #tpu.memory_space<hbm>>) dst(%arg9 : memref<128xi32, #tpu.memory_space<vmem>>)
      %dma_wait3A_89 = tpu.memref_slice %arg3[%add3A_44] : memref<327680xi32, #tpu.memory_space<hbm>> -> memref<128xi32, #tpu.memory_space<hbm>>
      %dma_wait3A_90 = tpu.memref_slice %arg3[%add3A_44] : memref<327680xi32, #tpu.memory_space<hbm>> -> memref<128xi32, #tpu.memory_space<hbm>>
      tpu.wait_dma2 semaphore(%arg26 : memref<!tpu.dma_semaphore, #tpu.memory_space<semaphore_mem>>) src(%dma_wait3A_90 : memref<128xi32, #tpu.memory_space<hbm>>) dst(%arg14 : memref<128xi32, #tpu.memory_space<vmem>>)
      %dma_start3A_91 = arith.constant 0 : i32
      %dma_start3A_92 = arith.constant 0 : i32
      %dma_start3A_93 = tpu.memref_slice %arg4[%arg0, %dma_start3A_91, %dma_start3A_92] : memref<2x10000x64xf32, #tpu.memory_space<hbm>> -> memref<1x10000x64xf32, #tpu.memory_space<hbm>>
      %dma_start3A_94 = tpu.memref_squeeze %dma_start3A_93 : memref<1x10000x64xf32, #tpu.memory_space<hbm>> -> memref<10000x64xf32, #tpu.memory_space<hbm>>
      %dma_start3A_95 = arith.constant 0 : i32
      %dma_start3A_96 = arith.constant 0 : i32
      %dma_start3A_97 = tpu.memref_slice %dma_start3A_94[%dma_start3A_95, %dma_start3A_96] : memref<10000x64xf32, #tpu.memory_space<hbm>> -> memref<10000x64xf32, #tpu.memory_space<hbm>>
      tpu.enqueue_indirect_dma source(%dma_start3A_97 : memref<10000x64xf32, #tpu.memory_space<hbm>>) target(%arg19 : memref<128x64xf32, #tpu.memory_space<vmem>>) offsets(%arg9 : memref<128xi32, #tpu.memory_space<vmem>>) semaphore(%arg31 : memref<!tpu.dma_semaphore, #tpu.memory_space<semaphore_mem>>)
      %dma_wait3A_98 = tpu.memref_slice %arg2[%add3A_50] : memref<327680xi32, #tpu.memory_space<hbm>> -> memref<128xi32, #tpu.memory_space<hbm>>
      %dma_wait3A_99 = tpu.memref_slice %arg2[%add3A_50] : memref<327680xi32, #tpu.memory_space<hbm>> -> memref<128xi32, #tpu.memory_space<hbm>>
      tpu.wait_dma2 semaphore(%arg27 : memref<!tpu.dma_semaphore, #tpu.memory_space<semaphore_mem>>) src(%dma_wait3A_99 : memref<128xi32, #tpu.memory_space<hbm>>) dst(%arg10 : memref<128xi32, #tpu.memory_space<vmem>>)
      %dma_wait3A_100 = tpu.memref_slice %arg3[%add3A_50] : memref<327680xi32, #tpu.memory_space<hbm>> -> memref<128xi32, #tpu.memory_space<hbm>>
      %dma_wait3A_101 = tpu.memref_slice %arg3[%add3A_50] : memref<327680xi32, #tpu.memory_space<hbm>> -> memref<128xi32, #tpu.memory_space<hbm>>
      tpu.wait_dma2 semaphore(%arg27 : memref<!tpu.dma_semaphore, #tpu.memory_space<semaphore_mem>>) src(%dma_wait3A_101 : memref<128xi32, #tpu.memory_space<hbm>>) dst(%arg15 : memref<128xi32, #tpu.memory_space<vmem>>)
      %dma_start3A_102 = arith.constant 0 : i32
      %dma_start3A_103 = arith.constant 0 : i32
      %dma_start3A_104 = tpu.memref_slice %arg4[%arg0, %dma_start3A_102, %dma_start3A_103] : memref<2x10000x64xf32, #tpu.memory_space<hbm>> -> memref<1x10000x64xf32, #tpu.memory_space<hbm>>
      %dma_start3A_105 = tpu.memref_squeeze %dma_start3A_104 : memref<1x10000x64xf32, #tpu.memory_space<hbm>> -> memref<10000x64xf32, #tpu.memory_space<hbm>>
      %dma_start3A_106 = arith.constant 0 : i32
      %dma_start3A_107 = arith.constant 0 : i32
      %dma_start3A_108 = tpu.memref_slice %dma_start3A_105[%dma_start3A_106, %dma_start3A_107] : memref<10000x64xf32, #tpu.memory_space<hbm>> -> memref<10000x64xf32, #tpu.memory_space<hbm>>
      tpu.enqueue_indirect_dma source(%dma_start3A_108 : memref<10000x64xf32, #tpu.memory_space<hbm>>) target(%arg20 : memref<128x64xf32, #tpu.memory_space<vmem>>) offsets(%arg10 : memref<128xi32, #tpu.memory_space<vmem>>) semaphore(%arg32 : memref<!tpu.dma_semaphore, #tpu.memory_space<semaphore_mem>>)
      %dma_wait3A_109 = arith.constant 0 : i32
      %dma_wait3A_110 = arith.constant 0 : i32
      %dma_wait3A_111 = tpu.memref_slice %arg4[%arg0, %dma_wait3A_109, %dma_wait3A_110] : memref<2x10000x64xf32, #tpu.memory_space<hbm>> -> memref<1x10000x64xf32, #tpu.memory_space<hbm>>
      %dma_wait3A_112 = tpu.memref_squeeze %dma_wait3A_111 : memref<1x10000x64xf32, #tpu.memory_space<hbm>> -> memref<10000x64xf32, #tpu.memory_space<hbm>>
      %dma_wait3A_113 = arith.constant 0 : i32
      %dma_wait3A_114 = arith.constant 0 : i32
      %dma_wait3A_115 = tpu.memref_slice %dma_wait3A_112[%dma_wait3A_113, %dma_wait3A_114] : memref<10000x64xf32, #tpu.memory_space<hbm>> -> memref<10000x64xf32, #tpu.memory_space<hbm>>
      tpu.wait_indirect_dma semaphore(%arg28 : memref<!tpu.dma_semaphore, #tpu.memory_space<semaphore_mem>>) src(%dma_wait3A_115 : memref<10000x64xf32, #tpu.memory_space<hbm>>) dst(%arg16 : memref<128x64xf32, #tpu.memory_space<vmem>>)
      %dma_start3A_116 = arith.constant 0 : i32
      %dma_start3A_117 = arith.constant 0 : i32
      %dma_start3A_118 = tpu.memref_slice %arg22[%dma_start3A_116, %dma_start3A_117] : memref<10000x64xf32, #tpu.memory_space<vmem_shared>> -> memref<10000x64xf32, #tpu.memory_space<vmem_shared>>
      tpu.enqueue_indirect_dma source(%arg16 : memref<128x64xf32, #tpu.memory_space<vmem>>) target(%dma_start3A_118 : memref<10000x64xf32, #tpu.memory_space<vmem_shared>>) offsets(%arg11 : memref<128xi32, #tpu.memory_space<vmem>>) semaphore(%arg33 : memref<!tpu.dma_semaphore, #tpu.memory_space<semaphore_mem>>) {add = true}
      %dma_wait3A_119 = arith.constant 0 : i32
      %dma_wait3A_120 = arith.constant 0 : i32
      %dma_wait3A_121 = tpu.memref_slice %arg4[%arg0, %dma_wait3A_119, %dma_wait3A_120] : memref<2x10000x64xf32, #tpu.memory_space<hbm>> -> memref<1x10000x64xf32, #tpu.memory_space<hbm>>
      %dma_wait3A_122 = tpu.memref_squeeze %dma_wait3A_121 : memref<1x10000x64xf32, #tpu.memory_space<hbm>> -> memref<10000x64xf32, #tpu.memory_space<hbm>>
      %dma_wait3A_123 = arith.constant 0 : i32
      %dma_wait3A_124 = arith.constant 0 : i32
      %dma_wait3A_125 = tpu.memref_slice %dma_wait3A_122[%dma_wait3A_123, %dma_wait3A_124] : memref<10000x64xf32, #tpu.memory_space<hbm>> -> memref<10000x64xf32, #tpu.memory_space<hbm>>
      tpu.wait_indirect_dma semaphore(%arg29 : memref<!tpu.dma_semaphore, #tpu.memory_space<semaphore_mem>>) src(%dma_wait3A_125 : memref<10000x64xf32, #tpu.memory_space<hbm>>) dst(%arg17 : memref<128x64xf32, #tpu.memory_space<vmem>>)
      %dma_start3A_126 = arith.constant 0 : i32
      %dma_start3A_127 = arith.constant 0 : i32
      %dma_start3A_128 = tpu.memref_slice %arg22[%dma_start3A_126, %dma_start3A_127] : memref<10000x64xf32, #tpu.memory_space<vmem_shared>> -> memref<10000x64xf32, #tpu.memory_space<vmem_shared>>
      tpu.enqueue_indirect_dma source(%arg17 : memref<128x64xf32, #tpu.memory_space<vmem>>) target(%dma_start3A_128 : memref<10000x64xf32, #tpu.memory_space<vmem_shared>>) offsets(%arg12 : memref<128xi32, #tpu.memory_space<vmem>>) semaphore(%arg34 : memref<!tpu.dma_semaphore, #tpu.memory_space<semaphore_mem>>) {add = true}
      %dma_wait3A_129 = arith.constant 0 : i32
      %dma_wait3A_130 = arith.constant 0 : i32
      %dma_wait3A_131 = tpu.memref_slice %arg4[%arg0, %dma_wait3A_129, %dma_wait3A_130] : memref<2x10000x64xf32, #tpu.memory_space<hbm>> -> memref<1x10000x64xf32, #tpu.memory_space<hbm>>
      %dma_wait3A_132 = tpu.memref_squeeze %dma_wait3A_131 : memref<1x10000x64xf32, #tpu.memory_space<hbm>> -> memref<10000x64xf32, #tpu.memory_space<hbm>>
      %dma_wait3A_133 = arith.constant 0 : i32
      %dma_wait3A_134 = arith.constant 0 : i32
      %dma_wait3A_135 = tpu.memref_slice %dma_wait3A_132[%dma_wait3A_133, %dma_wait3A_134] : memref<10000x64xf32, #tpu.memory_space<hbm>> -> memref<10000x64xf32, #tpu.memory_space<hbm>>
      tpu.wait_indirect_dma semaphore(%arg30 : memref<!tpu.dma_semaphore, #tpu.memory_space<semaphore_mem>>) src(%dma_wait3A_135 : memref<10000x64xf32, #tpu.memory_space<hbm>>) dst(%arg18 : memref<128x64xf32, #tpu.memory_space<vmem>>)
      %dma_start3A_136 = arith.constant 0 : i32
      %dma_start3A_137 = arith.constant 0 : i32
      %dma_start3A_138 = tpu.memref_slice %arg22[%dma_start3A_136, %dma_start3A_137] : memref<10000x64xf32, #tpu.memory_space<vmem_shared>> -> memref<10000x64xf32, #tpu.memory_space<vmem_shared>>
      tpu.enqueue_indirect_dma source(%arg18 : memref<128x64xf32, #tpu.memory_space<vmem>>) target(%dma_start3A_138 : memref<10000x64xf32, #tpu.memory_space<vmem_shared>>) offsets(%arg13 : memref<128xi32, #tpu.memory_space<vmem>>) semaphore(%arg35 : memref<!tpu.dma_semaphore, #tpu.memory_space<semaphore_mem>>) {add = true}
      %dma_wait3A_139 = arith.constant 0 : i32
      %dma_wait3A_140 = arith.constant 0 : i32
      %dma_wait3A_141 = tpu.memref_slice %arg4[%arg0, %dma_wait3A_139, %dma_wait3A_140] : memref<2x10000x64xf32, #tpu.memory_space<hbm>> -> memref<1x10000x64xf32, #tpu.memory_space<hbm>>
      %dma_wait3A_142 = tpu.memref_squeeze %dma_wait3A_141 : memref<1x10000x64xf32, #tpu.memory_space<hbm>> -> memref<10000x64xf32, #tpu.memory_space<hbm>>
      %dma_wait3A_143 = arith.constant 0 : i32
      %dma_wait3A_144 = arith.constant 0 : i32
      %dma_wait3A_145 = tpu.memref_slice %dma_wait3A_142[%dma_wait3A_143, %dma_wait3A_144] : memref<10000x64xf32, #tpu.memory_space<hbm>> -> memref<10000x64xf32, #tpu.memory_space<hbm>>
      tpu.wait_indirect_dma semaphore(%arg31 : memref<!tpu.dma_semaphore, #tpu.memory_space<semaphore_mem>>) src(%dma_wait3A_145 : memref<10000x64xf32, #tpu.memory_space<hbm>>) dst(%arg19 : memref<128x64xf32, #tpu.memory_space<vmem>>)
      %dma_start3A_146 = arith.constant 0 : i32
      %dma_start3A_147 = arith.constant 0 : i32
      %dma_start3A_148 = tpu.memref_slice %arg22[%dma_start3A_146, %dma_start3A_147] : memref<10000x64xf32, #tpu.memory_space<vmem_shared>> -> memref<10000x64xf32, #tpu.memory_space<vmem_shared>>
      tpu.enqueue_indirect_dma source(%arg19 : memref<128x64xf32, #tpu.memory_space<vmem>>) target(%dma_start3A_148 : memref<10000x64xf32, #tpu.memory_space<vmem_shared>>) offsets(%arg14 : memref<128xi32, #tpu.memory_space<vmem>>) semaphore(%arg36 : memref<!tpu.dma_semaphore, #tpu.memory_space<semaphore_mem>>) {add = true}
      %dma_wait3A_149 = arith.constant 0 : i32
      %dma_wait3A_150 = arith.constant 0 : i32
      %dma_wait3A_151 = tpu.memref_slice %arg4[%arg0, %dma_wait3A_149, %dma_wait3A_150] : memref<2x10000x64xf32, #tpu.memory_space<hbm>> -> memref<1x10000x64xf32, #tpu.memory_space<hbm>>
      %dma_wait3A_152 = tpu.memref_squeeze %dma_wait3A_151 : memref<1x10000x64xf32, #tpu.memory_space<hbm>> -> memref<10000x64xf32, #tpu.memory_space<hbm>>
      %dma_wait3A_153 = arith.constant 0 : i32
      %dma_wait3A_154 = arith.constant 0 : i32
      %dma_wait3A_155 = tpu.memref_slice %dma_wait3A_152[%dma_wait3A_153, %dma_wait3A_154] : memref<10000x64xf32, #tpu.memory_space<hbm>> -> memref<10000x64xf32, #tpu.memory_space<hbm>>
      tpu.wait_indirect_dma semaphore(%arg32 : memref<!tpu.dma_semaphore, #tpu.memory_space<semaphore_mem>>) src(%dma_wait3A_155 : memref<10000x64xf32, #tpu.memory_space<hbm>>) dst(%arg20 : memref<128x64xf32, #tpu.memory_space<vmem>>)
      %dma_start3A_156 = arith.constant 0 : i32
      %dma_start3A_157 = arith.constant 0 : i32
      %dma_start3A_158 = tpu.memref_slice %arg22[%dma_start3A_156, %dma_start3A_157] : memref<10000x64xf32, #tpu.memory_space<vmem_shared>> -> memref<10000x64xf32, #tpu.memory_space<vmem_shared>>
      tpu.enqueue_indirect_dma source(%arg20 : memref<128x64xf32, #tpu.memory_space<vmem>>) target(%dma_start3A_158 : memref<10000x64xf32, #tpu.memory_space<vmem_shared>>) offsets(%arg15 : memref<128xi32, #tpu.memory_space<vmem>>) semaphore(%arg37 : memref<!tpu.dma_semaphore, #tpu.memory_space<semaphore_mem>>) {add = true}
      %dma_wait3A_159 = arith.constant 0 : i32
      %dma_wait3A_160 = arith.constant 0 : i32
      %dma_wait3A_161 = tpu.memref_slice %arg22[%dma_wait3A_159, %dma_wait3A_160] : memref<10000x64xf32, #tpu.memory_space<vmem_shared>> -> memref<10000x64xf32, #tpu.memory_space<vmem_shared>>
      tpu.wait_indirect_dma semaphore(%arg33 : memref<!tpu.dma_semaphore, #tpu.memory_space<semaphore_mem>>) src(%arg16 : memref<128x64xf32, #tpu.memory_space<vmem>>) dst(%dma_wait3A_161 : memref<10000x64xf32, #tpu.memory_space<vmem_shared>>)
      %dma_wait3A_162 = arith.constant 0 : i32
      %dma_wait3A_163 = arith.constant 0 : i32
      %dma_wait3A_164 = tpu.memref_slice %arg22[%dma_wait3A_162, %dma_wait3A_163] : memref<10000x64xf32, #tpu.memory_space<vmem_shared>> -> memref<10000x64xf32, #tpu.memory_space<vmem_shared>>
      tpu.wait_indirect_dma semaphore(%arg34 : memref<!tpu.dma_semaphore, #tpu.memory_space<semaphore_mem>>) src(%arg17 : memref<128x64xf32, #tpu.memory_space<vmem>>) dst(%dma_wait3A_164 : memref<10000x64xf32, #tpu.memory_space<vmem_shared>>)
      %dma_wait3A_165 = arith.constant 0 : i32
      %dma_wait3A_166 = arith.constant 0 : i32
      %dma_wait3A_167 = tpu.memref_slice %arg22[%dma_wait3A_165, %dma_wait3A_166] : memref<10000x64xf32, #tpu.memory_space<vmem_shared>> -> memref<10000x64xf32, #tpu.memory_space<vmem_shared>>
      tpu.wait_indirect_dma semaphore(%arg35 : memref<!tpu.dma_semaphore, #tpu.memory_space<semaphore_mem>>) src(%arg18 : memref<128x64xf32, #tpu.memory_space<vmem>>) dst(%dma_wait3A_167 : memref<10000x64xf32, #tpu.memory_space<vmem_shared>>)
      %dma_wait3A_168 = arith.constant 0 : i32
      %dma_wait3A_169 = arith.constant 0 : i32
      %dma_wait3A_170 = tpu.memref_slice %arg22[%dma_wait3A_168, %dma_wait3A_169] : memref<10000x64xf32, #tpu.memory_space<vmem_shared>> -> memref<10000x64xf32, #tpu.memory_space<vmem_shared>>
      tpu.wait_indirect_dma semaphore(%arg36 : memref<!tpu.dma_semaphore, #tpu.memory_space<semaphore_mem>>) src(%arg19 : memref<128x64xf32, #tpu.memory_space<vmem>>) dst(%dma_wait3A_170 : memref<10000x64xf32, #tpu.memory_space<vmem_shared>>)
      %dma_wait3A_171 = arith.constant 0 : i32
      %dma_wait3A_172 = arith.constant 0 : i32
      %dma_wait3A_173 = tpu.memref_slice %arg22[%dma_wait3A_171, %dma_wait3A_172] : memref<10000x64xf32, #tpu.memory_space<vmem_shared>> -> memref<10000x64xf32, #tpu.memory_space<vmem_shared>>
      tpu.wait_indirect_dma semaphore(%arg37 : memref<!tpu.dma_semaphore, #tpu.memory_space<semaphore_mem>>) src(%arg20 : memref<128x64xf32, #tpu.memory_space<vmem>>) dst(%dma_wait3A_173 : memref<10000x64xf32, #tpu.memory_space<vmem_shared>>)
    }
    %scan3A_14 = arith.constant 32 : i32
    %barrier3A_15 = arith.constant 0 : index
    tpu.barrier barrier_id(%barrier3A_15)
    "tpu.region"() ({
      %run_scoped3A = tpu.sem_alloc : memref<!tpu.dma_semaphore, #tpu.memory_space<semaphore_mem>>
      %dma_start3A = arith.constant 0 : i32
      %dma_start3A_21 = tpu.memref_slice %arg5[%arg0, %mul3A_5, %dma_start3A] : memref<2x10000x64xf32, #tpu.memory_space<hbm>> -> memref<1x624x64xf32, #tpu.memory_space<hbm>>
      %dma_start3A_22 = tpu.memref_squeeze %dma_start3A_21 : memref<1x624x64xf32, #tpu.memory_space<hbm>> -> memref<624x64xf32, #tpu.memory_space<hbm>>
      %dma_start3A_23 = arith.constant 0 : i32
      %dma_start3A_24 = tpu.memref_slice %arg22[%mul3A_5, %dma_start3A_23] : memref<10000x64xf32, #tpu.memory_space<vmem_shared>> -> memref<624x64xf32, #tpu.memory_space<vmem_shared>>
      tpu.enqueue_dma source(%dma_start3A_24 : memref<624x64xf32, #tpu.memory_space<vmem_shared>>) target(%dma_start3A_22 : memref<624x64xf32, #tpu.memory_space<hbm>>) target_semaphore(%run_scoped3A : memref<!tpu.dma_semaphore, #tpu.memory_space<semaphore_mem>>)
      %dma_wait3A = arith.constant 0 : i32
      %dma_wait3A_25 = tpu.memref_slice %arg5[%arg0, %mul3A_5, %dma_wait3A] : memref<2x10000x64xf32, #tpu.memory_space<hbm>> -> memref<1x624x64xf32, #tpu.memory_space<hbm>>
      %dma_wait3A_26 = tpu.memref_squeeze %dma_wait3A_25 : memref<1x624x64xf32, #tpu.memory_space<hbm>> -> memref<624x64xf32, #tpu.memory_space<hbm>>
      %dma_wait3A_27 = arith.constant 0 : i32
      %dma_wait3A_28 = tpu.memref_slice %arg22[%mul3A_5, %dma_wait3A_27] : memref<10000x64xf32, #tpu.memory_space<vmem_shared>> -> memref<624x64xf32, #tpu.memory_space<vmem_shared>>
      tpu.wait_dma2 semaphore(%run_scoped3A : memref<!tpu.dma_semaphore, #tpu.memory_space<semaphore_mem>>) src(%dma_wait3A_28 : memref<624x64xf32, #tpu.memory_space<vmem_shared>>) dst(%dma_wait3A_26 : memref<624x64xf32, #tpu.memory_space<hbm>>)
      tpu.yield
    }) : () -> ()
    %eq3A_16 = arith.constant 15 : i32
    %eq3A_17 = arith.cmpi eq, %arg1, %eq3A_16 : i32
    %convert_element_type3A_18 = arith.extui %eq3A_17 : i1 to i32
    %cond3A_19 = arith.constant 0 : i32
    %cond3A_20 = arith.cmpi ne, %convert_element_type3A_18, %cond3A_19 : i32
    scf.if %cond3A_20 {
      "tpu.region"() ({
        %run_scoped3A = tpu.sem_alloc : memref<!tpu.dma_semaphore, #tpu.memory_space<semaphore_mem>>
        %dma_start3A = arith.constant 9984 : i32
        %dma_start3A_21 = arith.constant 0 : i32
        %dma_start3A_22 = tpu.memref_slice %arg5[%arg0, %dma_start3A, %dma_start3A_21] : memref<2x10000x64xf32, #tpu.memory_space<hbm>> -> memref<1x16x64xf32, #tpu.memory_space<hbm>>
        %dma_start3A_23 = tpu.memref_squeeze %dma_start3A_22 : memref<1x16x64xf32, #tpu.memory_space<hbm>> -> memref<16x64xf32, #tpu.memory_space<hbm>>
        %dma_start3A_24 = arith.constant 9984 : i32
        %dma_start3A_25 = arith.constant 0 : i32
        %dma_start3A_26 = tpu.memref_slice %arg22[%dma_start3A_24, %dma_start3A_25] : memref<10000x64xf32, #tpu.memory_space<vmem_shared>> -> memref<16x64xf32, #tpu.memory_space<vmem_shared>>
        tpu.enqueue_dma source(%dma_start3A_26 : memref<16x64xf32, #tpu.memory_space<vmem_shared>>) target(%dma_start3A_23 : memref<16x64xf32, #tpu.memory_space<hbm>>) target_semaphore(%run_scoped3A : memref<!tpu.dma_semaphore, #tpu.memory_space<semaphore_mem>>)
        %dma_wait3A = arith.constant 9984 : i32
        %dma_wait3A_27 = arith.constant 0 : i32
        %dma_wait3A_28 = tpu.memref_slice %arg5[%arg0, %dma_wait3A, %dma_wait3A_27] : memref<2x10000x64xf32, #tpu.memory_space<hbm>> -> memref<1x16x64xf32, #tpu.memory_space<hbm>>
        %dma_wait3A_29 = tpu.memref_squeeze %dma_wait3A_28 : memref<1x16x64xf32, #tpu.memory_space<hbm>> -> memref<16x64xf32, #tpu.memory_space<hbm>>
        %dma_wait3A_30 = arith.constant 9984 : i32
        %dma_wait3A_31 = arith.constant 0 : i32
        %dma_wait3A_32 = tpu.memref_slice %arg22[%dma_wait3A_30, %dma_wait3A_31] : memref<10000x64xf32, #tpu.memory_space<vmem_shared>> -> memref<16x64xf32, #tpu.memory_space<vmem_shared>>
        tpu.wait_dma2 semaphore(%run_scoped3A : memref<!tpu.dma_semaphore, #tpu.memory_space<semaphore_mem>>) src(%dma_wait3A_32 : memref<16x64xf32, #tpu.memory_space<vmem_shared>>) dst(%dma_wait3A_29 : memref<16x64xf32, #tpu.memory_space<hbm>>)
        tpu.yield
      }) : () -> ()
    } else {
    }
    return
  }
}

#map = affine_map<(d0, d1) -> (0)>
#map1 = affine_map<(d0, d1) -> (0, 0, 0)>
module attributes {stable_mosaic.version = 14 : i64} {
  func.func @k(%arg0: i32, %arg1: i32, %arg2: memref<327680xi32, #tpu.memory_space<hbm>>, %arg3: memref<327680xi32, #tpu.memory_space<hbm>>, %arg4: memref<2x10000x64xf32, #tpu.memory_space<hbm>>, %arg5: memref<2x10000x64xf32, #tpu.memory_space<hbm>>, %arg6: memref<128xi32, #tpu.memory_space<vmem>>, %arg7: memref<128xi32, #tpu.memory_space<vmem>>, %arg8: memref<128xi32, #tpu.memory_space<vmem>>, %arg9: memref<128xi32, #tpu.memory_space<vmem>>, %arg10: memref<128xi32, #tpu.memory_space<vmem>>, %arg11: memref<128xi32, #tpu.memory_space<vmem>>, %arg12: memref<128xi32, #tpu.memory_space<vmem>>, %arg13: memref<128xi32, #tpu.memory_space<vmem>>, %arg14: memref<128xi32, #tpu.memory_space<vmem>>, %arg15: memref<128xi32, #tpu.memory_space<vmem>>, %arg16: memref<128x64xf32, #tpu.memory_space<vmem>>, %arg17: memref<128x64xf32, #tpu.memory_space<vmem>>, %arg18: memref<128x64xf32, #tpu.memory_space<vmem>>, %arg19: memref<128x64xf32, #tpu.memory_space<vmem>>, %arg20: memref<128x64xf32, #tpu.memory_space<vmem>>, %arg21: memref<624x64xf32, #tpu.memory_space<vmem>>, %arg22: memref<10000x64xf32, #tpu.memory_space<vmem_shared>>, %arg23: memref<!tpu.dma_semaphore, #tpu.memory_space<semaphore_mem>>, %arg24: memref<!tpu.dma_semaphore, #tpu.memory_space<semaphore_mem>>, %arg25: memref<!tpu.dma_semaphore, #tpu.memory_space<semaphore_mem>>, %arg26: memref<!tpu.dma_semaphore, #tpu.memory_space<semaphore_mem>>, %arg27: memref<!tpu.dma_semaphore, #tpu.memory_space<semaphore_mem>>, %arg28: memref<!tpu.dma_semaphore, #tpu.memory_space<semaphore_mem>>, %arg29: memref<!tpu.dma_semaphore, #tpu.memory_space<semaphore_mem>>, %arg30: memref<!tpu.dma_semaphore, #tpu.memory_space<semaphore_mem>>, %arg31: memref<!tpu.dma_semaphore, #tpu.memory_space<semaphore_mem>>, %arg32: memref<!tpu.dma_semaphore, #tpu.memory_space<semaphore_mem>>, %arg33: memref<!tpu.dma_semaphore, #tpu.memory_space<semaphore_mem>>, %arg34: memref<!tpu.dma_semaphore, #tpu.memory_space<semaphore_mem>>, %arg35: memref<!tpu.dma_semaphore, #tpu.memory_space<semaphore_mem>>, %arg36: memref<!tpu.dma_semaphore, #tpu.memory_space<semaphore_mem>>, %arg37: memref<!tpu.dma_semaphore, #tpu.memory_space<semaphore_mem>>) attributes {dimension_semantics = [#tpu.dimension_semantics<core_parallel>, #tpu.dimension_semantics<subcore_parallel>], iteration_bounds = array<i64: 2, 16>, scalar_prefetch = 0 : i64, scratch_operands = 32 : i64, tpu.core_type = #tpu.core_type<sc_vector_subcore>, window_params = [{transform_indices = #map}, {transform_indices = #map}, {transform_indices = #map1}, {transform_indices = #map1}]} {
    %broadcast_in_dim3A = arith.constant 0.000000e+00 : f32
    %broadcast_in_dim3A_0 = vector.broadcast %broadcast_in_dim3A : f32 to vector<16xf32>
    %scan3A = arith.constant 0 : i32
    %scan3A_1 = arith.constant 624 : i32
    %scan3A_2 = arith.addi %scan3A, %scan3A_1 : i32
    %scan3A_3 = arith.constant 1 : i32
    scf.for %scan3A_21 = %scan3A to %scan3A_2 step %scan3A_3  : i32 {
      %swap3A = arith.index_cast %scan3A_21 : i32 to index
      %swap3A_22 = arith.constant 0 : index
      %swap3A_23 = tpu.vector_load %arg21[%swap3A, %swap3A_22] {strides = array<i32>} : memref<624x64xf32, #tpu.memory_space<vmem>>, vector<1x16xf32>,
      %swap3A_24 = vector.shape_cast %swap3A_23 : vector<1x16xf32> to vector<16xf32>
      %swap3A_25 = vector.shape_cast %broadcast_in_dim3A_0 : vector<16xf32> to vector<1x16xf32>
      tpu.vector_store %arg21[%swap3A, %swap3A_22], %swap3A_25 {strides = array<i32>} : memref<624x64xf32, #tpu.memory_space<vmem>>, vector<1x16xf32>,
      %swap3A_26 = arith.index_cast %scan3A_21 : i32 to index
      %swap3A_27 = arith.constant 16 : index
      %swap3A_28 = tpu.vector_load %arg21[%swap3A_26, %swap3A_27] {strides = array<i32>} : memref<624x64xf32, #tpu.memory_space<vmem>>, vector<1x16xf32>,
      %swap3A_29 = vector.shape_cast %swap3A_28 : vector<1x16xf32> to vector<16xf32>
      %swap3A_30 = vector.shape_cast %broadcast_in_dim3A_0 : vector<16xf32> to vector<1x16xf32>
      tpu.vector_store %arg21[%swap3A_26, %swap3A_27], %swap3A_30 {strides = array<i32>} : memref<624x64xf32, #tpu.memory_space<vmem>>, vector<1x16xf32>,
      %swap3A_31 = arith.index_cast %scan3A_21 : i32 to index
      %swap3A_32 = arith.constant 32 : index
      %swap3A_33 = tpu.vector_load %arg21[%swap3A_31, %swap3A_32] {strides = array<i32>} : memref<624x64xf32, #tpu.memory_space<vmem>>, vector<1x16xf32>,
      %swap3A_34 = vector.shape_cast %swap3A_33 : vector<1x16xf32> to vector<16xf32>
      %swap3A_35 = vector.shape_cast %broadcast_in_dim3A_0 : vector<16xf32> to vector<1x16xf32>
      tpu.vector_store %arg21[%swap3A_31, %swap3A_32], %swap3A_35 {strides = array<i32>} : memref<624x64xf32, #tpu.memory_space<vmem>>, vector<1x16xf32>,
      %swap3A_36 = arith.index_cast %scan3A_21 : i32 to index
      %swap3A_37 = arith.constant 48 : index
      %swap3A_38 = tpu.vector_load %arg21[%swap3A_36, %swap3A_37] {strides = array<i32>} : memref<624x64xf32, #tpu.memory_space<vmem>>, vector<1x16xf32>,
      %swap3A_39 = vector.shape_cast %swap3A_38 : vector<1x16xf32> to vector<16xf32>
      %swap3A_40 = vector.shape_cast %broadcast_in_dim3A_0 : vector<16xf32> to vector<1x16xf32>
      tpu.vector_store %arg21[%swap3A_36, %swap3A_37], %swap3A_40 {strides = array<i32>} : memref<624x64xf32, #tpu.memory_space<vmem>>, vector<1x16xf32>,
    }
    %scan3A_4 = arith.constant 624 : i32
    %mul3A = arith.constant 624 : i32
    %mul3A_5 = arith.muli %arg1, %mul3A : i32
    "tpu.region"() ({
      %run_scoped3A = tpu.sem_alloc : memref<!tpu.dma_semaphore, #tpu.memory_space<semaphore_mem>>
      %dma_start3A = arith.constant 0 : i32
      %dma_start3A_21 = tpu.memref_slice %arg22[%mul3A_5, %dma_start3A] : memref<10000x64xf32, #tpu.memory_space<vmem_shared>> -> memref<624x64xf32, #tpu.memory_space<vmem_shared>>
      %dma_start3A_22 = arith.constant 0 : i32
      %dma_start3A_23 = tpu.memref_slice %arg22[%mul3A_5, %dma_start3A_22] : memref<10000x64xf32, #tpu.memory_space<vmem_shared>> -> memref<624x64xf32, #tpu.memory_space<vmem_shared>>
      tpu.enqueue_dma source(%arg21 : memref<624x64xf32, #tpu.memory_space<vmem>>) target(%dma_start3A_23 : memref<624x64xf32, #tpu.memory_space<vmem_shared>>) target_semaphore(%run_scoped3A : memref<!tpu.dma_semaphore, #tpu.memory_space<semaphore_mem>>)
      %dma_wait3A = arith.constant 0 : i32
      %dma_wait3A_24 = tpu.memref_slice %arg22[%mul3A_5, %dma_wait3A] : memref<10000x64xf32, #tpu.memory_space<vmem_shared>> -> memref<624x64xf32, #tpu.memory_space<vmem_shared>>
      %dma_wait3A_25 = arith.constant 0 : i32
      %dma_wait3A_26 = tpu.memref_slice %arg22[%mul3A_5, %dma_wait3A_25] : memref<10000x64xf32, #tpu.memory_space<vmem_shared>> -> memref<624x64xf32, #tpu.memory_space<vmem_shared>>
      tpu.wait_dma2 semaphore(%run_scoped3A : memref<!tpu.dma_semaphore, #tpu.memory_space<semaphore_mem>>) src(%arg21 : memref<624x64xf32, #tpu.memory_space<vmem>>) dst(%dma_wait3A_26 : memref<624x64xf32, #tpu.memory_space<vmem_shared>>)
      tpu.yield
    }) : () -> ()
    %eq3A = arith.constant 15 : i32
    %eq3A_6 = arith.cmpi eq, %arg1, %eq3A : i32
    %convert_element_type3A = arith.extui %eq3A_6 : i1 to i32
    %cond3A = arith.constant 0 : i32
    %cond3A_7 = arith.cmpi ne, %convert_element_type3A, %cond3A : i32
    scf.if %cond3A_7 {
      "tpu.region"() ({
        %run_scoped3A = tpu.sem_alloc : memref<!tpu.dma_semaphore, #tpu.memory_space<semaphore_mem>>
        %dma_start3A = arith.constant 0 : i32
        %dma_start3A_21 = arith.constant 0 : i32
        %dma_start3A_22 = tpu.memref_slice %arg21[%dma_start3A, %dma_start3A_21] : memref<624x64xf32, #tpu.memory_space<vmem>> -> memref<16x64xf32, #tpu.memory_space<vmem>>
        %dma_start3A_23 = arith.constant 9984 : i32
        %dma_start3A_24 = arith.constant 0 : i32
        %dma_start3A_25 = tpu.memref_slice %arg22[%dma_start3A_23, %dma_start3A_24] : memref<10000x64xf32, #tpu.memory_space<vmem_shared>> -> memref<16x64xf32, #tpu.memory_space<vmem_shared>>
        %dma_start3A_26 = arith.constant 9984 : i32
        %dma_start3A_27 = arith.constant 0 : i32
        %dma_start3A_28 = tpu.memref_slice %arg22[%dma_start3A_26, %dma_start3A_27] : memref<10000x64xf32, #tpu.memory_space<vmem_shared>> -> memref<16x64xf32, #tpu.memory_space<vmem_shared>>
        %dma_start3A_29 = arith.constant 0 : i32
        %dma_start3A_30 = arith.constant 0 : i32
        %dma_start3A_31 = tpu.memref_slice %arg21[%dma_start3A_29, %dma_start3A_30] : memref<624x64xf32, #tpu.memory_space<vmem>> -> memref<16x64xf32, #tpu.memory_space<vmem>>
        tpu.enqueue_dma source(%dma_start3A_31 : memref<16x64xf32, #tpu.memory_space<vmem>>) target(%dma_start3A_28 : memref<16x64xf32, #tpu.memory_space<vmem_shared>>) target_semaphore(%run_scoped3A : memref<!tpu.dma_semaphore, #tpu.memory_space<semaphore_mem>>)
        %dma_wait3A = arith.constant 0 : i32
        %dma_wait3A_32 = arith.constant 0 : i32
        %dma_wait3A_33 = tpu.memref_slice %arg21[%dma_wait3A, %dma_wait3A_32] : memref<624x64xf32, #tpu.memory_space<vmem>> -> memref<16x64xf32, #tpu.memory_space<vmem>>
        %dma_wait3A_34 = arith.constant 9984 : i32
        %dma_wait3A_35 = arith.constant 0 : i32
        %dma_wait3A_36 = tpu.memref_slice %arg22[%dma_wait3A_34, %dma_wait3A_35] : memref<10000x64xf32, #tpu.memory_space<vmem_shared>> -> memref<16x64xf32, #tpu.memory_space<vmem_shared>>
        %dma_wait3A_37 = arith.constant 9984 : i32
        %dma_wait3A_38 = arith.constant 0 : i32
        %dma_wait3A_39 = tpu.memref_slice %arg22[%dma_wait3A_37, %dma_wait3A_38] : memref<10000x64xf32, #tpu.memory_space<vmem_shared>> -> memref<16x64xf32, #tpu.memory_space<vmem_shared>>
        %dma_wait3A_40 = arith.constant 0 : i32
        %dma_wait3A_41 = arith.constant 0 : i32
        %dma_wait3A_42 = tpu.memref_slice %arg21[%dma_wait3A_40, %dma_wait3A_41] : memref<624x64xf32, #tpu.memory_space<vmem>> -> memref<16x64xf32, #tpu.memory_space<vmem>>
        tpu.wait_dma2 semaphore(%run_scoped3A : memref<!tpu.dma_semaphore, #tpu.memory_space<semaphore_mem>>) src(%dma_wait3A_42 : memref<16x64xf32, #tpu.memory_space<vmem>>) dst(%dma_wait3A_39 : memref<16x64xf32, #tpu.memory_space<vmem_shared>>)
        tpu.yield
      }) : () -> ()
    } else {
    }
    %barrier3A = arith.constant 0 : index
    tpu.barrier barrier_id(%barrier3A)
    %mul3A_8 = arith.constant 20480 : i32
    %mul3A_9 = arith.muli %arg1, %mul3A_8 : i32
    %scan3A_10 = arith.constant 0 : i32
    %scan3A_11 = arith.constant 32 : i32
    %scan3A_12 = arith.addi %scan3A_10, %scan3A_11 : i32
    %scan3A_13 = arith.constant 1 : i32
    scf.for %scan3A_21 = %scan3A_10 to %scan3A_12 step %scan3A_13  : i32 {
      %mul3A_22 = arith.constant 5 : i32
      %mul3A_23 = arith.muli %scan3A_21, %mul3A_22 : i32
      %mul3A_24 = arith.constant 128 : i32
      %mul3A_25 = arith.muli %mul3A_23, %mul3A_24 : i32
      %add3A = arith.addi %mul3A_9, %mul3A_25 : i32
      %add3A_26 = arith.constant 0 : i32
      %add3A_27 = arith.addi %add3A, %add3A_26 : i32
      %dma_start3A = tpu.memref_slice %arg2[%add3A_27] : memref<327680xi32, #tpu.memory_space<hbm>> -> memref<128xi32, #tpu.memory_space<hbm>>
      %dma_start3A_28 = tpu.memref_slice %arg2[%add3A_27] : memref<327680xi32, #tpu.memory_space<hbm>> -> memref<128xi32, #tpu.memory_space<hbm>>
      tpu.enqueue_dma source(%dma_start3A_28 : memref<128xi32, #tpu.memory_space<hbm>>) target(%arg6 : memref<128xi32, #tpu.memory_space<vmem>>) target_semaphore(%arg23 : memref<!tpu.dma_semaphore, #tpu.memory_space<semaphore_mem>>)
      %dma_start3A_29 = tpu.memref_slice %arg3[%add3A_27] : memref<327680xi32, #tpu.memory_space<hbm>> -> memref<128xi32, #tpu.memory_space<hbm>>
      %dma_start3A_30 = tpu.memref_slice %arg3[%add3A_27] : memref<327680xi32, #tpu.memory_space<hbm>> -> memref<128xi32, #tpu.memory_space<hbm>>
      tpu.enqueue_dma source(%dma_start3A_30 : memref<128xi32, #tpu.memory_space<hbm>>) target(%arg11 : memref<128xi32, #tpu.memory_space<vmem>>) target_semaphore(%arg23 : memref<!tpu.dma_semaphore, #tpu.memory_space<semaphore_mem>>)
      %add3A_31 = arith.constant 128 : i32
      %add3A_32 = arith.addi %add3A, %add3A_31 : i32
      %dma_start3A_33 = tpu.memref_slice %arg2[%add3A_32] : memref<327680xi32, #tpu.memory_space<hbm>> -> memref<128xi32, #tpu.memory_space<hbm>>
      %dma_start3A_34 = tpu.memref_slice %arg2[%add3A_32] : memref<327680xi32, #tpu.memory_space<hbm>> -> memref<128xi32, #tpu.memory_space<hbm>>
      tpu.enqueue_dma source(%dma_start3A_34 : memref<128xi32, #tpu.memory_space<hbm>>) target(%arg7 : memref<128xi32, #tpu.memory_space<vmem>>) target_semaphore(%arg24 : memref<!tpu.dma_semaphore, #tpu.memory_space<semaphore_mem>>)
      %dma_start3A_35 = tpu.memref_slice %arg3[%add3A_32] : memref<327680xi32, #tpu.memory_space<hbm>> -> memref<128xi32, #tpu.memory_space<hbm>>
      %dma_start3A_36 = tpu.memref_slice %arg3[%add3A_32] : memref<327680xi32, #tpu.memory_space<hbm>> -> memref<128xi32, #tpu.memory_space<hbm>>
      tpu.enqueue_dma source(%dma_start3A_36 : memref<128xi32, #tpu.memory_space<hbm>>) target(%arg12 : memref<128xi32, #tpu.memory_space<vmem>>) target_semaphore(%arg24 : memref<!tpu.dma_semaphore, #tpu.memory_space<semaphore_mem>>)
      %add3A_37 = arith.constant 256 : i32
      %add3A_38 = arith.addi %add3A, %add3A_37 : i32
      %dma_start3A_39 = tpu.memref_slice %arg2[%add3A_38] : memref<327680xi32, #tpu.memory_space<hbm>> -> memref<128xi32, #tpu.memory_space<hbm>>
      %dma_start3A_40 = tpu.memref_slice %arg2[%add3A_38] : memref<327680xi32, #tpu.memory_space<hbm>> -> memref<128xi32, #tpu.memory_space<hbm>>
      tpu.enqueue_dma source(%dma_start3A_40 : memref<128xi32, #tpu.memory_space<hbm>>) target(%arg8 : memref<128xi32, #tpu.memory_space<vmem>>) target_semaphore(%arg25 : memref<!tpu.dma_semaphore, #tpu.memory_space<semaphore_mem>>)
      %dma_start3A_41 = tpu.memref_slice %arg3[%add3A_38] : memref<327680xi32, #tpu.memory_space<hbm>> -> memref<128xi32, #tpu.memory_space<hbm>>
      %dma_start3A_42 = tpu.memref_slice %arg3[%add3A_38] : memref<327680xi32, #tpu.memory_space<hbm>> -> memref<128xi32, #tpu.memory_space<hbm>>
      tpu.enqueue_dma source(%dma_start3A_42 : memref<128xi32, #tpu.memory_space<hbm>>) target(%arg13 : memref<128xi32, #tpu.memory_space<vmem>>) target_semaphore(%arg25 : memref<!tpu.dma_semaphore, #tpu.memory_space<semaphore_mem>>)
      %add3A_43 = arith.constant 384 : i32
      %add3A_44 = arith.addi %add3A, %add3A_43 : i32
      %dma_start3A_45 = tpu.memref_slice %arg2[%add3A_44] : memref<327680xi32, #tpu.memory_space<hbm>> -> memref<128xi32, #tpu.memory_space<hbm>>
      %dma_start3A_46 = tpu.memref_slice %arg2[%add3A_44] : memref<327680xi32, #tpu.memory_space<hbm>> -> memref<128xi32, #tpu.memory_space<hbm>>
      tpu.enqueue_dma source(%dma_start3A_46 : memref<128xi32, #tpu.memory_space<hbm>>) target(%arg9 : memref<128xi32, #tpu.memory_space<vmem>>) target_semaphore(%arg26 : memref<!tpu.dma_semaphore, #tpu.memory_space<semaphore_mem>>)
      %dma_start3A_47 = tpu.memref_slice %arg3[%add3A_44] : memref<327680xi32, #tpu.memory_space<hbm>> -> memref<128xi32, #tpu.memory_space<hbm>>
      %dma_start3A_48 = tpu.memref_slice %arg3[%add3A_44] : memref<327680xi32, #tpu.memory_space<hbm>> -> memref<128xi32, #tpu.memory_space<hbm>>
      tpu.enqueue_dma source(%dma_start3A_48 : memref<128xi32, #tpu.memory_space<hbm>>) target(%arg14 : memref<128xi32, #tpu.memory_space<vmem>>) target_semaphore(%arg26 : memref<!tpu.dma_semaphore, #tpu.memory_space<semaphore_mem>>)
      %add3A_49 = arith.constant 512 : i32
      %add3A_50 = arith.addi %add3A, %add3A_49 : i32
      %dma_start3A_51 = tpu.memref_slice %arg2[%add3A_50] : memref<327680xi32, #tpu.memory_space<hbm>> -> memref<128xi32, #tpu.memory_space<hbm>>
      %dma_start3A_52 = tpu.memref_slice %arg2[%add3A_50] : memref<327680xi32, #tpu.memory_space<hbm>> -> memref<128xi32, #tpu.memory_space<hbm>>
      tpu.enqueue_dma source(%dma_start3A_52 : memref<128xi32, #tpu.memory_space<hbm>>) target(%arg10 : memref<128xi32, #tpu.memory_space<vmem>>) target_semaphore(%arg27 : memref<!tpu.dma_semaphore, #tpu.memory_space<semaphore_mem>>)
      %dma_start3A_53 = tpu.memref_slice %arg3[%add3A_50] : memref<327680xi32, #tpu.memory_space<hbm>> -> memref<128xi32, #tpu.memory_space<hbm>>
      %dma_start3A_54 = tpu.memref_slice %arg3[%add3A_50] : memref<327680xi32, #tpu.memory_space<hbm>> -> memref<128xi32, #tpu.memory_space<hbm>>
      tpu.enqueue_dma source(%dma_start3A_54 : memref<128xi32, #tpu.memory_space<hbm>>) target(%arg15 : memref<128xi32, #tpu.memory_space<vmem>>) target_semaphore(%arg27 : memref<!tpu.dma_semaphore, #tpu.memory_space<semaphore_mem>>)
      %dma_wait3A = tpu.memref_slice %arg2[%add3A_27] : memref<327680xi32, #tpu.memory_space<hbm>> -> memref<128xi32, #tpu.memory_space<hbm>>
      %dma_wait3A_55 = tpu.memref_slice %arg2[%add3A_27] : memref<327680xi32, #tpu.memory_space<hbm>> -> memref<128xi32, #tpu.memory_space<hbm>>
      tpu.wait_dma2 semaphore(%arg23 : memref<!tpu.dma_semaphore, #tpu.memory_space<semaphore_mem>>) src(%dma_wait3A_55 : memref<128xi32, #tpu.memory_space<hbm>>) dst(%arg6 : memref<128xi32, #tpu.memory_space<vmem>>)
      %dma_wait3A_56 = tpu.memref_slice %arg3[%add3A_27] : memref<327680xi32, #tpu.memory_space<hbm>> -> memref<128xi32, #tpu.memory_space<hbm>>
      %dma_wait3A_57 = tpu.memref_slice %arg3[%add3A_27] : memref<327680xi32, #tpu.memory_space<hbm>> -> memref<128xi32, #tpu.memory_space<hbm>>
      tpu.wait_dma2 semaphore(%arg23 : memref<!tpu.dma_semaphore, #tpu.memory_space<semaphore_mem>>) src(%dma_wait3A_57 : memref<128xi32, #tpu.memory_space<hbm>>) dst(%arg11 : memref<128xi32, #tpu.memory_space<vmem>>)
      %dma_start3A_58 = arith.constant 0 : i32
      %dma_start3A_59 = arith.constant 0 : i32
      %dma_start3A_60 = tpu.memref_slice %arg4[%arg0, %dma_start3A_58, %dma_start3A_59] : memref<2x10000x64xf32, #tpu.memory_space<hbm>> -> memref<1x10000x64xf32, #tpu.memory_space<hbm>>
      %dma_start3A_61 = tpu.memref_squeeze %dma_start3A_60 : memref<1x10000x64xf32, #tpu.memory_space<hbm>> -> memref<10000x64xf32, #tpu.memory_space<hbm>>
      %dma_start3A_62 = arith.constant 0 : i32
      %dma_start3A_63 = arith.constant 0 : i32
      %dma_start3A_64 = tpu.memref_slice %dma_start3A_61[%dma_start3A_62, %dma_start3A_63] : memref<10000x64xf32, #tpu.memory_space<hbm>> -> memref<10000x64xf32, #tpu.memory_space<hbm>>
      tpu.enqueue_indirect_dma source(%dma_start3A_64 : memref<10000x64xf32, #tpu.memory_space<hbm>>) target(%arg16 : memref<128x64xf32, #tpu.memory_space<vmem>>) offsets(%arg6 : memref<128xi32, #tpu.memory_space<vmem>>) semaphore(%arg28 : memref<!tpu.dma_semaphore, #tpu.memory_space<semaphore_mem>>)
      %dma_wait3A_65 = tpu.memref_slice %arg2[%add3A_32] : memref<327680xi32, #tpu.memory_space<hbm>> -> memref<128xi32, #tpu.memory_space<hbm>>
      %dma_wait3A_66 = tpu.memref_slice %arg2[%add3A_32] : memref<327680xi32, #tpu.memory_space<hbm>> -> memref<128xi32, #tpu.memory_space<hbm>>
      tpu.wait_dma2 semaphore(%arg24 : memref<!tpu.dma_semaphore, #tpu.memory_space<semaphore_mem>>) src(%dma_wait3A_66 : memref<128xi32, #tpu.memory_space<hbm>>) dst(%arg7 : memref<128xi32, #tpu.memory_space<vmem>>)
      %dma_wait3A_67 = tpu.memref_slice %arg3[%add3A_32] : memref<327680xi32, #tpu.memory_space<hbm>> -> memref<128xi32, #tpu.memory_space<hbm>>
      %dma_wait3A_68 = tpu.memref_slice %arg3[%add3A_32] : memref<327680xi32, #tpu.memory_space<hbm>> -> memref<128xi32, #tpu.memory_space<hbm>>
      tpu.wait_dma2 semaphore(%arg24 : memref<!tpu.dma_semaphore, #tpu.memory_space<semaphore_mem>>) src(%dma_wait3A_68 : memref<128xi32, #tpu.memory_space<hbm>>) dst(%arg12 : memref<128xi32, #tpu.memory_space<vmem>>)
      %dma_start3A_69 = arith.constant 0 : i32
      %dma_start3A_70 = arith.constant 0 : i32
      %dma_start3A_71 = tpu.memref_slice %arg4[%arg0, %dma_start3A_69, %dma_start3A_70] : memref<2x10000x64xf32, #tpu.memory_space<hbm>> -> memref<1x10000x64xf32, #tpu.memory_space<hbm>>
      %dma_start3A_72 = tpu.memref_squeeze %dma_start3A_71 : memref<1x10000x64xf32, #tpu.memory_space<hbm>> -> memref<10000x64xf32, #tpu.memory_space<hbm>>
      %dma_start3A_73 = arith.constant 0 : i32
      %dma_start3A_74 = arith.constant 0 : i32
      %dma_start3A_75 = tpu.memref_slice %dma_start3A_72[%dma_start3A_73, %dma_start3A_74] : memref<10000x64xf32, #tpu.memory_space<hbm>> -> memref<10000x64xf32, #tpu.memory_space<hbm>>
      tpu.enqueue_indirect_dma source(%dma_start3A_75 : memref<10000x64xf32, #tpu.memory_space<hbm>>) target(%arg17 : memref<128x64xf32, #tpu.memory_space<vmem>>) offsets(%arg7 : memref<128xi32, #tpu.memory_space<vmem>>) semaphore(%arg29 : memref<!tpu.dma_semaphore, #tpu.memory_space<semaphore_mem>>)
      %dma_wait3A_76 = tpu.memref_slice %arg2[%add3A_38] : memref<327680xi32, #tpu.memory_space<hbm>> -> memref<128xi32, #tpu.memory_space<hbm>>
      %dma_wait3A_77 = tpu.memref_slice %arg2[%add3A_38] : memref<327680xi32, #tpu.memory_space<hbm>> -> memref<128xi32, #tpu.memory_space<hbm>>
      tpu.wait_dma2 semaphore(%arg25 : memref<!tpu.dma_semaphore, #tpu.memory_space<semaphore_mem>>) src(%dma_wait3A_77 : memref<128xi32, #tpu.memory_space<hbm>>) dst(%arg8 : memref<128xi32, #tpu.memory_space<vmem>>)
      %dma_wait3A_78 = tpu.memref_slice %arg3[%add3A_38] : memref<327680xi32, #tpu.memory_space<hbm>> -> memref<128xi32, #tpu.memory_space<hbm>>
      %dma_wait3A_79 = tpu.memref_slice %arg3[%add3A_38] : memref<327680xi32, #tpu.memory_space<hbm>> -> memref<128xi32, #tpu.memory_space<hbm>>
      tpu.wait_dma2 semaphore(%arg25 : memref<!tpu.dma_semaphore, #tpu.memory_space<semaphore_mem>>) src(%dma_wait3A_79 : memref<128xi32, #tpu.memory_space<hbm>>) dst(%arg13 : memref<128xi32, #tpu.memory_space<vmem>>)
      %dma_start3A_80 = arith.constant 0 : i32
      %dma_start3A_81 = arith.constant 0 : i32
      %dma_start3A_82 = tpu.memref_slice %arg4[%arg0, %dma_start3A_80, %dma_start3A_81] : memref<2x10000x64xf32, #tpu.memory_space<hbm>> -> memref<1x10000x64xf32, #tpu.memory_space<hbm>>
      %dma_start3A_83 = tpu.memref_squeeze %dma_start3A_82 : memref<1x10000x64xf32, #tpu.memory_space<hbm>> -> memref<10000x64xf32, #tpu.memory_space<hbm>>
      %dma_start3A_84 = arith.constant 0 : i32
      %dma_start3A_85 = arith.constant 0 : i32
      %dma_start3A_86 = tpu.memref_slice %dma_start3A_83[%dma_start3A_84, %dma_start3A_85] : memref<10000x64xf32, #tpu.memory_space<hbm>> -> memref<10000x64xf32, #tpu.memory_space<hbm>>
      tpu.enqueue_indirect_dma source(%dma_start3A_86 : memref<10000x64xf32, #tpu.memory_space<hbm>>) target(%arg18 : memref<128x64xf32, #tpu.memory_space<vmem>>) offsets(%arg8 : memref<128xi32, #tpu.memory_space<vmem>>) semaphore(%arg30 : memref<!tpu.dma_semaphore, #tpu.memory_space<semaphore_mem>>)
      %dma_wait3A_87 = tpu.memref_slice %arg2[%add3A_44] : memref<327680xi32, #tpu.memory_space<hbm>> -> memref<128xi32, #tpu.memory_space<hbm>>
      %dma_wait3A_88 = tpu.memref_slice %arg2[%add3A_44] : memref<327680xi32, #tpu.memory_space<hbm>> -> memref<128xi32, #tpu.memory_space<hbm>>
      tpu.wait_dma2 semaphore(%arg26 : memref<!tpu.dma_semaphore, #tpu.memory_space<semaphore_mem>>) src(%dma_wait3A_88 : memref<128xi32, #tpu.memory_space<hbm>>) dst(%arg9 : memref<128xi32, #tpu.memory_space<vmem>>)
      %dma_wait3A_89 = tpu.memref_slice %arg3[%add3A_44] : memref<327680xi32, #tpu.memory_space<hbm>> -> memref<128xi32, #tpu.memory_space<hbm>>
      %dma_wait3A_90 = tpu.memref_slice %arg3[%add3A_44] : memref<327680xi32, #tpu.memory_space<hbm>> -> memref<128xi32, #tpu.memory_space<hbm>>
      tpu.wait_dma2 semaphore(%arg26 : memref<!tpu.dma_semaphore, #tpu.memory_space<semaphore_mem>>) src(%dma_wait3A_90 : memref<128xi32, #tpu.memory_space<hbm>>) dst(%arg14 : memref<128xi32, #tpu.memory_space<vmem>>)
      %dma_start3A_91 = arith.constant 0 : i32
      %dma_start3A_92 = arith.constant 0 : i32
      %dma_start3A_93 = tpu.memref_slice %arg4[%arg0, %dma_start3A_91, %dma_start3A_92] : memref<2x10000x64xf32, #tpu.memory_space<hbm>> -> memref<1x10000x64xf32, #tpu.memory_space<hbm>>
      %dma_start3A_94 = tpu.memref_squeeze %dma_start3A_93 : memref<1x10000x64xf32, #tpu.memory_space<hbm>> -> memref<10000x64xf32, #tpu.memory_space<hbm>>
      %dma_start3A_95 = arith.constant 0 : i32
      %dma_start3A_96 = arith.constant 0 : i32
      %dma_start3A_97 = tpu.memref_slice %dma_start3A_94[%dma_start3A_95, %dma_start3A_96] : memref<10000x64xf32, #tpu.memory_space<hbm>> -> memref<10000x64xf32, #tpu.memory_space<hbm>>
      tpu.enqueue_indirect_dma source(%dma_start3A_97 : memref<10000x64xf32, #tpu.memory_space<hbm>>) target(%arg19 : memref<128x64xf32, #tpu.memory_space<vmem>>) offsets(%arg9 : memref<128xi32, #tpu.memory_space<vmem>>) semaphore(%arg31 : memref<!tpu.dma_semaphore, #tpu.memory_space<semaphore_mem>>)
      %dma_wait3A_98 = tpu.memref_slice %arg2[%add3A_50] : memref<327680xi32, #tpu.memory_space<hbm>> -> memref<128xi32, #tpu.memory_space<hbm>>
      %dma_wait3A_99 = tpu.memref_slice %arg2[%add3A_50] : memref<327680xi32, #tpu.memory_space<hbm>> -> memref<128xi32, #tpu.memory_space<hbm>>
      tpu.wait_dma2 semaphore(%arg27 : memref<!tpu.dma_semaphore, #tpu.memory_space<semaphore_mem>>) src(%dma_wait3A_99 : memref<128xi32, #tpu.memory_space<hbm>>) dst(%arg10 : memref<128xi32, #tpu.memory_space<vmem>>)
      %dma_wait3A_100 = tpu.memref_slice %arg3[%add3A_50] : memref<327680xi32, #tpu.memory_space<hbm>> -> memref<128xi32, #tpu.memory_space<hbm>>
      %dma_wait3A_101 = tpu.memref_slice %arg3[%add3A_50] : memref<327680xi32, #tpu.memory_space<hbm>> -> memref<128xi32, #tpu.memory_space<hbm>>
      tpu.wait_dma2 semaphore(%arg27 : memref<!tpu.dma_semaphore, #tpu.memory_space<semaphore_mem>>) src(%dma_wait3A_101 : memref<128xi32, #tpu.memory_space<hbm>>) dst(%arg15 : memref<128xi32, #tpu.memory_space<vmem>>)
      %dma_start3A_102 = arith.constant 0 : i32
      %dma_start3A_103 = arith.constant 0 : i32
      %dma_start3A_104 = tpu.memref_slice %arg4[%arg0, %dma_start3A_102, %dma_start3A_103] : memref<2x10000x64xf32, #tpu.memory_space<hbm>> -> memref<1x10000x64xf32, #tpu.memory_space<hbm>>
      %dma_start3A_105 = tpu.memref_squeeze %dma_start3A_104 : memref<1x10000x64xf32, #tpu.memory_space<hbm>> -> memref<10000x64xf32, #tpu.memory_space<hbm>>
      %dma_start3A_106 = arith.constant 0 : i32
      %dma_start3A_107 = arith.constant 0 : i32
      %dma_start3A_108 = tpu.memref_slice %dma_start3A_105[%dma_start3A_106, %dma_start3A_107] : memref<10000x64xf32, #tpu.memory_space<hbm>> -> memref<10000x64xf32, #tpu.memory_space<hbm>>
      tpu.enqueue_indirect_dma source(%dma_start3A_108 : memref<10000x64xf32, #tpu.memory_space<hbm>>) target(%arg20 : memref<128x64xf32, #tpu.memory_space<vmem>>) offsets(%arg10 : memref<128xi32, #tpu.memory_space<vmem>>) semaphore(%arg32 : memref<!tpu.dma_semaphore, #tpu.memory_space<semaphore_mem>>)
      %dma_wait3A_109 = arith.constant 0 : i32
      %dma_wait3A_110 = arith.constant 0 : i32
      %dma_wait3A_111 = tpu.memref_slice %arg4[%arg0, %dma_wait3A_109, %dma_wait3A_110] : memref<2x10000x64xf32, #tpu.memory_space<hbm>> -> memref<1x10000x64xf32, #tpu.memory_space<hbm>>
      %dma_wait3A_112 = tpu.memref_squeeze %dma_wait3A_111 : memref<1x10000x64xf32, #tpu.memory_space<hbm>> -> memref<10000x64xf32, #tpu.memory_space<hbm>>
      %dma_wait3A_113 = arith.constant 0 : i32
      %dma_wait3A_114 = arith.constant 0 : i32
      %dma_wait3A_115 = tpu.memref_slice %dma_wait3A_112[%dma_wait3A_113, %dma_wait3A_114] : memref<10000x64xf32, #tpu.memory_space<hbm>> -> memref<10000x64xf32, #tpu.memory_space<hbm>>
      tpu.wait_indirect_dma semaphore(%arg28 : memref<!tpu.dma_semaphore, #tpu.memory_space<semaphore_mem>>) src(%dma_wait3A_115 : memref<10000x64xf32, #tpu.memory_space<hbm>>) dst(%arg16 : memref<128x64xf32, #tpu.memory_space<vmem>>)
      %dma_start3A_116 = arith.constant 0 : i32
      %dma_start3A_117 = arith.constant 0 : i32
      %dma_start3A_118 = tpu.memref_slice %arg22[%dma_start3A_116, %dma_start3A_117] : memref<10000x64xf32, #tpu.memory_space<vmem_shared>> -> memref<10000x64xf32, #tpu.memory_space<vmem_shared>>
      tpu.enqueue_indirect_dma source(%arg16 : memref<128x64xf32, #tpu.memory_space<vmem>>) target(%dma_start3A_118 : memref<10000x64xf32, #tpu.memory_space<vmem_shared>>) offsets(%arg11 : memref<128xi32, #tpu.memory_space<vmem>>) semaphore(%arg33 : memref<!tpu.dma_semaphore, #tpu.memory_space<semaphore_mem>>) {add = true}
      %dma_wait3A_119 = arith.constant 0 : i32
      %dma_wait3A_120 = arith.constant 0 : i32
      %dma_wait3A_121 = tpu.memref_slice %arg4[%arg0, %dma_wait3A_119, %dma_wait3A_120] : memref<2x10000x64xf32, #tpu.memory_space<hbm>> -> memref<1x10000x64xf32, #tpu.memory_space<hbm>>
      %dma_wait3A_122 = tpu.memref_squeeze %dma_wait3A_121 : memref<1x10000x64xf32, #tpu.memory_space<hbm>> -> memref<10000x64xf32, #tpu.memory_space<hbm>>
      %dma_wait3A_123 = arith.constant 0 : i32
      %dma_wait3A_124 = arith.constant 0 : i32
      %dma_wait3A_125 = tpu.memref_slice %dma_wait3A_122[%dma_wait3A_123, %dma_wait3A_124] : memref<10000x64xf32, #tpu.memory_space<hbm>> -> memref<10000x64xf32, #tpu.memory_space<hbm>>
      tpu.wait_indirect_dma semaphore(%arg29 : memref<!tpu.dma_semaphore, #tpu.memory_space<semaphore_mem>>) src(%dma_wait3A_125 : memref<10000x64xf32, #tpu.memory_space<hbm>>) dst(%arg17 : memref<128x64xf32, #tpu.memory_space<vmem>>)
      %dma_start3A_126 = arith.constant 0 : i32
      %dma_start3A_127 = arith.constant 0 : i32
      %dma_start3A_128 = tpu.memref_slice %arg22[%dma_start3A_126, %dma_start3A_127] : memref<10000x64xf32, #tpu.memory_space<vmem_shared>> -> memref<10000x64xf32, #tpu.memory_space<vmem_shared>>
      tpu.enqueue_indirect_dma source(%arg17 : memref<128x64xf32, #tpu.memory_space<vmem>>) target(%dma_start3A_128 : memref<10000x64xf32, #tpu.memory_space<vmem_shared>>) offsets(%arg12 : memref<128xi32, #tpu.memory_space<vmem>>) semaphore(%arg34 : memref<!tpu.dma_semaphore, #tpu.memory_space<semaphore_mem>>) {add = true}
      %dma_wait3A_129 = arith.constant 0 : i32
      %dma_wait3A_130 = arith.constant 0 : i32
      %dma_wait3A_131 = tpu.memref_slice %arg4[%arg0, %dma_wait3A_129, %dma_wait3A_130] : memref<2x10000x64xf32, #tpu.memory_space<hbm>> -> memref<1x10000x64xf32, #tpu.memory_space<hbm>>
      %dma_wait3A_132 = tpu.memref_squeeze %dma_wait3A_131 : memref<1x10000x64xf32, #tpu.memory_space<hbm>> -> memref<10000x64xf32, #tpu.memory_space<hbm>>
      %dma_wait3A_133 = arith.constant 0 : i32
      %dma_wait3A_134 = arith.constant 0 : i32
      %dma_wait3A_135 = tpu.memref_slice %dma_wait3A_132[%dma_wait3A_133, %dma_wait3A_134] : memref<10000x64xf32, #tpu.memory_space<hbm>> -> memref<10000x64xf32, #tpu.memory_space<hbm>>
      tpu.wait_indirect_dma semaphore(%arg30 : memref<!tpu.dma_semaphore, #tpu.memory_space<semaphore_mem>>) src(%dma_wait3A_135 : memref<10000x64xf32, #tpu.memory_space<hbm>>) dst(%arg18 : memref<128x64xf32, #tpu.memory_space<vmem>>)
      %dma_start3A_136 = arith.constant 0 : i32
      %dma_start3A_137 = arith.constant 0 : i32
      %dma_start3A_138 = tpu.memref_slice %arg22[%dma_start3A_136, %dma_start3A_137] : memref<10000x64xf32, #tpu.memory_space<vmem_shared>> -> memref<10000x64xf32, #tpu.memory_space<vmem_shared>>
      tpu.enqueue_indirect_dma source(%arg18 : memref<128x64xf32, #tpu.memory_space<vmem>>) target(%dma_start3A_138 : memref<10000x64xf32, #tpu.memory_space<vmem_shared>>) offsets(%arg13 : memref<128xi32, #tpu.memory_space<vmem>>) semaphore(%arg35 : memref<!tpu.dma_semaphore, #tpu.memory_space<semaphore_mem>>) {add = true}
      %dma_wait3A_139 = arith.constant 0 : i32
      %dma_wait3A_140 = arith.constant 0 : i32
      %dma_wait3A_141 = tpu.memref_slice %arg4[%arg0, %dma_wait3A_139, %dma_wait3A_140] : memref<2x10000x64xf32, #tpu.memory_space<hbm>> -> memref<1x10000x64xf32, #tpu.memory_space<hbm>>
      %dma_wait3A_142 = tpu.memref_squeeze %dma_wait3A_141 : memref<1x10000x64xf32, #tpu.memory_space<hbm>> -> memref<10000x64xf32, #tpu.memory_space<hbm>>
      %dma_wait3A_143 = arith.constant 0 : i32
      %dma_wait3A_144 = arith.constant 0 : i32
      %dma_wait3A_145 = tpu.memref_slice %dma_wait3A_142[%dma_wait3A_143, %dma_wait3A_144] : memref<10000x64xf32, #tpu.memory_space<hbm>> -> memref<10000x64xf32, #tpu.memory_space<hbm>>
      tpu.wait_indirect_dma semaphore(%arg31 : memref<!tpu.dma_semaphore, #tpu.memory_space<semaphore_mem>>) src(%dma_wait3A_145 : memref<10000x64xf32, #tpu.memory_space<hbm>>) dst(%arg19 : memref<128x64xf32, #tpu.memory_space<vmem>>)
      %dma_start3A_146 = arith.constant 0 : i32
      %dma_start3A_147 = arith.constant 0 : i32
      %dma_start3A_148 = tpu.memref_slice %arg22[%dma_start3A_146, %dma_start3A_147] : memref<10000x64xf32, #tpu.memory_space<vmem_shared>> -> memref<10000x64xf32, #tpu.memory_space<vmem_shared>>
      tpu.enqueue_indirect_dma source(%arg19 : memref<128x64xf32, #tpu.memory_space<vmem>>) target(%dma_start3A_148 : memref<10000x64xf32, #tpu.memory_space<vmem_shared>>) offsets(%arg14 : memref<128xi32, #tpu.memory_space<vmem>>) semaphore(%arg36 : memref<!tpu.dma_semaphore, #tpu.memory_space<semaphore_mem>>) {add = true}
      %dma_wait3A_149 = arith.constant 0 : i32
      %dma_wait3A_150 = arith.constant 0 : i32
      %dma_wait3A_151 = tpu.memref_slice %arg4[%arg0, %dma_wait3A_149, %dma_wait3A_150] : memref<2x10000x64xf32, #tpu.memory_space<hbm>> -> memref<1x10000x64xf32, #tpu.memory_space<hbm>>
      %dma_wait3A_152 = tpu.memref_squeeze %dma_wait3A_151 : memref<1x10000x64xf32, #tpu.memory_space<hbm>> -> memref<10000x64xf32, #tpu.memory_space<hbm>>
      %dma_wait3A_153 = arith.constant 0 : i32
      %dma_wait3A_154 = arith.constant 0 : i32
      %dma_wait3A_155 = tpu.memref_slice %dma_wait3A_152[%dma_wait3A_153, %dma_wait3A_154] : memref<10000x64xf32, #tpu.memory_space<hbm>> -> memref<10000x64xf32, #tpu.memory_space<hbm>>
      tpu.wait_indirect_dma semaphore(%arg32 : memref<!tpu.dma_semaphore, #tpu.memory_space<semaphore_mem>>) src(%dma_wait3A_155 : memref<10000x64xf32, #tpu.memory_space<hbm>>) dst(%arg20 : memref<128x64xf32, #tpu.memory_space<vmem>>)
      %dma_start3A_156 = arith.constant 0 : i32
      %dma_start3A_157 = arith.constant 0 : i32
      %dma_start3A_158 = tpu.memref_slice %arg22[%dma_start3A_156, %dma_start3A_157] : memref<10000x64xf32, #tpu.memory_space<vmem_shared>> -> memref<10000x64xf32, #tpu.memory_space<vmem_shared>>
      tpu.enqueue_indirect_dma source(%arg20 : memref<128x64xf32, #tpu.memory_space<vmem>>) target(%dma_start3A_158 : memref<10000x64xf32, #tpu.memory_space<vmem_shared>>) offsets(%arg15 : memref<128xi32, #tpu.memory_space<vmem>>) semaphore(%arg37 : memref<!tpu.dma_semaphore, #tpu.memory_space<semaphore_mem>>) {add = true}
      %dma_wait3A_159 = arith.constant 0 : i32
      %dma_wait3A_160 = arith.constant 0 : i32
      %dma_wait3A_161 = tpu.memref_slice %arg22[%dma_wait3A_159, %dma_wait3A_160] : memref<10000x64xf32, #tpu.memory_space<vmem_shared>> -> memref<10000x64xf32, #tpu.memory_space<vmem_shared>>
      tpu.wait_indirect_dma semaphore(%arg33 : memref<!tpu.dma_semaphore, #tpu.memory_space<semaphore_mem>>) src(%arg16 : memref<128x64xf32, #tpu.memory_space<vmem>>) dst(%dma_wait3A_161 : memref<10000x64xf32, #tpu.memory_space<vmem_shared>>)
      %dma_wait3A_162 = arith.constant 0 : i32
      %dma_wait3A_163 = arith.constant 0 : i32
      %dma_wait3A_164 = tpu.memref_slice %arg22[%dma_wait3A_162, %dma_wait3A_163] : memref<10000x64xf32, #tpu.memory_space<vmem_shared>> -> memref<10000x64xf32, #tpu.memory_space<vmem_shared>>
      tpu.wait_indirect_dma semaphore(%arg34 : memref<!tpu.dma_semaphore, #tpu.memory_space<semaphore_mem>>) src(%arg17 : memref<128x64xf32, #tpu.memory_space<vmem>>) dst(%dma_wait3A_164 : memref<10000x64xf32, #tpu.memory_space<vmem_shared>>)
      %dma_wait3A_165 = arith.constant 0 : i32
      %dma_wait3A_166 = arith.constant 0 : i32
      %dma_wait3A_167 = tpu.memref_slice %arg22[%dma_wait3A_165, %dma_wait3A_166] : memref<10000x64xf32, #tpu.memory_space<vmem_shared>> -> memref<10000x64xf32, #tpu.memory_space<vmem_shared>>
      tpu.wait_indirect_dma semaphore(%arg35 : memref<!tpu.dma_semaphore, #tpu.memory_space<semaphore_mem>>) src(%arg18 : memref<128x64xf32, #tpu.memory_space<vmem>>) dst(%dma_wait3A_167 : memref<10000x64xf32, #tpu.memory_space<vmem_shared>>)
      %dma_wait3A_168 = arith.constant 0 : i32
      %dma_wait3A_169 = arith.constant 0 : i32
      %dma_wait3A_170 = tpu.memref_slice %arg22[%dma_wait3A_168, %dma_wait3A_169] : memref<10000x64xf32, #tpu.memory_space<vmem_shared>> -> memref<10000x64xf32, #tpu.memory_space<vmem_shared>>
      tpu.wait_indirect_dma semaphore(%arg36 : memref<!tpu.dma_semaphore, #tpu.memory_space<semaphore_mem>>) src(%arg19 : memref<128x64xf32, #tpu.memory_space<vmem>>) dst(%dma_wait3A_170 : memref<10000x64xf32, #tpu.memory_space<vmem_shared>>)
      %dma_wait3A_171 = arith.constant 0 : i32
      %dma_wait3A_172 = arith.constant 0 : i32
      %dma_wait3A_173 = tpu.memref_slice %arg22[%dma_wait3A_171, %dma_wait3A_172] : memref<10000x64xf32, #tpu.memory_space<vmem_shared>> -> memref<10000x64xf32, #tpu.memory_space<vmem_shared>>
      tpu.wait_indirect_dma semaphore(%arg37 : memref<!tpu.dma_semaphore, #tpu.memory_space<semaphore_mem>>) src(%arg20 : memref<128x64xf32, #tpu.memory_space<vmem>>) dst(%dma_wait3A_173 : memref<10000x64xf32, #tpu.memory_space<vmem_shared>>)
    }
    %scan3A_14 = arith.constant 32 : i32
    %barrier3A_15 = arith.constant 0 : index
    tpu.barrier barrier_id(%barrier3A_15)
    "tpu.region"() ({
      %run_scoped3A = tpu.sem_alloc : memref<!tpu.dma_semaphore, #tpu.memory_space<semaphore_mem>>
      %dma_start3A = arith.constant 0 : i32
      %dma_start3A_21 = tpu.memref_slice %arg5[%arg0, %mul3A_5, %dma_start3A] : memref<2x10000x64xf32, #tpu.memory_space<hbm>> -> memref<1x624x64xf32, #tpu.memory_space<hbm>>
      %dma_start3A_22 = tpu.memref_squeeze %dma_start3A_21 : memref<1x624x64xf32, #tpu.memory_space<hbm>> -> memref<624x64xf32, #tpu.memory_space<hbm>>
      %dma_start3A_23 = arith.constant 0 : i32
      %dma_start3A_24 = tpu.memref_slice %arg22[%mul3A_5, %dma_start3A_23] : memref<10000x64xf32, #tpu.memory_space<vmem_shared>> -> memref<624x64xf32, #tpu.memory_space<vmem_shared>>
      tpu.enqueue_dma source(%dma_start3A_24 : memref<624x64xf32, #tpu.memory_space<vmem_shared>>) target(%dma_start3A_22 : memref<624x64xf32, #tpu.memory_space<hbm>>) target_semaphore(%run_scoped3A : memref<!tpu.dma_semaphore, #tpu.memory_space<semaphore_mem>>)
      %dma_wait3A = arith.constant 0 : i32
      %dma_wait3A_25 = tpu.memref_slice %arg5[%arg0, %mul3A_5, %dma_wait3A] : memref<2x10000x64xf32, #tpu.memory_space<hbm>> -> memref<1x624x64xf32, #tpu.memory_space<hbm>>
      %dma_wait3A_26 = tpu.memref_squeeze %dma_wait3A_25 : memref<1x624x64xf32, #tpu.memory_space<hbm>> -> memref<624x64xf32, #tpu.memory_space<hbm>>
      %dma_wait3A_27 = arith.constant 0 : i32
      %dma_wait3A_28 = tpu.memref_slice %arg22[%mul3A_5, %dma_wait3A_27] : memref<10000x64xf32, #tpu.memory_space<vmem_shared>> -> memref<624x64xf32, #tpu.memory_space<vmem_shared>>
      tpu.wait_dma2 semaphore(%run_scoped3A : memref<!tpu.dma_semaphore, #tpu.memory_space<semaphore_mem>>) src(%dma_wait3A_28 : memref<624x64xf32, #tpu.memory_space<vmem_shared>>) dst(%dma_wait3A_26 : memref<624x64xf32, #tpu.memory_space<hbm>>)
      tpu.yield
    }) : () -> ()
    %eq3A_16 = arith.constant 15 : i32
    %eq3A_17 = arith.cmpi eq, %arg1, %eq3A_16 : i32
    %convert_element_type3A_18 = arith.extui %eq3A_17 : i1 to i32
    %cond3A_19 = arith.constant 0 : i32
    %cond3A_20 = arith.cmpi ne, %convert_element_type3A_18, %cond3A_19 : i32
    scf.if %cond3A_20 {
      "tpu.region"() ({
        %run_scoped3A = tpu.sem_alloc : memref<!tpu.dma_semaphore, #tpu.memory_space<semaphore_mem>>
        %dma_start3A = arith.constant 9984 : i32
        %dma_start3A_21 = arith.constant 0 : i32
        %dma_start3A_22 = tpu.memref_slice %arg5[%arg0, %dma_start3A, %dma_start3A_21] : memref<2x10000x64xf32, #tpu.memory_space<hbm>> -> memref<1x16x64xf32, #tpu.memory_space<hbm>>
        %dma_start3A_23 = tpu.memref_squeeze %dma_start3A_22 : memref<1x16x64xf32, #tpu.memory_space<hbm>> -> memref<16x64xf32, #tpu.memory_space<hbm>>
        %dma_start3A_24 = arith.constant 9984 : i32
        %dma_start3A_25 = arith.constant 0 : i32
        %dma_start3A_26 = tpu.memref_slice %arg22[%dma_start3A_24, %dma_start3A_25] : memref<10000x64xf32, #tpu.memory_space<vmem_shared>> -> memref<16x64xf32, #tpu.memory_space<vmem_shared>>
        tpu.enqueue_dma source(%dma_start3A_26 : memref<16x64xf32, #tpu.memory_space<vmem_shared>>) target(%dma_start3A_23 : memref<16x64xf32, #tpu.memory_space<hbm>>) target_semaphore(%run_scoped3A : memref<!tpu.dma_semaphore, #tpu.memory_space<semaphore_mem>>)
        %dma_wait3A = arith.constant 9984 : i32
        %dma_wait3A_27 = arith.constant 0 : i32
        %dma_wait3A_28 = tpu.memref_slice %arg5[%arg0, %dma_wait3A, %dma_wait3A_27] : memref<2x10000x64xf32, #tpu.memory_space<hbm>> -> memref<1x16x64xf32, #tpu.memory_space<hbm>>
        %dma_wait3A_29 = tpu.memref_squeeze %dma_wait3A_28 : memref<1x16x64xf32, #tpu.memory_space<hbm>> -> memref<16x64xf32, #tpu.memory_space<hbm>>
        %dma_wait3A_30 = arith.constant 9984 : i32
        %dma_wait3A_31 = arith.constant 0 : i32
        %dma_wait3A_32 = tpu.memref_slice %arg22[%dma_wait3A_30, %dma_wait3A_31] : memref<10000x64xf32, #tpu.memory_space<vmem_shared>> -> memref<16x64xf32, #tpu.memory_space<vmem_shared>>
        tpu.wait_dma2 semaphore(%run_scoped3A : memref<!tpu.dma_semaphore, #tpu.memory_space<semaphore_mem>>) src(%dma_wait3A_32 : memref<16x64xf32, #tpu.memory_space<vmem_shared>>) dst(%dma_wait3A_29 : memref<16x64xf32, #tpu.memory_space<hbm>>)
        tpu.yield
      }) : () -> ()
    } else {
    }
    return
  }
}

#map = affine_map<(d0, d1) -> (0)>
#map1 = affine_map<(d0, d1) -> (0, 0, 0)>
module attributes {stable_mosaic.version = 14 : i64} {
  func.func @k(%arg0: i32, %arg1: i32, %arg2: memref<327680xi32, #tpu.memory_space<hbm>>, %arg3: memref<327680xi32, #tpu.memory_space<hbm>>, %arg4: memref<2x10000x64xf32, #tpu.memory_space<hbm>>, %arg5: memref<2x10000x64xf32, #tpu.memory_space<hbm>>, %arg6: memref<128xi32, #tpu.memory_space<vmem>>, %arg7: memref<128xi32, #tpu.memory_space<vmem>>, %arg8: memref<128xi32, #tpu.memory_space<vmem>>, %arg9: memref<128xi32, #tpu.memory_space<vmem>>, %arg10: memref<128xi32, #tpu.memory_space<vmem>>, %arg11: memref<128xi32, #tpu.memory_space<vmem>>, %arg12: memref<128xi32, #tpu.memory_space<vmem>>, %arg13: memref<128xi32, #tpu.memory_space<vmem>>, %arg14: memref<128xi32, #tpu.memory_space<vmem>>, %arg15: memref<128xi32, #tpu.memory_space<vmem>>, %arg16: memref<128x64xf32, #tpu.memory_space<vmem>>, %arg17: memref<128x64xf32, #tpu.memory_space<vmem>>, %arg18: memref<128x64xf32, #tpu.memory_space<vmem>>, %arg19: memref<128x64xf32, #tpu.memory_space<vmem>>, %arg20: memref<128x64xf32, #tpu.memory_space<vmem>>, %arg21: memref<624x64xf32, #tpu.memory_space<vmem>>, %arg22: memref<10000x64xf32, #tpu.memory_space<vmem_shared>>, %arg23: memref<!tpu.dma_semaphore, #tpu.memory_space<semaphore_mem>>, %arg24: memref<!tpu.dma_semaphore, #tpu.memory_space<semaphore_mem>>, %arg25: memref<!tpu.dma_semaphore, #tpu.memory_space<semaphore_mem>>, %arg26: memref<!tpu.dma_semaphore, #tpu.memory_space<semaphore_mem>>, %arg27: memref<!tpu.dma_semaphore, #tpu.memory_space<semaphore_mem>>, %arg28: memref<!tpu.dma_semaphore, #tpu.memory_space<semaphore_mem>>, %arg29: memref<!tpu.dma_semaphore, #tpu.memory_space<semaphore_mem>>, %arg30: memref<!tpu.dma_semaphore, #tpu.memory_space<semaphore_mem>>, %arg31: memref<!tpu.dma_semaphore, #tpu.memory_space<semaphore_mem>>, %arg32: memref<!tpu.dma_semaphore, #tpu.memory_space<semaphore_mem>>, %arg33: memref<!tpu.dma_semaphore, #tpu.memory_space<semaphore_mem>>, %arg34: memref<!tpu.dma_semaphore, #tpu.memory_space<semaphore_mem>>, %arg35: memref<!tpu.dma_semaphore, #tpu.memory_space<semaphore_mem>>, %arg36: memref<!tpu.dma_semaphore, #tpu.memory_space<semaphore_mem>>, %arg37: memref<!tpu.dma_semaphore, #tpu.memory_space<semaphore_mem>>) attributes {dimension_semantics = [#tpu.dimension_semantics<core_parallel>, #tpu.dimension_semantics<subcore_parallel>], iteration_bounds = array<i64: 2, 16>, scalar_prefetch = 0 : i64, scratch_operands = 32 : i64, tpu.core_type = #tpu.core_type<sc_vector_subcore>, window_params = [{transform_indices = #map}, {transform_indices = #map}, {transform_indices = #map1}, {transform_indices = #map1}]} {
    %broadcast_in_dim3A = arith.constant 0.000000e+00 : f32
    %broadcast_in_dim3A_0 = vector.broadcast %broadcast_in_dim3A : f32 to vector<16xf32>
    %scan3A = arith.constant 0 : i32
    %scan3A_1 = arith.constant 624 : i32
    %scan3A_2 = arith.addi %scan3A, %scan3A_1 : i32
    %scan3A_3 = arith.constant 1 : i32
    scf.for %scan3A_21 = %scan3A to %scan3A_2 step %scan3A_3  : i32 {
      %swap3A = arith.index_cast %scan3A_21 : i32 to index
      %swap3A_22 = arith.constant 0 : index
      %swap3A_23 = tpu.vector_load %arg21[%swap3A, %swap3A_22] {strides = array<i32>} : memref<624x64xf32, #tpu.memory_space<vmem>>, vector<1x16xf32>,
      %swap3A_24 = vector.shape_cast %swap3A_23 : vector<1x16xf32> to vector<16xf32>
      %swap3A_25 = vector.shape_cast %broadcast_in_dim3A_0 : vector<16xf32> to vector<1x16xf32>
      tpu.vector_store %arg21[%swap3A, %swap3A_22], %swap3A_25 {strides = array<i32>} : memref<624x64xf32, #tpu.memory_space<vmem>>, vector<1x16xf32>,
      %swap3A_26 = arith.index_cast %scan3A_21 : i32 to index
      %swap3A_27 = arith.constant 16 : index
      %swap3A_28 = tpu.vector_load %arg21[%swap3A_26, %swap3A_27] {strides = array<i32>} : memref<624x64xf32, #tpu.memory_space<vmem>>, vector<1x16xf32>,
      %swap3A_29 = vector.shape_cast %swap3A_28 : vector<1x16xf32> to vector<16xf32>
      %swap3A_30 = vector.shape_cast %broadcast_in_dim3A_0 : vector<16xf32> to vector<1x16xf32>
      tpu.vector_store %arg21[%swap3A_26, %swap3A_27], %swap3A_30 {strides = array<i32>} : memref<624x64xf32, #tpu.memory_space<vmem>>, vector<1x16xf32>,
      %swap3A_31 = arith.index_cast %scan3A_21 : i32 to index
      %swap3A_32 = arith.constant 32 : index
      %swap3A_33 = tpu.vector_load %arg21[%swap3A_31, %swap3A_32] {strides = array<i32>} : memref<624x64xf32, #tpu.memory_space<vmem>>, vector<1x16xf32>,
      %swap3A_34 = vector.shape_cast %swap3A_33 : vector<1x16xf32> to vector<16xf32>
      %swap3A_35 = vector.shape_cast %broadcast_in_dim3A_0 : vector<16xf32> to vector<1x16xf32>
      tpu.vector_store %arg21[%swap3A_31, %swap3A_32], %swap3A_35 {strides = array<i32>} : memref<624x64xf32, #tpu.memory_space<vmem>>, vector<1x16xf32>,
      %swap3A_36 = arith.index_cast %scan3A_21 : i32 to index
      %swap3A_37 = arith.constant 48 : index
      %swap3A_38 = tpu.vector_load %arg21[%swap3A_36, %swap3A_37] {strides = array<i32>} : memref<624x64xf32, #tpu.memory_space<vmem>>, vector<1x16xf32>,
      %swap3A_39 = vector.shape_cast %swap3A_38 : vector<1x16xf32> to vector<16xf32>
      %swap3A_40 = vector.shape_cast %broadcast_in_dim3A_0 : vector<16xf32> to vector<1x16xf32>
      tpu.vector_store %arg21[%swap3A_36, %swap3A_37], %swap3A_40 {strides = array<i32>} : memref<624x64xf32, #tpu.memory_space<vmem>>, vector<1x16xf32>,
    }
    %scan3A_4 = arith.constant 624 : i32
    %mul3A = arith.constant 624 : i32
    %mul3A_5 = arith.muli %arg1, %mul3A : i32
    "tpu.region"() ({
      %run_scoped3A = tpu.sem_alloc : memref<!tpu.dma_semaphore, #tpu.memory_space<semaphore_mem>>
      %dma_start3A = arith.constant 0 : i32
      %dma_start3A_21 = tpu.memref_slice %arg22[%mul3A_5, %dma_start3A] : memref<10000x64xf32, #tpu.memory_space<vmem_shared>> -> memref<624x64xf32, #tpu.memory_space<vmem_shared>>
      %dma_start3A_22 = arith.constant 0 : i32
      %dma_start3A_23 = tpu.memref_slice %arg22[%mul3A_5, %dma_start3A_22] : memref<10000x64xf32, #tpu.memory_space<vmem_shared>> -> memref<624x64xf32, #tpu.memory_space<vmem_shared>>
      tpu.enqueue_dma source(%arg21 : memref<624x64xf32, #tpu.memory_space<vmem>>) target(%dma_start3A_23 : memref<624x64xf32, #tpu.memory_space<vmem_shared>>) target_semaphore(%run_scoped3A : memref<!tpu.dma_semaphore, #tpu.memory_space<semaphore_mem>>)
      %dma_wait3A = arith.constant 0 : i32
      %dma_wait3A_24 = tpu.memref_slice %arg22[%mul3A_5, %dma_wait3A] : memref<10000x64xf32, #tpu.memory_space<vmem_shared>> -> memref<624x64xf32, #tpu.memory_space<vmem_shared>>
      %dma_wait3A_25 = arith.constant 0 : i32
      %dma_wait3A_26 = tpu.memref_slice %arg22[%mul3A_5, %dma_wait3A_25] : memref<10000x64xf32, #tpu.memory_space<vmem_shared>> -> memref<624x64xf32, #tpu.memory_space<vmem_shared>>
      tpu.wait_dma2 semaphore(%run_scoped3A : memref<!tpu.dma_semaphore, #tpu.memory_space<semaphore_mem>>) src(%arg21 : memref<624x64xf32, #tpu.memory_space<vmem>>) dst(%dma_wait3A_26 : memref<624x64xf32, #tpu.memory_space<vmem_shared>>)
      tpu.yield
    }) : () -> ()
    %eq3A = arith.constant 15 : i32
    %eq3A_6 = arith.cmpi eq, %arg1, %eq3A : i32
    %convert_element_type3A = arith.extui %eq3A_6 : i1 to i32
    %cond3A = arith.constant 0 : i32
    %cond3A_7 = arith.cmpi ne, %convert_element_type3A, %cond3A : i32
    scf.if %cond3A_7 {
      "tpu.region"() ({
        %run_scoped3A = tpu.sem_alloc : memref<!tpu.dma_semaphore, #tpu.memory_space<semaphore_mem>>
        %dma_start3A = arith.constant 0 : i32
        %dma_start3A_21 = arith.constant 0 : i32
        %dma_start3A_22 = tpu.memref_slice %arg21[%dma_start3A, %dma_start3A_21] : memref<624x64xf32, #tpu.memory_space<vmem>> -> memref<16x64xf32, #tpu.memory_space<vmem>>
        %dma_start3A_23 = arith.constant 9984 : i32
        %dma_start3A_24 = arith.constant 0 : i32
        %dma_start3A_25 = tpu.memref_slice %arg22[%dma_start3A_23, %dma_start3A_24] : memref<10000x64xf32, #tpu.memory_space<vmem_shared>> -> memref<16x64xf32, #tpu.memory_space<vmem_shared>>
        %dma_start3A_26 = arith.constant 9984 : i32
        %dma_start3A_27 = arith.constant 0 : i32
        %dma_start3A_28 = tpu.memref_slice %arg22[%dma_start3A_26, %dma_start3A_27] : memref<10000x64xf32, #tpu.memory_space<vmem_shared>> -> memref<16x64xf32, #tpu.memory_space<vmem_shared>>
        %dma_start3A_29 = arith.constant 0 : i32
        %dma_start3A_30 = arith.constant 0 : i32
        %dma_start3A_31 = tpu.memref_slice %arg21[%dma_start3A_29, %dma_start3A_30] : memref<624x64xf32, #tpu.memory_space<vmem>> -> memref<16x64xf32, #tpu.memory_space<vmem>>
        tpu.enqueue_dma source(%dma_start3A_31 : memref<16x64xf32, #tpu.memory_space<vmem>>) target(%dma_start3A_28 : memref<16x64xf32, #tpu.memory_space<vmem_shared>>) target_semaphore(%run_scoped3A : memref<!tpu.dma_semaphore, #tpu.memory_space<semaphore_mem>>)
        %dma_wait3A = arith.constant 0 : i32
        %dma_wait3A_32 = arith.constant 0 : i32
        %dma_wait3A_33 = tpu.memref_slice %arg21[%dma_wait3A, %dma_wait3A_32] : memref<624x64xf32, #tpu.memory_space<vmem>> -> memref<16x64xf32, #tpu.memory_space<vmem>>
        %dma_wait3A_34 = arith.constant 9984 : i32
        %dma_wait3A_35 = arith.constant 0 : i32
        %dma_wait3A_36 = tpu.memref_slice %arg22[%dma_wait3A_34, %dma_wait3A_35] : memref<10000x64xf32, #tpu.memory_space<vmem_shared>> -> memref<16x64xf32, #tpu.memory_space<vmem_shared>>
        %dma_wait3A_37 = arith.constant 9984 : i32
        %dma_wait3A_38 = arith.constant 0 : i32
        %dma_wait3A_39 = tpu.memref_slice %arg22[%dma_wait3A_37, %dma_wait3A_38] : memref<10000x64xf32, #tpu.memory_space<vmem_shared>> -> memref<16x64xf32, #tpu.memory_space<vmem_shared>>
        %dma_wait3A_40 = arith.constant 0 : i32
        %dma_wait3A_41 = arith.constant 0 : i32
        %dma_wait3A_42 = tpu.memref_slice %arg21[%dma_wait3A_40, %dma_wait3A_41] : memref<624x64xf32, #tpu.memory_space<vmem>> -> memref<16x64xf32, #tpu.memory_space<vmem>>
        tpu.wait_dma2 semaphore(%run_scoped3A : memref<!tpu.dma_semaphore, #tpu.memory_space<semaphore_mem>>) src(%dma_wait3A_42 : memref<16x64xf32, #tpu.memory_space<vmem>>) dst(%dma_wait3A_39 : memref<16x64xf32, #tpu.memory_space<vmem_shared>>)
        tpu.yield
      }) : () -> ()
    } else {
    }
    %barrier3A = arith.constant 0 : index
    tpu.barrier barrier_id(%barrier3A)
    %mul3A_8 = arith.constant 20480 : i32
    %mul3A_9 = arith.muli %arg1, %mul3A_8 : i32
    %scan3A_10 = arith.constant 0 : i32
    %scan3A_11 = arith.constant 32 : i32
    %scan3A_12 = arith.addi %scan3A_10, %scan3A_11 : i32
    %scan3A_13 = arith.constant 1 : i32
    scf.for %scan3A_21 = %scan3A_10 to %scan3A_12 step %scan3A_13  : i32 {
      %mul3A_22 = arith.constant 5 : i32
      %mul3A_23 = arith.muli %scan3A_21, %mul3A_22 : i32
      %mul3A_24 = arith.constant 128 : i32
      %mul3A_25 = arith.muli %mul3A_23, %mul3A_24 : i32
      %add3A = arith.addi %mul3A_9, %mul3A_25 : i32
      %add3A_26 = arith.constant 0 : i32
      %add3A_27 = arith.addi %add3A, %add3A_26 : i32
      %dma_start3A = tpu.memref_slice %arg2[%add3A_27] : memref<327680xi32, #tpu.memory_space<hbm>> -> memref<128xi32, #tpu.memory_space<hbm>>
      %dma_start3A_28 = tpu.memref_slice %arg2[%add3A_27] : memref<327680xi32, #tpu.memory_space<hbm>> -> memref<128xi32, #tpu.memory_space<hbm>>
      tpu.enqueue_dma source(%dma_start3A_28 : memref<128xi32, #tpu.memory_space<hbm>>) target(%arg6 : memref<128xi32, #tpu.memory_space<vmem>>) target_semaphore(%arg23 : memref<!tpu.dma_semaphore, #tpu.memory_space<semaphore_mem>>)
      %dma_start3A_29 = tpu.memref_slice %arg3[%add3A_27] : memref<327680xi32, #tpu.memory_space<hbm>> -> memref<128xi32, #tpu.memory_space<hbm>>
      %dma_start3A_30 = tpu.memref_slice %arg3[%add3A_27] : memref<327680xi32, #tpu.memory_space<hbm>> -> memref<128xi32, #tpu.memory_space<hbm>>
      tpu.enqueue_dma source(%dma_start3A_30 : memref<128xi32, #tpu.memory_space<hbm>>) target(%arg11 : memref<128xi32, #tpu.memory_space<vmem>>) target_semaphore(%arg23 : memref<!tpu.dma_semaphore, #tpu.memory_space<semaphore_mem>>)
      %add3A_31 = arith.constant 128 : i32
      %add3A_32 = arith.addi %add3A, %add3A_31 : i32
      %dma_start3A_33 = tpu.memref_slice %arg2[%add3A_32] : memref<327680xi32, #tpu.memory_space<hbm>> -> memref<128xi32, #tpu.memory_space<hbm>>
      %dma_start3A_34 = tpu.memref_slice %arg2[%add3A_32] : memref<327680xi32, #tpu.memory_space<hbm>> -> memref<128xi32, #tpu.memory_space<hbm>>
      tpu.enqueue_dma source(%dma_start3A_34 : memref<128xi32, #tpu.memory_space<hbm>>) target(%arg7 : memref<128xi32, #tpu.memory_space<vmem>>) target_semaphore(%arg24 : memref<!tpu.dma_semaphore, #tpu.memory_space<semaphore_mem>>)
      %dma_start3A_35 = tpu.memref_slice %arg3[%add3A_32] : memref<327680xi32, #tpu.memory_space<hbm>> -> memref<128xi32, #tpu.memory_space<hbm>>
      %dma_start3A_36 = tpu.memref_slice %arg3[%add3A_32] : memref<327680xi32, #tpu.memory_space<hbm>> -> memref<128xi32, #tpu.memory_space<hbm>>
      tpu.enqueue_dma source(%dma_start3A_36 : memref<128xi32, #tpu.memory_space<hbm>>) target(%arg12 : memref<128xi32, #tpu.memory_space<vmem>>) target_semaphore(%arg24 : memref<!tpu.dma_semaphore, #tpu.memory_space<semaphore_mem>>)
      %add3A_37 = arith.constant 256 : i32
      %add3A_38 = arith.addi %add3A, %add3A_37 : i32
      %dma_start3A_39 = tpu.memref_slice %arg2[%add3A_38] : memref<327680xi32, #tpu.memory_space<hbm>> -> memref<128xi32, #tpu.memory_space<hbm>>
      %dma_start3A_40 = tpu.memref_slice %arg2[%add3A_38] : memref<327680xi32, #tpu.memory_space<hbm>> -> memref<128xi32, #tpu.memory_space<hbm>>
      tpu.enqueue_dma source(%dma_start3A_40 : memref<128xi32, #tpu.memory_space<hbm>>) target(%arg8 : memref<128xi32, #tpu.memory_space<vmem>>) target_semaphore(%arg25 : memref<!tpu.dma_semaphore, #tpu.memory_space<semaphore_mem>>)
      %dma_start3A_41 = tpu.memref_slice %arg3[%add3A_38] : memref<327680xi32, #tpu.memory_space<hbm>> -> memref<128xi32, #tpu.memory_space<hbm>>
      %dma_start3A_42 = tpu.memref_slice %arg3[%add3A_38] : memref<327680xi32, #tpu.memory_space<hbm>> -> memref<128xi32, #tpu.memory_space<hbm>>
      tpu.enqueue_dma source(%dma_start3A_42 : memref<128xi32, #tpu.memory_space<hbm>>) target(%arg13 : memref<128xi32, #tpu.memory_space<vmem>>) target_semaphore(%arg25 : memref<!tpu.dma_semaphore, #tpu.memory_space<semaphore_mem>>)
      %add3A_43 = arith.constant 384 : i32
      %add3A_44 = arith.addi %add3A, %add3A_43 : i32
      %dma_start3A_45 = tpu.memref_slice %arg2[%add3A_44] : memref<327680xi32, #tpu.memory_space<hbm>> -> memref<128xi32, #tpu.memory_space<hbm>>
      %dma_start3A_46 = tpu.memref_slice %arg2[%add3A_44] : memref<327680xi32, #tpu.memory_space<hbm>> -> memref<128xi32, #tpu.memory_space<hbm>>
      tpu.enqueue_dma source(%dma_start3A_46 : memref<128xi32, #tpu.memory_space<hbm>>) target(%arg9 : memref<128xi32, #tpu.memory_space<vmem>>) target_semaphore(%arg26 : memref<!tpu.dma_semaphore, #tpu.memory_space<semaphore_mem>>)
      %dma_start3A_47 = tpu.memref_slice %arg3[%add3A_44] : memref<327680xi32, #tpu.memory_space<hbm>> -> memref<128xi32, #tpu.memory_space<hbm>>
      %dma_start3A_48 = tpu.memref_slice %arg3[%add3A_44] : memref<327680xi32, #tpu.memory_space<hbm>> -> memref<128xi32, #tpu.memory_space<hbm>>
      tpu.enqueue_dma source(%dma_start3A_48 : memref<128xi32, #tpu.memory_space<hbm>>) target(%arg14 : memref<128xi32, #tpu.memory_space<vmem>>) target_semaphore(%arg26 : memref<!tpu.dma_semaphore, #tpu.memory_space<semaphore_mem>>)
      %add3A_49 = arith.constant 512 : i32
      %add3A_50 = arith.addi %add3A, %add3A_49 : i32
      %dma_start3A_51 = tpu.memref_slice %arg2[%add3A_50] : memref<327680xi32, #tpu.memory_space<hbm>> -> memref<128xi32, #tpu.memory_space<hbm>>
      %dma_start3A_52 = tpu.memref_slice %arg2[%add3A_50] : memref<327680xi32, #tpu.memory_space<hbm>> -> memref<128xi32, #tpu.memory_space<hbm>>
      tpu.enqueue_dma source(%dma_start3A_52 : memref<128xi32, #tpu.memory_space<hbm>>) target(%arg10 : memref<128xi32, #tpu.memory_space<vmem>>) target_semaphore(%arg27 : memref<!tpu.dma_semaphore, #tpu.memory_space<semaphore_mem>>)
      %dma_start3A_53 = tpu.memref_slice %arg3[%add3A_50] : memref<327680xi32, #tpu.memory_space<hbm>> -> memref<128xi32, #tpu.memory_space<hbm>>
      %dma_start3A_54 = tpu.memref_slice %arg3[%add3A_50] : memref<327680xi32, #tpu.memory_space<hbm>> -> memref<128xi32, #tpu.memory_space<hbm>>
      tpu.enqueue_dma source(%dma_start3A_54 : memref<128xi32, #tpu.memory_space<hbm>>) target(%arg15 : memref<128xi32, #tpu.memory_space<vmem>>) target_semaphore(%arg27 : memref<!tpu.dma_semaphore, #tpu.memory_space<semaphore_mem>>)
      %dma_wait3A = tpu.memref_slice %arg2[%add3A_27] : memref<327680xi32, #tpu.memory_space<hbm>> -> memref<128xi32, #tpu.memory_space<hbm>>
      %dma_wait3A_55 = tpu.memref_slice %arg2[%add3A_27] : memref<327680xi32, #tpu.memory_space<hbm>> -> memref<128xi32, #tpu.memory_space<hbm>>
      tpu.wait_dma2 semaphore(%arg23 : memref<!tpu.dma_semaphore, #tpu.memory_space<semaphore_mem>>) src(%dma_wait3A_55 : memref<128xi32, #tpu.memory_space<hbm>>) dst(%arg6 : memref<128xi32, #tpu.memory_space<vmem>>)
      %dma_wait3A_56 = tpu.memref_slice %arg3[%add3A_27] : memref<327680xi32, #tpu.memory_space<hbm>> -> memref<128xi32, #tpu.memory_space<hbm>>
      %dma_wait3A_57 = tpu.memref_slice %arg3[%add3A_27] : memref<327680xi32, #tpu.memory_space<hbm>> -> memref<128xi32, #tpu.memory_space<hbm>>
      tpu.wait_dma2 semaphore(%arg23 : memref<!tpu.dma_semaphore, #tpu.memory_space<semaphore_mem>>) src(%dma_wait3A_57 : memref<128xi32, #tpu.memory_space<hbm>>) dst(%arg11 : memref<128xi32, #tpu.memory_space<vmem>>)
      %dma_start3A_58 = arith.constant 0 : i32
      %dma_start3A_59 = arith.constant 0 : i32
      %dma_start3A_60 = tpu.memref_slice %arg4[%arg0, %dma_start3A_58, %dma_start3A_59] : memref<2x10000x64xf32, #tpu.memory_space<hbm>> -> memref<1x10000x64xf32, #tpu.memory_space<hbm>>
      %dma_start3A_61 = tpu.memref_squeeze %dma_start3A_60 : memref<1x10000x64xf32, #tpu.memory_space<hbm>> -> memref<10000x64xf32, #tpu.memory_space<hbm>>
      %dma_start3A_62 = arith.constant 0 : i32
      %dma_start3A_63 = arith.constant 0 : i32
      %dma_start3A_64 = tpu.memref_slice %dma_start3A_61[%dma_start3A_62, %dma_start3A_63] : memref<10000x64xf32, #tpu.memory_space<hbm>> -> memref<10000x64xf32, #tpu.memory_space<hbm>>
      tpu.enqueue_indirect_dma source(%dma_start3A_64 : memref<10000x64xf32, #tpu.memory_space<hbm>>) target(%arg16 : memref<128x64xf32, #tpu.memory_space<vmem>>) offsets(%arg6 : memref<128xi32, #tpu.memory_space<vmem>>) semaphore(%arg28 : memref<!tpu.dma_semaphore, #tpu.memory_space<semaphore_mem>>)
      %dma_wait3A_65 = tpu.memref_slice %arg2[%add3A_32] : memref<327680xi32, #tpu.memory_space<hbm>> -> memref<128xi32, #tpu.memory_space<hbm>>
      %dma_wait3A_66 = tpu.memref_slice %arg2[%add3A_32] : memref<327680xi32, #tpu.memory_space<hbm>> -> memref<128xi32, #tpu.memory_space<hbm>>
      tpu.wait_dma2 semaphore(%arg24 : memref<!tpu.dma_semaphore, #tpu.memory_space<semaphore_mem>>) src(%dma_wait3A_66 : memref<128xi32, #tpu.memory_space<hbm>>) dst(%arg7 : memref<128xi32, #tpu.memory_space<vmem>>)
      %dma_wait3A_67 = tpu.memref_slice %arg3[%add3A_32] : memref<327680xi32, #tpu.memory_space<hbm>> -> memref<128xi32, #tpu.memory_space<hbm>>
      %dma_wait3A_68 = tpu.memref_slice %arg3[%add3A_32] : memref<327680xi32, #tpu.memory_space<hbm>> -> memref<128xi32, #tpu.memory_space<hbm>>
      tpu.wait_dma2 semaphore(%arg24 : memref<!tpu.dma_semaphore, #tpu.memory_space<semaphore_mem>>) src(%dma_wait3A_68 : memref<128xi32, #tpu.memory_space<hbm>>) dst(%arg12 : memref<128xi32, #tpu.memory_space<vmem>>)
      %dma_start3A_69 = arith.constant 0 : i32
      %dma_start3A_70 = arith.constant 0 : i32
      %dma_start3A_71 = tpu.memref_slice %arg4[%arg0, %dma_start3A_69, %dma_start3A_70] : memref<2x10000x64xf32, #tpu.memory_space<hbm>> -> memref<1x10000x64xf32, #tpu.memory_space<hbm>>
      %dma_start3A_72 = tpu.memref_squeeze %dma_start3A_71 : memref<1x10000x64xf32, #tpu.memory_space<hbm>> -> memref<10000x64xf32, #tpu.memory_space<hbm>>
      %dma_start3A_73 = arith.constant 0 : i32
      %dma_start3A_74 = arith.constant 0 : i32
      %dma_start3A_75 = tpu.memref_slice %dma_start3A_72[%dma_start3A_73, %dma_start3A_74] : memref<10000x64xf32, #tpu.memory_space<hbm>> -> memref<10000x64xf32, #tpu.memory_space<hbm>>
      tpu.enqueue_indirect_dma source(%dma_start3A_75 : memref<10000x64xf32, #tpu.memory_space<hbm>>) target(%arg17 : memref<128x64xf32, #tpu.memory_space<vmem>>) offsets(%arg7 : memref<128xi32, #tpu.memory_space<vmem>>) semaphore(%arg29 : memref<!tpu.dma_semaphore, #tpu.memory_space<semaphore_mem>>)
      %dma_wait3A_76 = tpu.memref_slice %arg2[%add3A_38] : memref<327680xi32, #tpu.memory_space<hbm>> -> memref<128xi32, #tpu.memory_space<hbm>>
      %dma_wait3A_77 = tpu.memref_slice %arg2[%add3A_38] : memref<327680xi32, #tpu.memory_space<hbm>> -> memref<128xi32, #tpu.memory_space<hbm>>
      tpu.wait_dma2 semaphore(%arg25 : memref<!tpu.dma_semaphore, #tpu.memory_space<semaphore_mem>>) src(%dma_wait3A_77 : memref<128xi32, #tpu.memory_space<hbm>>) dst(%arg8 : memref<128xi32, #tpu.memory_space<vmem>>)
      %dma_wait3A_78 = tpu.memref_slice %arg3[%add3A_38] : memref<327680xi32, #tpu.memory_space<hbm>> -> memref<128xi32, #tpu.memory_space<hbm>>
      %dma_wait3A_79 = tpu.memref_slice %arg3[%add3A_38] : memref<327680xi32, #tpu.memory_space<hbm>> -> memref<128xi32, #tpu.memory_space<hbm>>
      tpu.wait_dma2 semaphore(%arg25 : memref<!tpu.dma_semaphore, #tpu.memory_space<semaphore_mem>>) src(%dma_wait3A_79 : memref<128xi32, #tpu.memory_space<hbm>>) dst(%arg13 : memref<128xi32, #tpu.memory_space<vmem>>)
      %dma_start3A_80 = arith.constant 0 : i32
      %dma_start3A_81 = arith.constant 0 : i32
      %dma_start3A_82 = tpu.memref_slice %arg4[%arg0, %dma_start3A_80, %dma_start3A_81] : memref<2x10000x64xf32, #tpu.memory_space<hbm>> -> memref<1x10000x64xf32, #tpu.memory_space<hbm>>
      %dma_start3A_83 = tpu.memref_squeeze %dma_start3A_82 : memref<1x10000x64xf32, #tpu.memory_space<hbm>> -> memref<10000x64xf32, #tpu.memory_space<hbm>>
      %dma_start3A_84 = arith.constant 0 : i32
      %dma_start3A_85 = arith.constant 0 : i32
      %dma_start3A_86 = tpu.memref_slice %dma_start3A_83[%dma_start3A_84, %dma_start3A_85] : memref<10000x64xf32, #tpu.memory_space<hbm>> -> memref<10000x64xf32, #tpu.memory_space<hbm>>
      tpu.enqueue_indirect_dma source(%dma_start3A_86 : memref<10000x64xf32, #tpu.memory_space<hbm>>) target(%arg18 : memref<128x64xf32, #tpu.memory_space<vmem>>) offsets(%arg8 : memref<128xi32, #tpu.memory_space<vmem>>) semaphore(%arg30 : memref<!tpu.dma_semaphore, #tpu.memory_space<semaphore_mem>>)
      %dma_wait3A_87 = tpu.memref_slice %arg2[%add3A_44] : memref<327680xi32, #tpu.memory_space<hbm>> -> memref<128xi32, #tpu.memory_space<hbm>>
      %dma_wait3A_88 = tpu.memref_slice %arg2[%add3A_44] : memref<327680xi32, #tpu.memory_space<hbm>> -> memref<128xi32, #tpu.memory_space<hbm>>
      tpu.wait_dma2 semaphore(%arg26 : memref<!tpu.dma_semaphore, #tpu.memory_space<semaphore_mem>>) src(%dma_wait3A_88 : memref<128xi32, #tpu.memory_space<hbm>>) dst(%arg9 : memref<128xi32, #tpu.memory_space<vmem>>)
      %dma_wait3A_89 = tpu.memref_slice %arg3[%add3A_44] : memref<327680xi32, #tpu.memory_space<hbm>> -> memref<128xi32, #tpu.memory_space<hbm>>
      %dma_wait3A_90 = tpu.memref_slice %arg3[%add3A_44] : memref<327680xi32, #tpu.memory_space<hbm>> -> memref<128xi32, #tpu.memory_space<hbm>>
      tpu.wait_dma2 semaphore(%arg26 : memref<!tpu.dma_semaphore, #tpu.memory_space<semaphore_mem>>) src(%dma_wait3A_90 : memref<128xi32, #tpu.memory_space<hbm>>) dst(%arg14 : memref<128xi32, #tpu.memory_space<vmem>>)
      %dma_start3A_91 = arith.constant 0 : i32
      %dma_start3A_92 = arith.constant 0 : i32
      %dma_start3A_93 = tpu.memref_slice %arg4[%arg0, %dma_start3A_91, %dma_start3A_92] : memref<2x10000x64xf32, #tpu.memory_space<hbm>> -> memref<1x10000x64xf32, #tpu.memory_space<hbm>>
      %dma_start3A_94 = tpu.memref_squeeze %dma_start3A_93 : memref<1x10000x64xf32, #tpu.memory_space<hbm>> -> memref<10000x64xf32, #tpu.memory_space<hbm>>
      %dma_start3A_95 = arith.constant 0 : i32
      %dma_start3A_96 = arith.constant 0 : i32
      %dma_start3A_97 = tpu.memref_slice %dma_start3A_94[%dma_start3A_95, %dma_start3A_96] : memref<10000x64xf32, #tpu.memory_space<hbm>> -> memref<10000x64xf32, #tpu.memory_space<hbm>>
      tpu.enqueue_indirect_dma source(%dma_start3A_97 : memref<10000x64xf32, #tpu.memory_space<hbm>>) target(%arg19 : memref<128x64xf32, #tpu.memory_space<vmem>>) offsets(%arg9 : memref<128xi32, #tpu.memory_space<vmem>>) semaphore(%arg31 : memref<!tpu.dma_semaphore, #tpu.memory_space<semaphore_mem>>)
      %dma_wait3A_98 = tpu.memref_slice %arg2[%add3A_50] : memref<327680xi32, #tpu.memory_space<hbm>> -> memref<128xi32, #tpu.memory_space<hbm>>
      %dma_wait3A_99 = tpu.memref_slice %arg2[%add3A_50] : memref<327680xi32, #tpu.memory_space<hbm>> -> memref<128xi32, #tpu.memory_space<hbm>>
      tpu.wait_dma2 semaphore(%arg27 : memref<!tpu.dma_semaphore, #tpu.memory_space<semaphore_mem>>) src(%dma_wait3A_99 : memref<128xi32, #tpu.memory_space<hbm>>) dst(%arg10 : memref<128xi32, #tpu.memory_space<vmem>>)
      %dma_wait3A_100 = tpu.memref_slice %arg3[%add3A_50] : memref<327680xi32, #tpu.memory_space<hbm>> -> memref<128xi32, #tpu.memory_space<hbm>>
      %dma_wait3A_101 = tpu.memref_slice %arg3[%add3A_50] : memref<327680xi32, #tpu.memory_space<hbm>> -> memref<128xi32, #tpu.memory_space<hbm>>
      tpu.wait_dma2 semaphore(%arg27 : memref<!tpu.dma_semaphore, #tpu.memory_space<semaphore_mem>>) src(%dma_wait3A_101 : memref<128xi32, #tpu.memory_space<hbm>>) dst(%arg15 : memref<128xi32, #tpu.memory_space<vmem>>)
      %dma_start3A_102 = arith.constant 0 : i32
      %dma_start3A_103 = arith.constant 0 : i32
      %dma_start3A_104 = tpu.memref_slice %arg4[%arg0, %dma_start3A_102, %dma_start3A_103] : memref<2x10000x64xf32, #tpu.memory_space<hbm>> -> memref<1x10000x64xf32, #tpu.memory_space<hbm>>
      %dma_start3A_105 = tpu.memref_squeeze %dma_start3A_104 : memref<1x10000x64xf32, #tpu.memory_space<hbm>> -> memref<10000x64xf32, #tpu.memory_space<hbm>>
      %dma_start3A_106 = arith.constant 0 : i32
      %dma_start3A_107 = arith.constant 0 : i32
      %dma_start3A_108 = tpu.memref_slice %dma_start3A_105[%dma_start3A_106, %dma_start3A_107] : memref<10000x64xf32, #tpu.memory_space<hbm>> -> memref<10000x64xf32, #tpu.memory_space<hbm>>
      tpu.enqueue_indirect_dma source(%dma_start3A_108 : memref<10000x64xf32, #tpu.memory_space<hbm>>) target(%arg20 : memref<128x64xf32, #tpu.memory_space<vmem>>) offsets(%arg10 : memref<128xi32, #tpu.memory_space<vmem>>) semaphore(%arg32 : memref<!tpu.dma_semaphore, #tpu.memory_space<semaphore_mem>>)
      %dma_wait3A_109 = arith.constant 0 : i32
      %dma_wait3A_110 = arith.constant 0 : i32
      %dma_wait3A_111 = tpu.memref_slice %arg4[%arg0, %dma_wait3A_109, %dma_wait3A_110] : memref<2x10000x64xf32, #tpu.memory_space<hbm>> -> memref<1x10000x64xf32, #tpu.memory_space<hbm>>
      %dma_wait3A_112 = tpu.memref_squeeze %dma_wait3A_111 : memref<1x10000x64xf32, #tpu.memory_space<hbm>> -> memref<10000x64xf32, #tpu.memory_space<hbm>>
      %dma_wait3A_113 = arith.constant 0 : i32
      %dma_wait3A_114 = arith.constant 0 : i32
      %dma_wait3A_115 = tpu.memref_slice %dma_wait3A_112[%dma_wait3A_113, %dma_wait3A_114] : memref<10000x64xf32, #tpu.memory_space<hbm>> -> memref<10000x64xf32, #tpu.memory_space<hbm>>
      tpu.wait_indirect_dma semaphore(%arg28 : memref<!tpu.dma_semaphore, #tpu.memory_space<semaphore_mem>>) src(%dma_wait3A_115 : memref<10000x64xf32, #tpu.memory_space<hbm>>) dst(%arg16 : memref<128x64xf32, #tpu.memory_space<vmem>>)
      %dma_start3A_116 = arith.constant 0 : i32
      %dma_start3A_117 = arith.constant 0 : i32
      %dma_start3A_118 = tpu.memref_slice %arg22[%dma_start3A_116, %dma_start3A_117] : memref<10000x64xf32, #tpu.memory_space<vmem_shared>> -> memref<10000x64xf32, #tpu.memory_space<vmem_shared>>
      tpu.enqueue_indirect_dma source(%arg16 : memref<128x64xf32, #tpu.memory_space<vmem>>) target(%dma_start3A_118 : memref<10000x64xf32, #tpu.memory_space<vmem_shared>>) offsets(%arg11 : memref<128xi32, #tpu.memory_space<vmem>>) semaphore(%arg33 : memref<!tpu.dma_semaphore, #tpu.memory_space<semaphore_mem>>) {add = true}
      %dma_wait3A_119 = arith.constant 0 : i32
      %dma_wait3A_120 = arith.constant 0 : i32
      %dma_wait3A_121 = tpu.memref_slice %arg4[%arg0, %dma_wait3A_119, %dma_wait3A_120] : memref<2x10000x64xf32, #tpu.memory_space<hbm>> -> memref<1x10000x64xf32, #tpu.memory_space<hbm>>
      %dma_wait3A_122 = tpu.memref_squeeze %dma_wait3A_121 : memref<1x10000x64xf32, #tpu.memory_space<hbm>> -> memref<10000x64xf32, #tpu.memory_space<hbm>>
      %dma_wait3A_123 = arith.constant 0 : i32
      %dma_wait3A_124 = arith.constant 0 : i32
      %dma_wait3A_125 = tpu.memref_slice %dma_wait3A_122[%dma_wait3A_123, %dma_wait3A_124] : memref<10000x64xf32, #tpu.memory_space<hbm>> -> memref<10000x64xf32, #tpu.memory_space<hbm>>
      tpu.wait_indirect_dma semaphore(%arg29 : memref<!tpu.dma_semaphore, #tpu.memory_space<semaphore_mem>>) src(%dma_wait3A_125 : memref<10000x64xf32, #tpu.memory_space<hbm>>) dst(%arg17 : memref<128x64xf32, #tpu.memory_space<vmem>>)
      %dma_start3A_126 = arith.constant 0 : i32
      %dma_start3A_127 = arith.constant 0 : i32
      %dma_start3A_128 = tpu.memref_slice %arg22[%dma_start3A_126, %dma_start3A_127] : memref<10000x64xf32, #tpu.memory_space<vmem_shared>> -> memref<10000x64xf32, #tpu.memory_space<vmem_shared>>
      tpu.enqueue_indirect_dma source(%arg17 : memref<128x64xf32, #tpu.memory_space<vmem>>) target(%dma_start3A_128 : memref<10000x64xf32, #tpu.memory_space<vmem_shared>>) offsets(%arg12 : memref<128xi32, #tpu.memory_space<vmem>>) semaphore(%arg34 : memref<!tpu.dma_semaphore, #tpu.memory_space<semaphore_mem>>) {add = true}
      %dma_wait3A_129 = arith.constant 0 : i32
      %dma_wait3A_130 = arith.constant 0 : i32
      %dma_wait3A_131 = tpu.memref_slice %arg4[%arg0, %dma_wait3A_129, %dma_wait3A_130] : memref<2x10000x64xf32, #tpu.memory_space<hbm>> -> memref<1x10000x64xf32, #tpu.memory_space<hbm>>
      %dma_wait3A_132 = tpu.memref_squeeze %dma_wait3A_131 : memref<1x10000x64xf32, #tpu.memory_space<hbm>> -> memref<10000x64xf32, #tpu.memory_space<hbm>>
      %dma_wait3A_133 = arith.constant 0 : i32
      %dma_wait3A_134 = arith.constant 0 : i32
      %dma_wait3A_135 = tpu.memref_slice %dma_wait3A_132[%dma_wait3A_133, %dma_wait3A_134] : memref<10000x64xf32, #tpu.memory_space<hbm>> -> memref<10000x64xf32, #tpu.memory_space<hbm>>
      tpu.wait_indirect_dma semaphore(%arg30 : memref<!tpu.dma_semaphore, #tpu.memory_space<semaphore_mem>>) src(%dma_wait3A_135 : memref<10000x64xf32, #tpu.memory_space<hbm>>) dst(%arg18 : memref<128x64xf32, #tpu.memory_space<vmem>>)
      %dma_start3A_136 = arith.constant 0 : i32
      %dma_start3A_137 = arith.constant 0 : i32
      %dma_start3A_138 = tpu.memref_slice %arg22[%dma_start3A_136, %dma_start3A_137] : memref<10000x64xf32, #tpu.memory_space<vmem_shared>> -> memref<10000x64xf32, #tpu.memory_space<vmem_shared>>
      tpu.enqueue_indirect_dma source(%arg18 : memref<128x64xf32, #tpu.memory_space<vmem>>) target(%dma_start3A_138 : memref<10000x64xf32, #tpu.memory_space<vmem_shared>>) offsets(%arg13 : memref<128xi32, #tpu.memory_space<vmem>>) semaphore(%arg35 : memref<!tpu.dma_semaphore, #tpu.memory_space<semaphore_mem>>) {add = true}
      %dma_wait3A_139 = arith.constant 0 : i32
      %dma_wait3A_140 = arith.constant 0 : i32
      %dma_wait3A_141 = tpu.memref_slice %arg4[%arg0, %dma_wait3A_139, %dma_wait3A_140] : memref<2x10000x64xf32, #tpu.memory_space<hbm>> -> memref<1x10000x64xf32, #tpu.memory_space<hbm>>
      %dma_wait3A_142 = tpu.memref_squeeze %dma_wait3A_141 : memref<1x10000x64xf32, #tpu.memory_space<hbm>> -> memref<10000x64xf32, #tpu.memory_space<hbm>>
      %dma_wait3A_143 = arith.constant 0 : i32
      %dma_wait3A_144 = arith.constant 0 : i32
      %dma_wait3A_145 = tpu.memref_slice %dma_wait3A_142[%dma_wait3A_143, %dma_wait3A_144] : memref<10000x64xf32, #tpu.memory_space<hbm>> -> memref<10000x64xf32, #tpu.memory_space<hbm>>
      tpu.wait_indirect_dma semaphore(%arg31 : memref<!tpu.dma_semaphore, #tpu.memory_space<semaphore_mem>>) src(%dma_wait3A_145 : memref<10000x64xf32, #tpu.memory_space<hbm>>) dst(%arg19 : memref<128x64xf32, #tpu.memory_space<vmem>>)
      %dma_start3A_146 = arith.constant 0 : i32
      %dma_start3A_147 = arith.constant 0 : i32
      %dma_start3A_148 = tpu.memref_slice %arg22[%dma_start3A_146, %dma_start3A_147] : memref<10000x64xf32, #tpu.memory_space<vmem_shared>> -> memref<10000x64xf32, #tpu.memory_space<vmem_shared>>
      tpu.enqueue_indirect_dma source(%arg19 : memref<128x64xf32, #tpu.memory_space<vmem>>) target(%dma_start3A_148 : memref<10000x64xf32, #tpu.memory_space<vmem_shared>>) offsets(%arg14 : memref<128xi32, #tpu.memory_space<vmem>>) semaphore(%arg36 : memref<!tpu.dma_semaphore, #tpu.memory_space<semaphore_mem>>) {add = true}
      %dma_wait3A_149 = arith.constant 0 : i32
      %dma_wait3A_150 = arith.constant 0 : i32
      %dma_wait3A_151 = tpu.memref_slice %arg4[%arg0, %dma_wait3A_149, %dma_wait3A_150] : memref<2x10000x64xf32, #tpu.memory_space<hbm>> -> memref<1x10000x64xf32, #tpu.memory_space<hbm>>
      %dma_wait3A_152 = tpu.memref_squeeze %dma_wait3A_151 : memref<1x10000x64xf32, #tpu.memory_space<hbm>> -> memref<10000x64xf32, #tpu.memory_space<hbm>>
      %dma_wait3A_153 = arith.constant 0 : i32
      %dma_wait3A_154 = arith.constant 0 : i32
      %dma_wait3A_155 = tpu.memref_slice %dma_wait3A_152[%dma_wait3A_153, %dma_wait3A_154] : memref<10000x64xf32, #tpu.memory_space<hbm>> -> memref<10000x64xf32, #tpu.memory_space<hbm>>
      tpu.wait_indirect_dma semaphore(%arg32 : memref<!tpu.dma_semaphore, #tpu.memory_space<semaphore_mem>>) src(%dma_wait3A_155 : memref<10000x64xf32, #tpu.memory_space<hbm>>) dst(%arg20 : memref<128x64xf32, #tpu.memory_space<vmem>>)
      %dma_start3A_156 = arith.constant 0 : i32
      %dma_start3A_157 = arith.constant 0 : i32
      %dma_start3A_158 = tpu.memref_slice %arg22[%dma_start3A_156, %dma_start3A_157] : memref<10000x64xf32, #tpu.memory_space<vmem_shared>> -> memref<10000x64xf32, #tpu.memory_space<vmem_shared>>
      tpu.enqueue_indirect_dma source(%arg20 : memref<128x64xf32, #tpu.memory_space<vmem>>) target(%dma_start3A_158 : memref<10000x64xf32, #tpu.memory_space<vmem_shared>>) offsets(%arg15 : memref<128xi32, #tpu.memory_space<vmem>>) semaphore(%arg37 : memref<!tpu.dma_semaphore, #tpu.memory_space<semaphore_mem>>) {add = true}
      %dma_wait3A_159 = arith.constant 0 : i32
      %dma_wait3A_160 = arith.constant 0 : i32
      %dma_wait3A_161 = tpu.memref_slice %arg22[%dma_wait3A_159, %dma_wait3A_160] : memref<10000x64xf32, #tpu.memory_space<vmem_shared>> -> memref<10000x64xf32, #tpu.memory_space<vmem_shared>>
      tpu.wait_indirect_dma semaphore(%arg33 : memref<!tpu.dma_semaphore, #tpu.memory_space<semaphore_mem>>) src(%arg16 : memref<128x64xf32, #tpu.memory_space<vmem>>) dst(%dma_wait3A_161 : memref<10000x64xf32, #tpu.memory_space<vmem_shared>>)
      %dma_wait3A_162 = arith.constant 0 : i32
      %dma_wait3A_163 = arith.constant 0 : i32
      %dma_wait3A_164 = tpu.memref_slice %arg22[%dma_wait3A_162, %dma_wait3A_163] : memref<10000x64xf32, #tpu.memory_space<vmem_shared>> -> memref<10000x64xf32, #tpu.memory_space<vmem_shared>>
      tpu.wait_indirect_dma semaphore(%arg34 : memref<!tpu.dma_semaphore, #tpu.memory_space<semaphore_mem>>) src(%arg17 : memref<128x64xf32, #tpu.memory_space<vmem>>) dst(%dma_wait3A_164 : memref<10000x64xf32, #tpu.memory_space<vmem_shared>>)
      %dma_wait3A_165 = arith.constant 0 : i32
      %dma_wait3A_166 = arith.constant 0 : i32
      %dma_wait3A_167 = tpu.memref_slice %arg22[%dma_wait3A_165, %dma_wait3A_166] : memref<10000x64xf32, #tpu.memory_space<vmem_shared>> -> memref<10000x64xf32, #tpu.memory_space<vmem_shared>>
      tpu.wait_indirect_dma semaphore(%arg35 : memref<!tpu.dma_semaphore, #tpu.memory_space<semaphore_mem>>) src(%arg18 : memref<128x64xf32, #tpu.memory_space<vmem>>) dst(%dma_wait3A_167 : memref<10000x64xf32, #tpu.memory_space<vmem_shared>>)
      %dma_wait3A_168 = arith.constant 0 : i32
      %dma_wait3A_169 = arith.constant 0 : i32
      %dma_wait3A_170 = tpu.memref_slice %arg22[%dma_wait3A_168, %dma_wait3A_169] : memref<10000x64xf32, #tpu.memory_space<vmem_shared>> -> memref<10000x64xf32, #tpu.memory_space<vmem_shared>>
      tpu.wait_indirect_dma semaphore(%arg36 : memref<!tpu.dma_semaphore, #tpu.memory_space<semaphore_mem>>) src(%arg19 : memref<128x64xf32, #tpu.memory_space<vmem>>) dst(%dma_wait3A_170 : memref<10000x64xf32, #tpu.memory_space<vmem_shared>>)
      %dma_wait3A_171 = arith.constant 0 : i32
      %dma_wait3A_172 = arith.constant 0 : i32
      %dma_wait3A_173 = tpu.memref_slice %arg22[%dma_wait3A_171, %dma_wait3A_172] : memref<10000x64xf32, #tpu.memory_space<vmem_shared>> -> memref<10000x64xf32, #tpu.memory_space<vmem_shared>>
      tpu.wait_indirect_dma semaphore(%arg37 : memref<!tpu.dma_semaphore, #tpu.memory_space<semaphore_mem>>) src(%arg20 : memref<128x64xf32, #tpu.memory_space<vmem>>) dst(%dma_wait3A_173 : memref<10000x64xf32, #tpu.memory_space<vmem_shared>>)
    }
    %scan3A_14 = arith.constant 32 : i32
    %barrier3A_15 = arith.constant 0 : index
    tpu.barrier barrier_id(%barrier3A_15)
    "tpu.region"() ({
      %run_scoped3A = tpu.sem_alloc : memref<!tpu.dma_semaphore, #tpu.memory_space<semaphore_mem>>
      %dma_start3A = arith.constant 0 : i32
      %dma_start3A_21 = tpu.memref_slice %arg5[%arg0, %mul3A_5, %dma_start3A] : memref<2x10000x64xf32, #tpu.memory_space<hbm>> -> memref<1x624x64xf32, #tpu.memory_space<hbm>>
      %dma_start3A_22 = tpu.memref_squeeze %dma_start3A_21 : memref<1x624x64xf32, #tpu.memory_space<hbm>> -> memref<624x64xf32, #tpu.memory_space<hbm>>
      %dma_start3A_23 = arith.constant 0 : i32
      %dma_start3A_24 = tpu.memref_slice %arg22[%mul3A_5, %dma_start3A_23] : memref<10000x64xf32, #tpu.memory_space<vmem_shared>> -> memref<624x64xf32, #tpu.memory_space<vmem_shared>>
      tpu.enqueue_dma source(%dma_start3A_24 : memref<624x64xf32, #tpu.memory_space<vmem_shared>>) target(%dma_start3A_22 : memref<624x64xf32, #tpu.memory_space<hbm>>) target_semaphore(%run_scoped3A : memref<!tpu.dma_semaphore, #tpu.memory_space<semaphore_mem>>)
      %dma_wait3A = arith.constant 0 : i32
      %dma_wait3A_25 = tpu.memref_slice %arg5[%arg0, %mul3A_5, %dma_wait3A] : memref<2x10000x64xf32, #tpu.memory_space<hbm>> -> memref<1x624x64xf32, #tpu.memory_space<hbm>>
      %dma_wait3A_26 = tpu.memref_squeeze %dma_wait3A_25 : memref<1x624x64xf32, #tpu.memory_space<hbm>> -> memref<624x64xf32, #tpu.memory_space<hbm>>
      %dma_wait3A_27 = arith.constant 0 : i32
      %dma_wait3A_28 = tpu.memref_slice %arg22[%mul3A_5, %dma_wait3A_27] : memref<10000x64xf32, #tpu.memory_space<vmem_shared>> -> memref<624x64xf32, #tpu.memory_space<vmem_shared>>
      tpu.wait_dma2 semaphore(%run_scoped3A : memref<!tpu.dma_semaphore, #tpu.memory_space<semaphore_mem>>) src(%dma_wait3A_28 : memref<624x64xf32, #tpu.memory_space<vmem_shared>>) dst(%dma_wait3A_26 : memref<624x64xf32, #tpu.memory_space<hbm>>)
      tpu.yield
    }) : () -> ()
    %eq3A_16 = arith.constant 15 : i32
    %eq3A_17 = arith.cmpi eq, %arg1, %eq3A_16 : i32
    %convert_element_type3A_18 = arith.extui %eq3A_17 : i1 to i32
    %cond3A_19 = arith.constant 0 : i32
    %cond3A_20 = arith.cmpi ne, %convert_element_type3A_18, %cond3A_19 : i32
    scf.if %cond3A_20 {
      "tpu.region"() ({
        %run_scoped3A = tpu.sem_alloc : memref<!tpu.dma_semaphore, #tpu.memory_space<semaphore_mem>>
        %dma_start3A = arith.constant 9984 : i32
        %dma_start3A_21 = arith.constant 0 : i32
        %dma_start3A_22 = tpu.memref_slice %arg5[%arg0, %dma_start3A, %dma_start3A_21] : memref<2x10000x64xf32, #tpu.memory_space<hbm>> -> memref<1x16x64xf32, #tpu.memory_space<hbm>>
        %dma_start3A_23 = tpu.memref_squeeze %dma_start3A_22 : memref<1x16x64xf32, #tpu.memory_space<hbm>> -> memref<16x64xf32, #tpu.memory_space<hbm>>
        %dma_start3A_24 = arith.constant 9984 : i32
        %dma_start3A_25 = arith.constant 0 : i32
        %dma_start3A_26 = tpu.memref_slice %arg22[%dma_start3A_24, %dma_start3A_25] : memref<10000x64xf32, #tpu.memory_space<vmem_shared>> -> memref<16x64xf32, #tpu.memory_space<vmem_shared>>
        tpu.enqueue_dma source(%dma_start3A_26 : memref<16x64xf32, #tpu.memory_space<vmem_shared>>) target(%dma_start3A_23 : memref<16x64xf32, #tpu.memory_space<hbm>>) target_semaphore(%run_scoped3A : memref<!tpu.dma_semaphore, #tpu.memory_space<semaphore_mem>>)
        %dma_wait3A = arith.constant 9984 : i32
        %dma_wait3A_27 = arith.constant 0 : i32
        %dma_wait3A_28 = tpu.memref_slice %arg5[%arg0, %dma_wait3A, %dma_wait3A_27] : memref<2x10000x64xf32, #tpu.memory_space<hbm>> -> memref<1x16x64xf32, #tpu.memory_space<hbm>>
        %dma_wait3A_29 = tpu.memref_squeeze %dma_wait3A_28 : memref<1x16x64xf32, #tpu.memory_space<hbm>> -> memref<16x64xf32, #tpu.memory_space<hbm>>
        %dma_wait3A_30 = arith.constant 9984 : i32
        %dma_wait3A_31 = arith.constant 0 : i32
        %dma_wait3A_32 = tpu.memref_slice %arg22[%dma_wait3A_30, %dma_wait3A_31] : memref<10000x64xf32, #tpu.memory_space<vmem_shared>> -> memref<16x64xf32, #tpu.memory_space<vmem_shared>>
        tpu.wait_dma2 semaphore(%run_scoped3A : memref<!tpu.dma_semaphore, #tpu.memory_space<semaphore_mem>>) src(%dma_wait3A_32 : memref<16x64xf32, #tpu.memory_space<vmem_shared>>) dst(%dma_wait3A_29 : memref<16x64xf32, #tpu.memory_space<hbm>>)
        tpu.yield
      }) : () -> ()
    } else {
    }
    return
  }
}

module attributes {stable_mosaic.version = 14 : i64} {
  func.func @body(%arg0: memref<2x10000x64xf32, #tpu.memory_space<vmem>>, %arg1: memref<2x10000x64xf32, #tpu.memory_space<vmem>>, %arg2: memref<128x128xf32, #tpu.memory_space<vmem>>, %arg3: memref<1x128xf32, #tpu.memory_space<vmem>>, %arg4: memref<1x1xf32, #tpu.memory_space<smem>>, %arg5: memref<1x128xf32, #tpu.memory_space<vmem>>, %arg6: memref<1x128xf32, #tpu.memory_space<vmem>>, %arg7: memref<2x10000x64xf32, #tpu.memory_space<vmem>>) attributes {dimension_semantics = [], scalar_prefetch = 0 : i64, scratch_operands = 0 : i64, tpu.core_type = #tpu.core_type<tc>} {
    %get3A = arith.constant 0 : index
    %get3A_0 = arith.constant 0 : index
    %get3A_1 = arith.constant 0 : index
    %get3A_2 = vector.load %arg0[%get3A, %get3A_0, %get3A_1] : memref<2x10000x64xf32, #tpu.memory_space<vmem>>, vector<1x10000x64xf32>
    %get3A_3 = vector.shape_cast %get3A_2 : vector<1x10000x64xf32> to vector<10000x64xf32>
    %get3A_4 = arith.constant 1 : index
    %get3A_5 = arith.constant 0 : index
    %get3A_6 = arith.constant 0 : index
    %get3A_7 = vector.load %arg0[%get3A_4, %get3A_5, %get3A_6] : memref<2x10000x64xf32, #tpu.memory_space<vmem>>, vector<1x10000x64xf32>
    %get3A_8 = vector.shape_cast %get3A_7 : vector<1x10000x64xf32> to vector<10000x64xf32>
    %concatenate3A = tpu.concatenate %get3A_3, %get3A_8 in 1 : vector<10000x64xf32>, vector<10000x64xf32> -> vector<10000x128xf32>
    %get3A_9 = arith.constant 0 : index
    %get3A_10 = arith.constant 0 : index
    %get3A_11 = arith.constant 0 : index
    %get3A_12 = vector.load %arg1[%get3A_9, %get3A_10, %get3A_11] : memref<2x10000x64xf32, #tpu.memory_space<vmem>>, vector<1x10000x64xf32>
    %get3A_13 = vector.shape_cast %get3A_12 : vector<1x10000x64xf32> to vector<10000x64xf32>
    %get3A_14 = arith.constant 1 : index
    %get3A_15 = arith.constant 0 : index
    %get3A_16 = arith.constant 0 : index
    %get3A_17 = vector.load %arg1[%get3A_14, %get3A_15, %get3A_16] : memref<2x10000x64xf32, #tpu.memory_space<vmem>>, vector<1x10000x64xf32>
    %get3A_18 = vector.shape_cast %get3A_17 : vector<1x10000x64xf32> to vector<10000x64xf32>
    %concatenate3A_19 = tpu.concatenate %get3A_13, %get3A_18 in 1 : vector<10000x64xf32>, vector<10000x64xf32> -> vector<10000x128xf32>
    %iota3A = tpu.iota {dimensions = array<i32: 0>} : vector<10000x1xi32>
    %lt3A = arith.constant 7680 : i32
    %lt3A_20 = vector.broadcast %lt3A : i32 to vector<10000x1xi32>
    %lt3A_21 = arith.cmpi slt, %iota3A, %lt3A_20 : vector<10000x1xi32>
    %jit3A = arith.constant 1.000000e+00 : f32
    %jit3A_22 = arith.constant 0.000000e+00 : f32
    %broadcast_in_dim3A = vector.broadcast %jit3A : f32 to vector<10000x1xf32>
    %broadcast_in_dim3A_23 = vector.broadcast %jit3A_22 : f32 to vector<10000x1xf32>
    %select_n3A = arith.select %lt3A_21, %broadcast_in_dim3A, %broadcast_in_dim3A_23 : vector<10000x1xi1>, vector<10000x1xf32>
    %mul3A = vector.broadcast %select_n3A : vector<10000x1xf32> to vector<10000x128xf32>
    %mul3A_24 = arith.mulf %mul3A, %concatenate3A : vector<10000x128xf32>
    %sub3A = arith.subf %concatenate3A_19, %mul3A_24 : vector<10000x128xf32>
    %get3A_25 = arith.constant 0 : index
    %get3A_26 = arith.constant 0 : index
    %get3A_27 = memref.load %arg4[%get3A_25, %get3A_26] : memref<1x1xf32, #tpu.memory_space<smem>>
    %mul3A_28 = vector.broadcast %get3A_27 : f32 to vector<10000x128xf32>
    %mul3A_29 = arith.mulf %mul3A_28, %concatenate3A : vector<10000x128xf32>
    %add3A = arith.addf %mul3A_29, %sub3A : vector<10000x128xf32>
    %get3A_30 = arith.constant 0 : index
    %get3A_31 = arith.constant 0 : index
    %get3A_32 = vector.load %arg2[%get3A_30, %get3A_31] : memref<128x128xf32, #tpu.memory_space<vmem>>, vector<128x128xf32>
    %dot_general3A = arith.constant dense<0.000000e+00> : vector<10000x128xf32>
    %dot_general3A_33 = tpu.matmul %add3A, %get3A_32, %dot_general3A {dimension_numbers = #tpu.dot_dimension_numbers<[1], [0], [0], [1], [0, 0, 1, 1], [], []>, transpose_lhs_hint = false} : vector<10000x128xf32>, vector<128x128xf32>, vector<10000x128xf32> -> vector<10000x128xf32>
    %get3A_34 = arith.constant 0 : index
    %get3A_35 = arith.constant 0 : index
    %get3A_36 = vector.load %arg3[%get3A_34, %get3A_35] : memref<1x128xf32, #tpu.memory_space<vmem>>, vector<1x128xf32>
    %add3A_37 = vector.broadcast %get3A_36 : vector<1x128xf32> to vector<10000x128xf32>
    %add3A_38 = arith.addf %dot_general3A_33, %add3A_37 : vector<10000x128xf32>
    %reduce_sum3A = arith.constant dense<0.000000e+00> : vector<128xf32>
    %reduce_sum3A_39 = vector.multi_reduction <add>, %add3A_38, %reduce_sum3A [0] : vector<10000x128xf32> to vector<128xf32>
    %broadcast_in_dim3A_40 = vector.shape_cast %reduce_sum3A_39 : vector<128xf32> to vector<1x128xf32>
    %div3A = arith.constant 1.000000e+04 : f32
    %div3A_41 = vector.broadcast %div3A : f32 to vector<1x128xf32>
    %div3A_42 = arith.divf %broadcast_in_dim3A_40, %div3A_41 : vector<1x128xf32>
    %sub3A_43 = vector.broadcast %div3A_42 : vector<1x128xf32> to vector<10000x128xf32>
    %sub3A_44 = arith.subf %add3A_38, %sub3A_43 : vector<10000x128xf32>
    %integer_pow3A = arith.mulf %sub3A_44, %sub3A_44 : vector<10000x128xf32>
    %reduce_sum3A_45 = arith.constant dense<0.000000e+00> : vector<128xf32>
    %reduce_sum3A_46 = vector.multi_reduction <add>, %integer_pow3A, %reduce_sum3A_45 [0] : vector<10000x128xf32> to vector<128xf32>
    %broadcast_in_dim3A_47 = vector.shape_cast %reduce_sum3A_46 : vector<128xf32> to vector<1x128xf32>
    %div3A_48 = arith.constant 1.000000e+04 : f32
    %div3A_49 = vector.broadcast %div3A_48 : f32 to vector<1x128xf32>
    %div3A_50 = arith.divf %broadcast_in_dim3A_47, %div3A_49 : vector<1x128xf32>
    %sub3A_51 = vector.broadcast %div3A_42 : vector<1x128xf32> to vector<10000x128xf32>
    %sub3A_52 = arith.subf %add3A_38, %sub3A_51 : vector<10000x128xf32>
    %add3A_53 = arith.constant 9.99999974E-6 : f32
    %add3A_54 = vector.broadcast %add3A_53 : f32 to vector<1x128xf32>
    %add3A_55 = arith.addf %div3A_50, %add3A_54 : vector<1x128xf32>
    %rsqrt3A = math.rsqrt %add3A_55 : vector<1x128xf32>
    %mul3A_56 = vector.broadcast %rsqrt3A : vector<1x128xf32> to vector<10000x128xf32>
    %mul3A_57 = arith.mulf %sub3A_52, %mul3A_56 : vector<10000x128xf32>
    %get3A_58 = arith.constant 0 : index
    %get3A_59 = arith.constant 0 : index
    %get3A_60 = vector.load %arg5[%get3A_58, %get3A_59] : memref<1x128xf32, #tpu.memory_space<vmem>>, vector<1x128xf32>
    %mul3A_61 = vector.broadcast %get3A_60 : vector<1x128xf32> to vector<10000x128xf32>
    %mul3A_62 = arith.mulf %mul3A_57, %mul3A_61 : vector<10000x128xf32>
    %get3A_63 = arith.constant 0 : index
    %get3A_64 = arith.constant 0 : index
    %get3A_65 = vector.load %arg6[%get3A_63, %get3A_64] : memref<1x128xf32, #tpu.memory_space<vmem>>, vector<1x128xf32>
    %add3A_66 = vector.broadcast %get3A_65 : vector<1x128xf32> to vector<10000x128xf32>
    %add3A_67 = arith.addf %mul3A_62, %add3A_66 : vector<10000x128xf32>
    %max3A = arith.constant 0.000000e+00 : f32
    %max3A_68 = vector.broadcast %max3A : f32 to vector<10000x128xf32>
    %max3A_69 = arith.maximumf %add3A_67, %max3A_68 : vector<10000x128xf32>
    %slice3A = vector.extract_strided_slice %max3A_69 {offsets = [0, 0], sizes = [10000, 64], strides = [1, 1]} : vector<10000x128xf32> to vector<10000x64xf32>
    %swap3A = arith.constant 0 : index
    %swap3A_70 = arith.constant 0 : index
    %swap3A_71 = arith.constant 0 : index
    %swap3A_72 = vector.load %arg7[%swap3A, %swap3A_70, %swap3A_71] : memref<2x10000x64xf32, #tpu.memory_space<vmem>>, vector<1x10000x64xf32>
    %swap3A_73 = vector.shape_cast %swap3A_72 : vector<1x10000x64xf32> to vector<10000x64xf32>
    %swap3A_74 = vector.shape_cast %slice3A : vector<10000x64xf32> to vector<1x10000x64xf32>
    tpu.vector_store %arg7[%swap3A, %swap3A_70, %swap3A_71], %swap3A_74 {strides = array<i32>} : memref<2x10000x64xf32, #tpu.memory_space<vmem>>, vector<1x10000x64xf32>,
    %slice3A_75 = vector.extract_strided_slice %max3A_69 {offsets = [0, 64], sizes = [10000, 64], strides = [1, 1]} : vector<10000x128xf32> to vector<10000x64xf32>
    %swap3A_76 = arith.constant 1 : index
    %swap3A_77 = arith.constant 0 : index
    %swap3A_78 = arith.constant 0 : index
    %swap3A_79 = vector.load %arg7[%swap3A_76, %swap3A_77, %swap3A_78] : memref<2x10000x64xf32, #tpu.memory_space<vmem>>, vector<1x10000x64xf32>
    %swap3A_80 = vector.shape_cast %swap3A_79 : vector<1x10000x64xf32> to vector<10000x64xf32>
    %swap3A_81 = vector.shape_cast %slice3A_75 : vector<10000x64xf32> to vector<1x10000x64xf32>
    tpu.vector_store %arg7[%swap3A_76, %swap3A_77, %swap3A_78], %swap3A_81 {strides = array<i32>} : memref<2x10000x64xf32, #tpu.memory_space<vmem>>, vector<1x10000x64xf32>,
    return
  }
}

module attributes {stable_mosaic.version = 14 : i64} {
  func.func @body(%arg0: memref<2x10000x64xf32, #tpu.memory_space<vmem>>, %arg1: memref<2x10000x64xf32, #tpu.memory_space<vmem>>, %arg2: memref<128x128xf32, #tpu.memory_space<vmem>>, %arg3: memref<1x128xf32, #tpu.memory_space<vmem>>, %arg4: memref<1x1xf32, #tpu.memory_space<smem>>, %arg5: memref<1x128xf32, #tpu.memory_space<vmem>>, %arg6: memref<1x128xf32, #tpu.memory_space<vmem>>, %arg7: memref<10000x1xi32, #tpu.memory_space<vmem>>, %arg8: memref<64x128xf32, #tpu.memory_space<vmem>>) attributes {dimension_semantics = [], scalar_prefetch = 0 : i64, scratch_operands = 0 : i64, tpu.core_type = #tpu.core_type<tc>} {
    %get3A = arith.constant 0 : index
    %get3A_0 = arith.constant 0 : index
    %get3A_1 = arith.constant 0 : index
    %get3A_2 = vector.load %arg0[%get3A, %get3A_0, %get3A_1] : memref<2x10000x64xf32, #tpu.memory_space<vmem>>, vector<1x10000x64xf32>
    %get3A_3 = vector.shape_cast %get3A_2 : vector<1x10000x64xf32> to vector<10000x64xf32>
    %get3A_4 = arith.constant 1 : index
    %get3A_5 = arith.constant 0 : index
    %get3A_6 = arith.constant 0 : index
    %get3A_7 = vector.load %arg0[%get3A_4, %get3A_5, %get3A_6] : memref<2x10000x64xf32, #tpu.memory_space<vmem>>, vector<1x10000x64xf32>
    %get3A_8 = vector.shape_cast %get3A_7 : vector<1x10000x64xf32> to vector<10000x64xf32>
    %concatenate3A = tpu.concatenate %get3A_3, %get3A_8 in 1 : vector<10000x64xf32>, vector<10000x64xf32> -> vector<10000x128xf32>
    %get3A_9 = arith.constant 0 : index
    %get3A_10 = arith.constant 0 : index
    %get3A_11 = arith.constant 0 : index
    %get3A_12 = vector.load %arg1[%get3A_9, %get3A_10, %get3A_11] : memref<2x10000x64xf32, #tpu.memory_space<vmem>>, vector<1x10000x64xf32>
    %get3A_13 = vector.shape_cast %get3A_12 : vector<1x10000x64xf32> to vector<10000x64xf32>
    %get3A_14 = arith.constant 1 : index
    %get3A_15 = arith.constant 0 : index
    %get3A_16 = arith.constant 0 : index
    %get3A_17 = vector.load %arg1[%get3A_14, %get3A_15, %get3A_16] : memref<2x10000x64xf32, #tpu.memory_space<vmem>>, vector<1x10000x64xf32>
    %get3A_18 = vector.shape_cast %get3A_17 : vector<1x10000x64xf32> to vector<10000x64xf32>
    %concatenate3A_19 = tpu.concatenate %get3A_13, %get3A_18 in 1 : vector<10000x64xf32>, vector<10000x64xf32> -> vector<10000x128xf32>
    %iota3A = tpu.iota {dimensions = array<i32: 0>} : vector<10000x1xi32>
    %lt3A = arith.constant 7680 : i32
    %lt3A_20 = vector.broadcast %lt3A : i32 to vector<10000x1xi32>
    %lt3A_21 = arith.cmpi slt, %iota3A, %lt3A_20 : vector<10000x1xi32>
    %jit3A = arith.constant 1.000000e+00 : f32
    %jit3A_22 = arith.constant 0.000000e+00 : f32
    %broadcast_in_dim3A = vector.broadcast %jit3A : f32 to vector<10000x1xf32>
    %broadcast_in_dim3A_23 = vector.broadcast %jit3A_22 : f32 to vector<10000x1xf32>
    %select_n3A = arith.select %lt3A_21, %broadcast_in_dim3A, %broadcast_in_dim3A_23 : vector<10000x1xi1>, vector<10000x1xf32>
    %mul3A = vector.broadcast %select_n3A : vector<10000x1xf32> to vector<10000x128xf32>
    %mul3A_24 = arith.mulf %mul3A, %concatenate3A : vector<10000x128xf32>
    %sub3A = arith.subf %concatenate3A_19, %mul3A_24 : vector<10000x128xf32>
    %get3A_25 = arith.constant 0 : index
    %get3A_26 = arith.constant 0 : index
    %get3A_27 = memref.load %arg4[%get3A_25, %get3A_26] : memref<1x1xf32, #tpu.memory_space<smem>>
    %mul3A_28 = vector.broadcast %get3A_27 : f32 to vector<10000x128xf32>
    %mul3A_29 = arith.mulf %mul3A_28, %concatenate3A : vector<10000x128xf32>
    %add3A = arith.addf %mul3A_29, %sub3A : vector<10000x128xf32>
    %get3A_30 = arith.constant 0 : index
    %get3A_31 = arith.constant 0 : index
    %get3A_32 = vector.load %arg2[%get3A_30, %get3A_31] : memref<128x128xf32, #tpu.memory_space<vmem>>, vector<128x128xf32>
    %dot_general3A = arith.constant dense<0.000000e+00> : vector<10000x128xf32>
    %dot_general3A_33 = tpu.matmul %add3A, %get3A_32, %dot_general3A {dimension_numbers = #tpu.dot_dimension_numbers<[1], [0], [0], [1], [0, 0, 1, 1], [], []>, transpose_lhs_hint = false} : vector<10000x128xf32>, vector<128x128xf32>, vector<10000x128xf32> -> vector<10000x128xf32>
    %get3A_34 = arith.constant 0 : index
    %get3A_35 = arith.constant 0 : index
    %get3A_36 = vector.load %arg3[%get3A_34, %get3A_35] : memref<1x128xf32, #tpu.memory_space<vmem>>, vector<1x128xf32>
    %add3A_37 = vector.broadcast %get3A_36 : vector<1x128xf32> to vector<10000x128xf32>
    %add3A_38 = arith.addf %dot_general3A_33, %add3A_37 : vector<10000x128xf32>
    %reduce_sum3A = arith.constant dense<0.000000e+00> : vector<128xf32>
    %reduce_sum3A_39 = vector.multi_reduction <add>, %add3A_38, %reduce_sum3A [0] : vector<10000x128xf32> to vector<128xf32>
    %broadcast_in_dim3A_40 = vector.shape_cast %reduce_sum3A_39 : vector<128xf32> to vector<1x128xf32>
    %div3A = arith.constant 1.000000e+04 : f32
    %div3A_41 = vector.broadcast %div3A : f32 to vector<1x128xf32>
    %div3A_42 = arith.divf %broadcast_in_dim3A_40, %div3A_41 : vector<1x128xf32>
    %sub3A_43 = vector.broadcast %div3A_42 : vector<1x128xf32> to vector<10000x128xf32>
    %sub3A_44 = arith.subf %add3A_38, %sub3A_43 : vector<10000x128xf32>
    %integer_pow3A = arith.mulf %sub3A_44, %sub3A_44 : vector<10000x128xf32>
    %reduce_sum3A_45 = arith.constant dense<0.000000e+00> : vector<128xf32>
    %reduce_sum3A_46 = vector.multi_reduction <add>, %integer_pow3A, %reduce_sum3A_45 [0] : vector<10000x128xf32> to vector<128xf32>
    %broadcast_in_dim3A_47 = vector.shape_cast %reduce_sum3A_46 : vector<128xf32> to vector<1x128xf32>
    %div3A_48 = arith.constant 1.000000e+04 : f32
    %div3A_49 = vector.broadcast %div3A_48 : f32 to vector<1x128xf32>
    %div3A_50 = arith.divf %broadcast_in_dim3A_47, %div3A_49 : vector<1x128xf32>
    %sub3A_51 = vector.broadcast %div3A_42 : vector<1x128xf32> to vector<10000x128xf32>
    %sub3A_52 = arith.subf %add3A_38, %sub3A_51 : vector<10000x128xf32>
    %add3A_53 = arith.constant 9.99999974E-6 : f32
    %add3A_54 = vector.broadcast %add3A_53 : f32 to vector<1x128xf32>
    %add3A_55 = arith.addf %div3A_50, %add3A_54 : vector<1x128xf32>
    %rsqrt3A = math.rsqrt %add3A_55 : vector<1x128xf32>
    %mul3A_56 = vector.broadcast %rsqrt3A : vector<1x128xf32> to vector<10000x128xf32>
    %mul3A_57 = arith.mulf %sub3A_52, %mul3A_56 : vector<10000x128xf32>
    %get3A_58 = arith.constant 0 : index
    %get3A_59 = arith.constant 0 : index
    %get3A_60 = vector.load %arg5[%get3A_58, %get3A_59] : memref<1x128xf32, #tpu.memory_space<vmem>>, vector<1x128xf32>
    %mul3A_61 = vector.broadcast %get3A_60 : vector<1x128xf32> to vector<10000x128xf32>
    %mul3A_62 = arith.mulf %mul3A_57, %mul3A_61 : vector<10000x128xf32>
    %get3A_63 = arith.constant 0 : index
    %get3A_64 = arith.constant 0 : index
    %get3A_65 = vector.load %arg6[%get3A_63, %get3A_64] : memref<1x128xf32, #tpu.memory_space<vmem>>, vector<1x128xf32>
    %add3A_66 = vector.broadcast %get3A_65 : vector<1x128xf32> to vector<10000x128xf32>
    %add3A_67 = arith.addf %mul3A_62, %add3A_66 : vector<10000x128xf32>
    %max3A = arith.constant 0.000000e+00 : f32
    %max3A_68 = vector.broadcast %max3A : f32 to vector<10000x128xf32>
    %max3A_69 = arith.maximumf %add3A_67, %max3A_68 : vector<10000x128xf32>
    %iota3A_70 = tpu.iota {dimensions = array<i32: 0>} : vector<64x10000xi32>
    %get3A_71 = arith.constant 0 : index
    %get3A_72 = arith.constant 0 : index
    %get3A_73 = vector.load %arg7[%get3A_71, %get3A_72] : memref<10000x1xi32, #tpu.memory_space<vmem>>, vector<10000x1xi32>
    %reshape3A = vector.shape_cast %get3A_73 : vector<10000x1xi32> to vector<1x10000xi32>
    %eq3A = vector.broadcast %reshape3A : vector<1x10000xi32> to vector<64x10000xi32>
    %eq3A_74 = arith.cmpi eq, %iota3A_70, %eq3A : vector<64x10000xi32>
    %convert_element_type3A = arith.extui %eq3A_74 : vector<64x10000xi1> to vector<64x10000xi32>
    %convert_element_type3A_75 = arith.sitofp %convert_element_type3A : vector<64x10000xi32> to vector<64x10000xf32>
    %dot_general3A_76 = arith.constant dense<0.000000e+00> : vector<64x128xf32>
    %dot_general3A_77 = tpu.matmul %convert_element_type3A_75, %max3A_69, %dot_general3A_76 {dimension_numbers = #tpu.dot_dimension_numbers<[1], [0], [0], [1], [0, 0, 1, 1], [], []>, transpose_lhs_hint = false} : vector<64x10000xf32>, vector<10000x128xf32>, vector<64x128xf32> -> vector<64x128xf32>
    %reduce_sum3A_78 = arith.constant dense<0.000000e+00> : vector<64xf32>
    %reduce_sum3A_79 = vector.multi_reduction <add>, %convert_element_type3A_75, %reduce_sum3A_78 [1] : vector<64x10000xf32> to vector<64xf32>
    %broadcast_in_dim3A_80 = vector.shape_cast %reduce_sum3A_79 : vector<64xf32> to vector<64x1xf32>
    %max3A_81 = arith.constant 1.000000e+00 : f32
    %max3A_82 = vector.broadcast %max3A_81 : f32 to vector<64x1xf32>
    %max3A_83 = arith.maximumf %broadcast_in_dim3A_80, %max3A_82 : vector<64x1xf32>
    %div3A_84 = vector.broadcast %max3A_83 : vector<64x1xf32> to vector<64x128xf32>
    %div3A_85 = arith.divf %dot_general3A_77, %div3A_84 : vector<64x128xf32>
    %swap3A = arith.constant 0 : index
    %swap3A_86 = arith.constant 0 : index
    %swap3A_87 = vector.load %arg8[%swap3A, %swap3A_86] : memref<64x128xf32, #tpu.memory_space<vmem>>, vector<64x128xf32>
    tpu.vector_store %arg8[%swap3A, %swap3A_86], %div3A_85 {strides = array<i32>} : memref<64x128xf32, #tpu.memory_space<vmem>>, vector<64x128xf32>,
    return
  }
}

</mosaic_0001>

<sc_bundles>
// kernel: kernel.11.cloned.1.call-start
scs
__scs_entry_jumppad:
0x0: {  	(pc) =	sbr.rel $0x88, $3  }
0x1: {  	(tag) =	ssettag $0x0;
	lr =	simm.s32 $0x1  }
0x2: {  	[smem:$0x3F8F] =	sst lr;
	_ =	strace $0xD0000000  }
0x3: {  	_ = 	snop  }
0x4: {  	_ = 	snop  }
0x5: {  	_ = 	snop  }
0x6: {  	_ = 	snop  }
0x7: {  	_ = 	snop  }
__scs_overlays_trampoline_lowered:
0x8: {  	[smem:$0x3F9E] =	sst s0  }
0x9: {  	[smem:$0x3F9F] =	sst s1  }
0xa: {  	[smem:$0x3FA0] =	sst s2  }
0xb: {  	[smem:$0x3FA1] =	sst s3  }
0xc: {  	[smem:$0x3FA2] =	sst s4  }
0xd: {  	[smem:$0x3FA3] =	sst s5  }
0xe: {  	[smem:$0x3FA4] =	sst s6  }
0xf: {  	[smem:$0x3FA5] =	sst s7  }
0x10: {  	[smem:$0x3FA6] =	sst s8  }
0x11: {  	[smem:$0x3FA7] =	sst s9;
	s0 =	simm.s32 @!p0 $0x0  }
0x12: {  	s1 =	sld [smem:$0x3F8D];
	s0 =	simm.s32 @p0 $0x1  }
0x13: {  	[smem:$0x3FA8] =	sst s0;
	s0 =	simm.s32 @!p1 $0x0  }
0x14: {  	s2 =	sld [smem:$0x3F8C];
	s0 =	simm.s32 @p1 $0x1  }
0x15: {  	[smem:$0x3FA9] =	sst s0;
	s0 =	simm.s32 @!p2 $0x0  }
0x16: {  	s3 =	sld [smem:$0x3FDB];
	s0 =	simm.s32 @p2 $0x1  }
0x17: {  	s4 =	simm.s32 $0x1BF5;
	[smem:$0x3FAB] =	sst s0  }
0x18: {  	s0 =	sld [smem:$0x3F8E];
	_ =	swait.ge [sflag:s4], $0x0  }
0x19: {  	s7 =	sld [smem:$0x3F8F]  }
0x1a: {  	s8 =	sadd.s32 $0xFFFFE003, lr  }
0x1b: {  	s9 =	sadd.s32 $0xFFFFFEF7, lr;
	s5 =	simm.s32 $0xFFFFFFFF;
	p2 =	slt.u32 s8, $0xFFFFF086  }
0x1c: {  	p1 =	slt.u32 s9, $0xF7A;
	s5 =	simm.s32 @!p2 $0x0  }
0x1d: {  	s5 =	simm.s32 @p1 $0x1;
	p0 =	seq.s32 s7, s2  }
0x1e: {  	s7 =	smul.u32 @!p0 $0xF7A, s2;
	p2 =	seq.s32 @!p0 s5, $0x0  }
0x1f: {  	s9 =	smul.u32 $0xF7A, s1;
	s8 =	simm.s32 @!p0 $0x1BF5;
	p2 =	por !p2, p0  }
0x20: {  	[sflag:s8] =	ssyncset.s32 @!p0 $0xFFFFF086;
	s6 =	sadd.s32 @!p0 s3, s7;
	s7 =	simm.s32 @!p0 $0x108  }
0x21: {  	s3 =	sadd.s32 s3, s9;
	s6 =	sadd.s32 @!p0 $0x88, s6;
	s7 =	simm.s32 @p2 $0x1082  }
0x22: {  	[simem:s7], [sflag:s8] =	dma.local @!p0 [hbm:s6], $0xF7A  }
0x23: {  	s9 =	sor.u32 $0xD0000000, s2;
	s6 =	simm.s32 $0x108;
	_ =	swait.ge @!p0 [sflag:s8], $0x0  }
0x24: {  	s3 =	sadd.s32 $0x88, s3;
	s6 =	simm.s32 @!p1 $0x1082;
	[sflag:s4] =	ssyncset.s32 $0xFFFFF086  }
0x25: {  	[simem:s6], [sflag:s4] =	dma.local [hbm:s3], $0xF7A  }
0x26: {  	[smem:$0x3F8F] =	sst s1;
	(tag) =	ssettag s2;
	_ =	strace s9  }
0x27: {  	s1 =	sld [smem:$0x3F9F]  }
0x28: {  	s2 =	sld [smem:$0x3FA0]  }
0x29: {  	s4 =	sld [smem:$0x3FA2]  }
0x2a: {  	p0 =	seq.s32 s5, $0x0;
	s5 =	sld [smem:$0x3FA3]  }
0x2b: {  	s6 =	sld [smem:$0x3FA4]  }
0x2c: {  	s7 =	sld [smem:$0x3FA5]  }
0x2d: {  	s3 =	simm.s32 $0x108;
	s8 =	sld [smem:$0x3FA6]  }
0x2e: {  	s3 =	simm.s32 @!p0 $0x1082;
	s9 =	sld [smem:$0x3FA7]  }
0x2f: {  	lr =	sadd.s32 s0, s3;
	s0 =	sld [smem:$0x3F9E]  }
0x30: {  	s3 =	sld [smem:$0x3FA1]  }
0x31: {  	[smem:$0x3FAA] =	sst s10  }
0x32: {  	s10 =	sld [smem:$0x3FA8];
	_ =	sdelay $0x3  }
0x33: {  	p0 =	seq.s32 s10, $0x1;
	s10 =	sld [smem:$0x3FAA];
	_ =	sdelay $0x3  }
0x34: {  	[smem:$0x3FAA] =	sst s10  }
0x35: {  	s10 =	sld [smem:$0x3FA9];
	_ =	sdelay $0x3  }
0x36: {  	p1 =	seq.s32 s10, $0x1;
	s10 =	sld [smem:$0x3FAA];
	_ =	sdelay $0x3  }
0x37: {  	[smem:$0x3FAA] =	sst s10  }
0x38: {  	s10 =	sld [smem:$0x3FAB]  }
0x39: {  	_ = 	snop;
	(pc) =	sbr.ind lr, $3  }
0x3a: {  	_ = 	snop  }
0x3b: {  	_ = 	snop  }
0x3c: {  	p2 =	seq.s32 s10, $0x1;
	s10 =	sld [smem:$0x3FAA]  }
0x3d: {  	_ =	shalt  }
0x3e: {  	_ =	shalt  }
0x3f: {  	_ =	shalt  }
0x40: {  	_ =	shalt  }
0x41: {  	_ =	shalt  }
0x42: {  	_ =	shalt  }
0x43: {  	_ =	shalt  }
0x44: {  	_ =	shalt  }
0x45: {  	_ =	shalt  }
0x46: {  	_ =	shalt  }
0x47: {  	_ =	shalt  }
0x48: {  	_ =	shalt  }
0x49: {  	_ =	shalt  }
0x4a: {  	_ =	shalt  }
0x4b: {  	_ =	shalt  }
0x4c: {  	_ =	shalt  }
0x4d: {  	_ =	shalt  }
0x4e: {  	_ =	shalt  }
0x4f: {  	_ =	shalt  }
0x50: {  	_ =	shalt  }
0x51: {  	_ =	shalt  }
0x52: {  	_ =	shalt  }
0x53: {  	_ =	shalt  }
0x54: {  	_ =	shalt  }
0x55: {  	_ =	shalt  }
0x56: {  	_ =	shalt  }
0x57: {  	_ =	shalt  }
0x58: {  	_ =	shalt  }
0x59: {  	_ =	shalt  }
0x5a: {  	_ =	shalt  }
0x5b: {  	_ =	shalt  }
0x5c: {  	_ =	shalt  }
0x5d: {  	_ =	shalt  }
0x5e: {  	_ =	shalt  }
0x5f: {  	_ =	shalt  }
0x60: {  	_ =	shalt  }
0x61: {  	_ =	shalt  }
0x62: {  	_ =	shalt  }
0x63: {  	_ =	shalt  }
0x64: {  	_ =	shalt  }
0x65: {  	_ =	shalt  }
0x66: {  	_ =	shalt  }
0x67: {  	_ =	shalt  }
0x68: {  	_ =	shalt  }
0x69: {  	_ =	shalt  }
0x6a: {  	_ =	shalt  }
0x6b: {  	_ =	shalt  }
0x6c: {  	_ =	shalt  }
0x6d: {  	_ =	shalt  }
0x6e: {  	_ =	shalt  }
0x6f: {  	_ =	shalt  }
0x70: {  	_ =	shalt  }
0x71: {  	_ =	shalt  }
0x72: {  	_ =	shalt  }
0x73: {  	_ =	shalt  }
0x74: {  	_ =	shalt  }
0x75: {  	_ =	shalt  }
0x76: {  	_ =	shalt  }
0x77: {  	_ =	shalt  }
0x78: {  	_ =	shalt  }
0x79: {  	_ =	shalt  }
0x7a: {  	_ =	shalt  }
0x7b: {  	_ =	shalt  }
0x7c: {  	_ =	shalt  }
0x7d: {  	_ =	shalt  }
0x7e: {  	_ =	shalt  }
0x7f: {  	_ =	shalt  }
0x80: {  	_ =	shalt  }
0x81: {  	_ =	shalt  }
0x82: {  	_ =	shalt  }
0x83: {  	_ =	shalt  }
0x84: {  	_ =	shalt  }
0x85: {  	_ =	shalt  }
0x86: {  	_ =	shalt  }
0x87: {  	_ =	shalt  }
.Lfunc_end0:
.L_simem_size_0:
called_computation.1_lowered:
.L_overlay_start_0:
0x88: {  	s2 =	sld [smem:$0x3FD9]  }
0x89: {  	s3 =	sld [smem:$0x3FFE];
	_ =	sdelay $0x1  }
0x8a: {  	s1 =	srdreg.scid  }
0x8b: {  	s0 =	sand.u32 $0x1, s1  }
0x8c: {  	s16 =	sshll.u32 s0, $0xA;
	s2 =	sadd.s32 s3, s2  }
0x8d: {  	s2 =	sadd.s32 s2, s16  }
0x8e: {  	[smem:$0x3FB6] =	sst s2  }
0x8f: {  	_ = 	snop  }
0x90: {  	(tm) =	ssettm $0x1  }
0x91: {  	s17 =	sld [smem:$0x3FFB];
	_ =	sdelay $0x3  }
0x92: {  	_ =	strace s17  }
0x93: {  	s2 =	sld [smem:$0x3FFC];
	_ =	sdelay $0x3  }
0x94: {  	_ =	strace s2  }
0x95: {  	s2 =	sld [smem:$0x3FFD];
	_ =	sdelay $0x3  }
0x96: {  	_ =	strace s2  }
0x97: {  	_ =	strace $0x8FFFFFFF  }
0x98: {  	s18 =	sld [smem:$0x3FDB];
	_ =	sdelay $0x1  }
0x99: {  	s19 =	simm.s32 $_scs_section_size  }
0x9a: {  	s4 =	simm.s32 $_size__tile_overlayer_lowered;
	s5 =	simm.s32 $_tile_overlayer_lowered  }
0x9b: {  	s22 =	simm.s32 $0x1BFF;
	s21 =	sshll.u32 s5, $0x1;
	s2 =	sadd.s32 s19, s18  }
0x9c: {  	s6 =	simm.s32 $0x0;
	s20 =	sshll.u32 s4, $0x1;
	s4 =	sadd.s32 s21, s2  }
0x9d: {  	[timem:s6], [sflag:s22] =	dma.local [hbm:s4], s20  }
0x9e: {  	_ =	swait.ge [sflag:s22], s20  }
0x9f: {  	s3 =	ssub.s32 $0x0, s20;
	[sflag:s22] =	ssyncset.done $0x0  }
0xa0: {  	[sflag:s22] =	ssyncadd.s32 s3;
	_ =	sdelay $0x1  }
0xa1: {  	s23 =	simm.s32 $0x1B8B  }
0xa2: {  	_ =	swait.ge [sflag:s23], $0x1  }
0xa3: {  	[sflag:s23] =	ssyncset.done $0x0  }
0xa4: {  	s25 =	simm.s32 $0x1B8E;
	s24 =	sld [smem:$0x3FFE];
	[sflag:s23] =	ssyncadd.s32 $0xFFFFFFFF  }
0xa5: {  	s26 =	simm.s32 $execute0_lowered;
	[smem:$0x3FD2] =	sst s25  }
0xa6: {  	s4 =	sshll.u32 s26, $0x1;
	_ =	strace $0x80000049;
	[dreg:$0x1] =	wrdreg $0xFFFFFFFF  }
0xa7: {  	s28 =	simm.s32 $_size_execute0_lowered;
	s2 =	sadd.s32 s2, s4;
	[dreg:$0x0] =	wrdreg $0x0  }
0xa8: {  	s4 =	sshll.u32 s28, $0x1;
	[dreg:$0x2] =	wrdreg s2  }
0xa9: {  	[dreg:$0x3] =	wrdreg s4  }
0xaa: {  	[dreg:$0x4] =	wrdreg $0xC0  }
0xab: {  	_ =	task [dreg:s6], $0x5FFFF  }
0xac: {  	[dreg:$0x1] =	wrdreg $0xFFFFFFFF  }
0xad: {  	[dreg:$0x0] =	wrdreg $0x60  }
0xae: {  	[dreg:$0x2] =	wrdreg s24  }
0xaf: {  	[dreg:$0x3] =	wrdreg $0x141000  }
0xb0: {  	[dreg:$0x4] =	wrdreg $0x9  }
0xb1: {  	_ =	task.clear_ibuf [dreg:s6], $0x5FFFF;
	_ =	strace $0x90000049  }
0xb2: {  	s29 =	simm.s32 $0x9;
	_ =	strace $0x8000004B  }
0xb3: {  	_ =	swait.ge [sflag:s29], $0x1  }
0xb4: {  	[sflag:s29] =	ssyncadd.s32 $0xFFFFFFFF  }
0xb5: {  	_ =	strace $0x9000004B  }
0xb6: {  	_ =	sfence  }
0xb7: {  	s30 =	sld [smem:$0x0];
	_ =	sdelay $0x2  }
0xb8: {  	s31 =	sshll.u32 s1, $0xD;
	s1 =	sshrl.u32 s1, $0x2  }
0xb9: {  	s3 =	sand.u32 $0x4000, s31;
	s1 =	sadd.s32 s1, s30  }
0xba: {  	s0 =	sor.u32 s3, s0;
	s1 =	sshll.u32 s1, $0x11  }
0xbb: {  	s0 =	sor.u32 s1, s0  }
0xbc: {  	s0 =	sadd.s32 $0x8F2B, s0  }
0xbd: {  	[sflag:s0] =	ssyncadd.remote.s32 $0x1  }
0xbe: {  	_ =	sfence.sel $0xFFFF  }
0xbf: {  	[dreg:$0x0] =	wrdreg $0xFFFFFFFF;
	(pc) =	sbr.abs _section_cstart, $3  }
0xc0: {  	[dreg:$0x1] =	wrdreg $0xFFFFFFFF  }
0xc1: {  	_ =	task.clear_ibuf [dreg:s6], $0x2FFFF;
	_ =	strace $0x9FFFFFFF  }
0xc2: {  	(tm) =	ssettm $0x7FFFFFFF  }
0xc3: {  	_ =	shalt  }
tec
execute0_lowered:
.L_overlay_start_1:
0x0: {  	(tag) =	ssettag $0x1  }
0x1: {  	s0 =	rddreg [dreg:$0x0]  }
0x2: {  	s2 =	rddreg [dreg:$0x1]  }
0x3: {  	s9 =	stileid.u32;
	s1 =	srdreg.scid;
	s3 =	simm.s32 $0x0  }
0x4: {  	s13 =	simm.s32 $0x80;
	s19 =	simm.s32 $0x300;
	s20 =	simm.s32 $0x380  }
0x5: {  	s21 =	simm.s32 $0x1;
	s28 =	simm.s32 $0x4;
	s30 =	simm.s32 $0x5  }
0x6: {  	s29 =	simm.s32 $0x6;
	s11 =	simm.s32 $0xE;
	s16 =	simm.s32 $0x0  }
0x7: {  	s12 =	simm.s32 $0xE;
	s4 =	smul.u32 $0xA00, s9;
	s1 =	sand.u32 $0x1, s1  }
0x8: {  	[smem:$0x7FF] =	sst s3;
	s6 =	smul.u32 $0x9C00, s9;
	s18 =	sadd.s32 $0x9C000, s2  }
0x9: {  	p0 =	sne.s32 s9, $0xF;
	s9 =	simm.s32 $0xA;
	s5 =	smul.u32 $0x13880, s1  }
0xa: {  	_ =	strace $0x8000004A;
	s7 =	ssub.s32 $0x2, s1;
	s1 =	smul.u32 $0x9C400, s1  }
0xb: {  	[dreg:$0x6] =	wrdreg s18;
	s4 =	sadd.s32 s4, s0;
	s8 =	sshrl.u32 s7, $0x1  }
0xc: {  	s17 =	sadd.s32 s6, s2;
	s5 =	sadd.s32 s5, s0;
	s0 =	sadd.s32 $0x3D600, s0  }
0xd: {  	s7 =	ssub.s32 s7, s8;
	s23 =	sadd.s32 s6, s1;
	s1 =	sshrl.u32 s1, $0x3  }
0xe: {  	s25 =	sadd.s32 $0x29600, s4;
	s26 =	sadd.s32 $0x33600, s4;
	s4 =	simm.s32 $0xB  }
0xf: {  	s8 =	simm.s32 $0xD;
	[dreg:$0x5] =	wrdreg s17;
	s6 =	sadd.s32 $0x2400, s5  }
0x10: {  	s24 =	sshrl.u32 s23, $0x3;
	[dreg:$0x3] =	wrdreg s25;
	s31 =	smax.u32 s7, $0x1  }
0x11: {  	[dreg:$0x4] =	wrdreg s26;
	s23 =	simm.s32 $0x2;
	s25 =	simm.s32 $0x3  }
0x12: {  	s5 =	sadd.s32 s0, s24;
	s0 =	sadd.s32 s0, s1;
	[dreg:$0x9] =	wrdreg s31  }
0x13: {  	s1 =	smov.u32 s2;
	[dreg:$0x7] =	wrdreg s5;
	s0 =	sadd.s32 $0x13800, s0  }
0x14: {  	v0 =	vimm.f32 $0.0e+00;
	s2 =	simm.s32 $0xF;
	s5 =	simm.s32 $0xC;
	[dreg:$0x8] =	wrdreg s0  }
.LBB2_1:
0x15: {  	[dreg:$0xa] =	wrdreg s16;
	s15 =	simm.s32 $0x100;
	s14 =	simm.s32 $0x0  }
.LBB2_2:
0x16: {  	p1 =	sne.s32 s15, $0x26F00;
	[tilespmem:s14+$0xA530] =	vst v0;
	s16 =	smov.u32 s15;
	s15 =	sadd.s32 $0x100, s15  }
.Ltmp0:
0x17: {  	[tilespmem:s14+$0xA520] =	vst v0;
	(pc) =	sbr.rel @p1 .LBB2_2-.Ltmp0, $3  }
0x18: {  	[tilespmem:s14+$0xA500] =	vst v0  }
0x19: {  	[tilespmem:s14+$0xA510] =	vst v0;
	_ =	sdelay $0x1  }
0x1a: {  	s14 =	sshra.s32 s16, $0x2  }
0x1b: {  	[tilespmem:s14+$0xA530] =	vst v0  }
0x1c: {  	[tilespmem:s14+$0xA520] =	vst v0  }
0x1d: {  	[tilespmem:s14+$0xA500] =	vst v0  }
0x1e: {  	[tilespmem:s14+$0xA510] =	vst v0;
	s16 =	simm.s32 $0xA500  }
0x1f: {  	[spmem:s17] =	stream.linear.scatter [tilespmem:s16], [sflag:$0x10], $0x9C00, $0x38;
	[tilespmem:$0x1DD40] =	vst v63  }
0x20: {  	s17 =	simm.s32 $0x10  }
0x21: {  	_ =	swait.ge [sflag:s17], $0x9C00  }
0x22: {  	[sflag:s17] =	ssyncset.done $0x0  }
0x23: {  	s14 =	simm.s32 @!p0 $0xA500;
	[sflag:s17] =	ssyncadd.s32 $0xFFFF6400  }
0x24: {  	[spmem:s18] =	stream.linear.scatter @!p0 [tilespmem:s14], [sflag:$0x10], $0x400, $0x38;
	[tilespmem:$0x1DD40] =	vst v63  }
0x25: {  	s14 =	simm.s32 @!p0 $0x10  }
0x26: {  	_ =	swait.ge @!p0 [sflag:s14], $0x400  }
0x27: {  	[sflag:s14] =	ssyncset.done @!p0 $0x0  }
0x28: {  	[sflag:s14] =	ssyncadd.s32 @!p0 $0xFFFFFC00  }
0x29: {  	[bflag:$0x0] =	sbarrier.arrive $0xFFFF  }
0x2a: {  	s18 =	rddreg [dreg:$0x4]  }
0x2b: {  	s15 =	rddreg [dreg:$0x3];
	s14 =	sadd.s32 $0x0, s18  }
0x2c: {  	[tilespmem:s3], [sflag:$0x1] =	stream.linear.gather [hbm4b:s14+s3], $0x80, $0x38;
	[tilespmem:$0x1DD40] =	vst v63  }
0x2d: {  	s17 =	simm.s32 $0x280;
	s15 =	sadd.s32 $0x0, s15  }
0x2e: {  	[tilespmem:s17], [sflag:$0x1] =	stream.linear.gather [hbm4b:s15+s3], $0x80, $0x38;
	[tilespmem:$0x1DD40] =	vst v63  }
0x2f: {  	s16 =	sadd.s32 $0x10, s14  }
0x30: {  	[tilespmem:s13], [sflag:$0x2] =	stream.linear.gather [hbm4b:s16+s3], $0x80, $0x38;
	[tilespmem:$0x1DD40] =	vst v63  }
0x31: {  	s22 =	sadd.s32 $0x10, s15  }
0x32: {  	[tilespmem:s19], [sflag:$0x2] =	stream.linear.gather [hbm4b:s22+s3], $0x80, $0x38;
	[tilespmem:$0x1DD40] =	vst v63  }
0x33: {  	s18 =	simm.s32 $0x100;
	s24 =	sadd.s32 $0x20, s14  }
0x34: {  	[tilespmem:s18], [sflag:$0x3] =	stream.linear.gather [hbm4b:s24+s3], $0x80, $0x38;
	[tilespmem:$0x1DD40] =	vst v63  }
0x35: {  	s26 =	sadd.s32 $0x20, s15  }
0x36: {  	[tilespmem:s20], [sflag:$0x3] =	stream.linear.gather [hbm4b:s26+s3], $0x80, $0x38;
	[tilespmem:$0x1DD40] =	vst v63  }
0x37: {  	s31 =	sadd.s32 $0x30, s14;
	s22 =	simm.s32 $0x180  }
0x38: {  	[tilespmem:s22], [sflag:$0x4] =	stream.linear.gather [hbm4b:s31+s3], $0x80, $0x38;
	[tilespmem:$0x1DD40] =	vst v63  }
0x39: {  	s0 =	sadd.s32 $0x30, s15;
	s31 =	simm.s32 $0x400  }
0x3a: {  	[tilespmem:s31], [sflag:$0x4] =	stream.linear.gather [hbm4b:s0+s3], $0x80, $0x38;
	[tilespmem:$0x1DD40] =	vst v63  }
0x3b: {  	s14 =	sadd.s32 $0x40, s14;
	s16 =	simm.s32 $0x200  }
0x3c: {  	[tilespmem:s16], [sflag:$0x5] =	stream.linear.gather [hbm4b:s14+s3], $0x80, $0x38;
	[tilespmem:$0x1DD40] =	vst v63  }
0x3d: {  	s7 =	sadd.s32 $0x40, s15;
	s15 =	simm.s32 $0x480  }
0x3e: {  	[tilespmem:s15], [sflag:$0x5] =	stream.linear.gather [hbm4b:s7+s3], $0x80, $0x38;
	[tilespmem:$0x1DD40] =	vst v63  }
0x3f: {  	_ =	swait.ge [sflag:s21], $0x80  }
0x40: {  	[sflag:s21] =	ssyncset.done $0x0  }
0x41: {  	[sflag:s21] =	ssyncadd.s32 $0xFFFFFF80  }
0x42: {  	_ =	swait.ge [sflag:s21], $0x80  }
0x43: {  	[sflag:s21] =	ssyncset.done $0x0  }
0x44: {  	s10 =	simm.s32 $0x500;
	[sflag:s21] =	ssyncadd.s32 $0xFFFFFF80  }
0x45: {  	[tilespmem:s10], [sflag:$0x6] =	stream.indirect.gather [hbm4b:s6+s13], $0x40, s3, s13, $0xb8;
	[tilespmem:$0x1DD40] =	vst v63  }
0x46: {  	_ =	swait.ge [sflag:s23], $0x80  }
0x47: {  	[sflag:s23] =	ssyncset.done $0x0  }
0x48: {  	[sflag:s23] =	ssyncadd.s32 $0xFFFFFF80  }
0x49: {  	_ =	swait.ge [sflag:s23], $0x80  }
0x4a: {  	[sflag:s23] =	ssyncset.done $0x0  }
0x4b: {  	s24 =	simm.s32 $0x2500;
	[sflag:s23] =	ssyncadd.s32 $0xFFFFFF80  }
0x4c: {  	[tilespmem:s24], [sflag:$0x7] =	stream.indirect.gather [hbm4b:s6+s13], $0x40, s13, s13, $0xb8;
	[tilespmem:$0x1DD40] =	vst v63  }
0x4d: {  	_ =	swait.ge [sflag:s25], $0x80  }
0x4e: {  	[sflag:s25] =	ssyncset.done $0x0  }
0x4f: {  	[sflag:s25] =	ssyncadd.s32 $0xFFFFFF80  }
0x50: {  	_ =	swait.ge [sflag:s25], $0x80  }
0x51: {  	[sflag:s25] =	ssyncset.done $0x0  }
0x52: {  	s26 =	simm.s32 $0x4500;
	[sflag:s25] =	ssyncadd.s32 $0xFFFFFF80  }
0x53: {  	[tilespmem:s26], [sflag:$0x8] =	stream.indirect.gather [hbm4b:s6+s13], $0x40, s18, s13, $0xb8;
	[tilespmem:$0x1DD40] =	vst v63  }
0x54: {  	_ =	swait.ge [sflag:s28], $0x80  }
0x55: {  	[sflag:s28] =	ssyncset.done $0x0  }
0x56: {  	[sflag:s28] =	ssyncadd.s32 $0xFFFFFF80  }
0x57: {  	_ =	swait.ge [sflag:s28], $0x80  }
0x58: {  	[sflag:s28] =	ssyncset.done $0x0  }
0x59: {  	s0 =	simm.s32 $0x6500;
	[sflag:s28] =	ssyncadd.s32 $0xFFFFFF80  }
0x5a: {  	[tilespmem:s0], [sflag:$0x9] =	stream.indirect.gather [hbm4b:s6+s13], $0x40, s22, s13, $0xb8;
	[tilespmem:$0x1DD40] =	vst v63  }
0x5b: {  	_ =	swait.ge [sflag:s30], $0x80  }
0x5c: {  	[sflag:s30] =	ssyncset.done $0x0  }
0x5d: {  	[sflag:s30] =	ssyncadd.s32 $0xFFFFFF80  }
0x5e: {  	_ =	swait.ge [sflag:s30], $0x80  }
0x5f: {  	[sflag:s30] =	ssyncset.done $0x0  }
0x60: {  	s22 =	simm.s32 $0x8500;
	[sflag:s30] =	ssyncadd.s32 $0xFFFFFF80  }
0x61: {  	[tilespmem:s22], [sflag:$0xA] =	stream.indirect.gather [hbm4b:s6+s13], $0x40, s16, s13, $0xb8;
	[tilespmem:$0x1DD40] =	vst v63  }
0x62: {  	_ =	swait.ge [sflag:s29], $0x2000  }
0x63: {  	[sflag:s29] =	ssyncset.done $0x0  }
0x64: {  	s7 =	simm.s32 $0x7;
	[sflag:s29] =	ssyncadd.s32 $0xFFFFE000  }
0x65: {  	[spmem:s1] =	stream.indirect.scatter.add.f32 [tilespmem:s10], [sflag:$0xB], $0x40, s17, s13, $0xb8;
	[tilespmem:$0x1DD40] =	vst v63  }
0x66: {  	_ =	swait.ge [sflag:s7], $0x2000  }
0x67: {  	[sflag:s7] =	ssyncset.done $0x0  }
0x68: {  	[sflag:s7] =	ssyncadd.s32 $0xFFFFE000;
	s7 =	simm.s32 $0x8  }
0x69: {  	[spmem:s1] =	stream.indirect.scatter.add.f32 [tilespmem:s24], [sflag:$0xC], $0x40, s19, s13, $0xb8;
	[tilespmem:$0x1DD40] =	vst v63  }
0x6a: {  	_ =	swait.ge [sflag:s7], $0x2000  }
0x6b: {  	[sflag:s7] =	ssyncset.done $0x0  }
0x6c: {  	s10 =	simm.s32 $0x9;
	[sflag:s7] =	ssyncadd.s32 $0xFFFFE000  }
0x6d: {  	[spmem:s1] =	stream.indirect.scatter.add.f32 [tilespmem:s26], [sflag:$0xD], $0x40, s20, s13, $0xb8;
	[tilespmem:$0x1DD40] =	vst v63  }
0x6e: {  	_ =	swait.ge [sflag:s10], $0x2000  }
0x6f: {  	[sflag:s10] =	ssyncset.done $0x0  }
0x70: {  	[sflag:s10] =	ssyncadd.s32 $0xFFFFE000  }
0x71: {  	[spmem:s1] =	stream.indirect.scatter.add.f32 [tilespmem:s0], [sflag:$0xE], $0x40, s31, s13, $0xb8;
	[tilespmem:$0x1DD40] =	vst v63  }
0x72: {  	_ =	swait.ge [sflag:s9], $0x2000  }
0x73: {  	[sflag:s9] =	ssyncset.done $0x0  }
0x74: {  	[sflag:s9] =	ssyncadd.s32 $0xFFFFE000  }
0x75: {  	[spmem:s1] =	stream.indirect.scatter.add.f32 [tilespmem:s22], [sflag:$0xF], $0x40, s15, s13, $0xb8;
	[tilespmem:$0x1DD40] =	vst v63  }
0x76: {  	_ =	swait.ge [sflag:s4], $0x2000  }
0x77: {  	[sflag:s4] =	ssyncset.done $0x0  }
0x78: {  	[sflag:s4] =	ssyncadd.s32 $0xFFFFE000  }
0x79: {  	_ =	swait.ge [sflag:s5], $0x2000  }
0x7a: {  	[sflag:s5] =	ssyncset.done $0x0  }
0x7b: {  	[sflag:s5] =	ssyncadd.s32 $0xFFFFE000  }
0x7c: {  	_ =	swait.ge [sflag:s8], $0x2000  }
0x7d: {  	[sflag:s8] =	ssyncset.done $0x0  }
0x7e: {  	[sflag:s8] =	ssyncadd.s32 $0xFFFFE000  }
0x7f: {  	_ =	swait.ge [sflag:s11], $0x2000  }
0x80: {  	s14 =	simm.s32 $0x50;
	[sflag:s11] =	ssyncset.done $0x0  }
0x81: {  	s15 =	simm.s32 $0xA0;
	s4 =	simm.s32 $0xB;
	[sflag:s11] =	ssyncadd.s32 $0xFFFFE000  }
0x82: {  	s5 =	simm.s32 $0xC;
	s11 =	simm.s32 $0xD;
	_ =	swait.ge [sflag:s2], $0x2000  }
0x83: {  	s16 =	rddreg [dreg:$0x4];
	[sflag:s2] =	ssyncset.done $0x0;
	s2 =	simm.s32 $0xF  }
.LBB2_4:
0x84: {  	[sflag:s2] =	ssyncadd.s32 $0xFFFFE000;
	s18 =	rddreg [dreg:$0x3];
	s16 =	sadd.s32 s14, s16  }
0x85: {  	[tilespmem:s3], [sflag:$0x1] =	stream.linear.gather [hbm4b:s16+s3], $0x80, $0x38;
	[tilespmem:$0x1DD40] =	vst v63  }
0x86: {  	s19 =	simm.s32 $0x280;
	s18 =	sadd.s32 s14, s18  }
0x87: {  	[tilespmem:s19], [sflag:$0x1] =	stream.linear.gather [hbm4b:s18+s3], $0x80, $0x38;
	[tilespmem:$0x1DD40] =	vst v63  }
0x88: {  	s24 =	sadd.s32 $0x10, s16  }
0x89: {  	[tilespmem:s13], [sflag:$0x2] =	stream.linear.gather [hbm4b:s24+s3], $0x80, $0x38;
	[tilespmem:$0x1DD40] =	vst v63  }
0x8a: {  	s26 =	sadd.s32 $0x10, s18;
	s19 =	simm.s32 $0x300  }
0x8b: {  	[tilespmem:s19], [sflag:$0x2] =	stream.linear.gather [hbm4b:s26+s3], $0x80, $0x38;
	[tilespmem:$0x1DD40] =	vst v63  }
0x8c: {  	s20 =	simm.s32 $0x100;
	s31 =	sadd.s32 $0x20, s16  }
0x8d: {  	[tilespmem:s20], [sflag:$0x3] =	stream.linear.gather [hbm4b:s31+s3], $0x80, $0x38;
	[tilespmem:$0x1DD40] =	vst v63  }
0x8e: {  	s0 =	sadd.s32 $0x20, s18;
	s20 =	simm.s32 $0x380  }
0x8f: {  	[tilespmem:s20], [sflag:$0x3] =	stream.linear.gather [hbm4b:s0+s3], $0x80, $0x38;
	[tilespmem:$0x1DD40] =	vst v63  }
0x90: {  	s8 =	sadd.s32 $0x30, s16;
	s26 =	simm.s32 $0x180  }
0x91: {  	[tilespmem:s26], [sflag:$0x4] =	stream.linear.gather [hbm4b:s8+s3], $0x80, $0x38;
	[tilespmem:$0x1DD40] =	vst v63  }
0x92: {  	s10 =	sadd.s32 $0x30, s18;
	s31 =	simm.s32 $0x400  }
0x93: {  	[tilespmem:s31], [sflag:$0x4] =	stream.linear.gather [hbm4b:s10+s3], $0x80, $0x38;
	[tilespmem:$0x1DD40] =	vst v63  }
0x94: {  	s29 =	simm.s32 $0x200;
	s16 =	sadd.s32 $0x40, s16  }
0x95: {  	[tilespmem:s29], [sflag:$0x5] =	stream.linear.gather [hbm4b:s16+s3], $0x80, $0x38;
	[tilespmem:$0x1DD40] =	vst v63  }
0x96: {  	s22 =	sadd.s32 $0x40, s18;
	s24 =	simm.s32 $0x480  }
0x97: {  	[tilespmem:s24], [sflag:$0x5] =	stream.linear.gather [hbm4b:s22+s3], $0x80, $0x38;
	[tilespmem:$0x1DD40] =	vst v63  }
0x98: {  	_ =	swait.ge [sflag:s21], $0x80  }
0x99: {  	[sflag:s21] =	ssyncset.done $0x0  }
0x9a: {  	[sflag:s21] =	ssyncadd.s32 $0xFFFFFF80  }
0x9b: {  	_ =	swait.ge [sflag:s21], $0x80  }
0x9c: {  	[sflag:s21] =	ssyncset.done $0x0  }
0x9d: {  	s16 =	simm.s32 $0x500;
	[sflag:s21] =	ssyncadd.s32 $0xFFFFFF80  }
0x9e: {  	[tilespmem:s16], [sflag:$0x6] =	stream.indirect.gather [hbm4b:s6+s13], $0x40, s3, s13, $0xb8;
	[tilespmem:$0x1DD40] =	vst v63  }
0x9f: {  	_ =	swait.ge [sflag:s23], $0x80  }
0xa0: {  	[sflag:s23] =	ssyncset.done $0x0  }
0xa1: {  	[sflag:s23] =	ssyncadd.s32 $0xFFFFFF80  }
0xa2: {  	_ =	swait.ge [sflag:s23], $0x80  }
0xa3: {  	[sflag:s23] =	ssyncset.done $0x0  }
0xa4: {  	s22 =	simm.s32 $0x2500;
	[sflag:s23] =	ssyncadd.s32 $0xFFFFFF80  }
0xa5: {  	[tilespmem:s22], [sflag:$0x7] =	stream.indirect.gather [hbm4b:s6+s13], $0x40, s13, s13, $0xb8;
	[tilespmem:$0x1DD40] =	vst v63  }
0xa6: {  	_ =	swait.ge [sflag:s25], $0x80  }
0xa7: {  	[sflag:s25] =	ssyncset.done $0x0  }
0xa8: {  	[sflag:s25] =	ssyncadd.s32 $0xFFFFFF80  }
0xa9: {  	_ =	swait.ge [sflag:s25], $0x80  }
0xaa: {  	[sflag:s25] =	ssyncset.done $0x0  }
0xab: {  	s18 =	simm.s32 $0x100;
	s0 =	simm.s32 $0x4500;
	[sflag:s25] =	ssyncadd.s32 $0xFFFFFF80  }
0xac: {  	[tilespmem:s0], [sflag:$0x8] =	stream.indirect.gather [hbm4b:s6+s13], $0x40, s18, s13, $0xb8;
	[tilespmem:$0x1DD40] =	vst v63  }
0xad: {  	_ =	swait.ge [sflag:s28], $0x80  }
0xae: {  	[sflag:s28] =	ssyncset.done $0x0  }
0xaf: {  	[sflag:s28] =	ssyncadd.s32 $0xFFFFFF80  }
0xb0: {  	_ =	swait.ge [sflag:s28], $0x80  }
0xb1: {  	[sflag:s28] =	ssyncset.done $0x0  }
0xb2: {  	s10 =	simm.s32 $0x6500;
	[sflag:s28] =	ssyncadd.s32 $0xFFFFFF80  }
0xb3: {  	[tilespmem:s10], [sflag:$0x9] =	stream.indirect.gather [hbm4b:s6+s13], $0x40, s26, s13, $0xb8;
	[tilespmem:$0x1DD40] =	vst v63  }
0xb4: {  	_ =	swait.ge [sflag:s30], $0x80  }
0xb5: {  	[sflag:s30] =	ssyncset.done $0x0  }
0xb6: {  	[sflag:s30] =	ssyncadd.s32 $0xFFFFFF80  }
0xb7: {  	_ =	swait.ge [sflag:s30], $0x80  }
0xb8: {  	[sflag:s30] =	ssyncset.done $0x0  }
0xb9: {  	s8 =	simm.s32 $0x8500;
	[sflag:s30] =	ssyncadd.s32 $0xFFFFFF80  }
0xba: {  	[tilespmem:s8], [sflag:$0xA] =	stream.indirect.gather [hbm4b:s6+s13], $0x40, s29, s13, $0xb8;
	[tilespmem:$0x1DD40] =	vst v63  }
0xbb: {  	s29 =	simm.s32 $0x6  }
0xbc: {  	_ =	swait.ge [sflag:s29], $0x2000  }
0xbd: {  	s17 =	smov.u32 s15;
	[sflag:s29] =	ssyncset.done $0x0  }
0xbe: {  	s14 =	smov.u32 s17;
	s17 =	simm.s32 $0x280;
	[sflag:s29] =	ssyncadd.s32 $0xFFFFE000  }
0xbf: {  	[spmem:s1] =	stream.indirect.scatter.add.f32 [tilespmem:s16], [sflag:$0xB], $0x40, s17, s13, $0xb8;
	[tilespmem:$0x1DD40] =	vst v63  }
0xc0: {  	s16 =	simm.s32 $0x7  }
0xc1: {  	_ =	swait.ge [sflag:s16], $0x2000  }
0xc2: {  	[sflag:s16] =	ssyncset.done $0x0  }
0xc3: {  	[sflag:s16] =	ssyncadd.s32 $0xFFFFE000  }
0xc4: {  	[spmem:s1] =	stream.indirect.scatter.add.f32 [tilespmem:s22], [sflag:$0xC], $0x40, s19, s13, $0xb8;
	[tilespmem:$0x1DD40] =	vst v63  }
0xc5: {  	_ =	swait.ge [sflag:s7], $0x2000  }
0xc6: {  	[sflag:s7] =	ssyncset.done $0x0  }
0xc7: {  	s26 =	simm.s32 $0x9;
	[sflag:s7] =	ssyncadd.s32 $0xFFFFE000  }
0xc8: {  	[spmem:s1] =	stream.indirect.scatter.add.f32 [tilespmem:s0], [sflag:$0xD], $0x40, s20, s13, $0xb8;
	[tilespmem:$0x1DD40] =	vst v63  }
0xc9: {  	_ =	swait.ge [sflag:s26], $0x2000  }
0xca: {  	[sflag:s26] =	ssyncset.done $0x0  }
0xcb: {  	[sflag:s26] =	ssyncadd.s32 $0xFFFFE000  }
0xcc: {  	[spmem:s1] =	stream.indirect.scatter.add.f32 [tilespmem:s10], [sflag:$0xE], $0x40, s31, s13, $0xb8;
	[tilespmem:$0x1DD40] =	vst v63  }
0xcd: {  	_ =	swait.ge [sflag:s9], $0x2000  }
0xce: {  	[sflag:s9] =	ssyncset.done $0x0  }
0xcf: {  	[sflag:s9] =	ssyncadd.s32 $0xFFFFE000  }
0xd0: {  	[spmem:s1] =	stream.indirect.scatter.add.f32 [tilespmem:s8], [sflag:$0xF], $0x40, s24, s13, $0xb8;
	[tilespmem:$0x1DD40] =	vst v63  }
0xd1: {  	_ =	swait.ge [sflag:s4], $0x2000  }
0xd2: {  	[sflag:s4] =	ssyncset.done $0x0  }
0xd3: {  	[sflag:s4] =	ssyncadd.s32 $0xFFFFE000  }
0xd4: {  	_ =	swait.ge [sflag:s5], $0x2000  }
0xd5: {  	[sflag:s5] =	ssyncset.done $0x0  }
0xd6: {  	[sflag:s5] =	ssyncadd.s32 $0xFFFFE000  }
0xd7: {  	_ =	swait.ge [sflag:s11], $0x2000  }
0xd8: {  	[sflag:s11] =	ssyncset.done $0x0  }
0xd9: {  	p1 =	sne.s32 s15, $0x9B0;
	[sflag:s11] =	ssyncadd.s32 $0xFFFFE000  }
.Ltmp1:
0xda: {  	_ =	swait.ge [sflag:s12], $0x2000;
	(pc) =	sbr.rel @p1 .LBB2_4-.Ltmp1, $4  }
0xdb: {  	[sflag:s12] =	ssyncset.done $0x0  }
0xdc: {  	[sflag:s12] =	ssyncadd.s32 $0xFFFFE000  }
0xdd: {  	_ =	swait.ge [sflag:s2], $0x2000  }
0xde: {  	s15 =	sadd.s32 $0x50, s15;
	s16 =	rddreg [dreg:$0x4];
	[sflag:s2] =	ssyncset.done $0x0  }
0xdf: {  	s15 =	rddreg [dreg:$0x3];
	[sflag:s2] =	ssyncadd.s32 $0xFFFFE000;
	s16 =	sadd.s32 s14, s16  }
0xe0: {  	[tilespmem:s3], [sflag:$0x1] =	stream.linear.gather [hbm4b:s16+s3], $0x80, $0x38;
	[tilespmem:$0x1DD40] =	vst v63  }
0xe1: {  	s14 =	sadd.s32 s14, s15  }
0xe2: {  	[tilespmem:s17], [sflag:$0x1] =	stream.linear.gather [hbm4b:s14+s3], $0x80, $0x38;
	[tilespmem:$0x1DD40] =	vst v63  }
0xe3: {  	s10 =	sadd.s32 $0x10, s16  }
0xe4: {  	[tilespmem:s13], [sflag:$0x2] =	stream.linear.gather [hbm4b:s10+s3], $0x80, $0x38;
	[tilespmem:$0x1DD40] =	vst v63  }
0xe5: {  	s22 =	sadd.s32 $0x10, s14  }
0xe6: {  	[tilespmem:s19], [sflag:$0x2] =	stream.linear.gather [hbm4b:s22+s3], $0x80, $0x38;
	[tilespmem:$0x1DD40] =	vst v63  }
0xe7: {  	s24 =	sadd.s32 $0x20, s16  }
0xe8: {  	[tilespmem:s18], [sflag:$0x3] =	stream.linear.gather [hbm4b:s24+s3], $0x80, $0x38;
	[tilespmem:$0x1DD40] =	vst v63  }
0xe9: {  	s31 =	sadd.s32 $0x20, s14  }
0xea: {  	[tilespmem:s20], [sflag:$0x3] =	stream.linear.gather [hbm4b:s31+s3], $0x80, $0x38;
	[tilespmem:$0x1DD40] =	vst v63  }
0xeb: {  	s0 =	sadd.s32 $0x30, s16;
	s24 =	simm.s32 $0x180  }
0xec: {  	[tilespmem:s24], [sflag:$0x4] =	stream.linear.gather [hbm4b:s0+s3], $0x80, $0x38;
	[tilespmem:$0x1DD40] =	vst v63  }
0xed: {  	s8 =	sadd.s32 $0x30, s14;
	s31 =	simm.s32 $0x400  }
0xee: {  	[tilespmem:s31], [sflag:$0x4] =	stream.linear.gather [hbm4b:s8+s3], $0x80, $0x38;
	[tilespmem:$0x1DD40] =	vst v63  }
0xef: {  	s10 =	sadd.s32 $0x40, s16;
	s16 =	simm.s32 $0x200  }
0xf0: {  	[tilespmem:s16], [sflag:$0x5] =	stream.linear.gather [hbm4b:s10+s3], $0x80, $0x38;
	[tilespmem:$0x1DD40] =	vst v63  }
0xf1: {  	s15 =	simm.s32 $0x480;
	s14 =	sadd.s32 $0x40, s14  }
0xf2: {  	[tilespmem:s15], [sflag:$0x5] =	stream.linear.gather [hbm4b:s14+s3], $0x80, $0x38;
	[tilespmem:$0x1DD40] =	vst v63  }
0xf3: {  	_ =	swait.ge [sflag:s21], $0x80  }
0xf4: {  	[sflag:s21] =	ssyncset.done $0x0  }
0xf5: {  	[sflag:s21] =	ssyncadd.s32 $0xFFFFFF80  }
0xf6: {  	_ =	swait.ge [sflag:s21], $0x80  }
0xf7: {  	[sflag:s21] =	ssyncset.done $0x0  }
0xf8: {  	s14 =	simm.s32 $0x500;
	[sflag:s21] =	ssyncadd.s32 $0xFFFFFF80  }
0xf9: {  	[tilespmem:s14], [sflag:$0x6] =	stream.indirect.gather [hbm4b:s6+s13], $0x40, s3, s13, $0xb8;
	[tilespmem:$0x1DD40] =	vst v63  }
0xfa: {  	_ =	swait.ge [sflag:s23], $0x80  }
0xfb: {  	[sflag:s23] =	ssyncset.done $0x0  }
0xfc: {  	[sflag:s23] =	ssyncadd.s32 $0xFFFFFF80  }
0xfd: {  	_ =	swait.ge [sflag:s23], $0x80  }
0xfe: {  	[sflag:s23] =	ssyncset.done $0x0  }
0xff: {  	s22 =	simm.s32 $0x2500;
	[sflag:s23] =	ssyncadd.s32 $0xFFFFFF80  }
0x100: {  	[tilespmem:s22], [sflag:$0x7] =	stream.indirect.gather [hbm4b:s6+s13], $0x40, s13, s13, $0xb8;
	[tilespmem:$0x1DD40] =	vst v63  }
0x101: {  	_ =	swait.ge [sflag:s25], $0x80  }
0x102: {  	[sflag:s25] =	ssyncset.done $0x0  }
0x103: {  	[sflag:s25] =	ssyncadd.s32 $0xFFFFFF80  }
0x104: {  	_ =	swait.ge [sflag:s25], $0x80  }
0x105: {  	[sflag:s25] =	ssyncset.done $0x0  }
0x106: {  	s0 =	simm.s32 $0x4500;
	[sflag:s25] =	ssyncadd.s32 $0xFFFFFF80  }
0x107: {  	[tilespmem:s0], [sflag:$0x8] =	stream.indirect.gather [hbm4b:s6+s13], $0x40, s18, s13, $0xb8;
	[tilespmem:$0x1DD40] =	vst v63  }
0x108: {  	_ =	swait.ge [sflag:s28], $0x80  }
0x109: {  	[sflag:s28] =	ssyncset.done $0x0  }
0x10a: {  	[sflag:s28] =	ssyncadd.s32 $0xFFFFFF80  }
0x10b: {  	_ =	swait.ge [sflag:s28], $0x80  }
0x10c: {  	[sflag:s28] =	ssyncset.done $0x0  }
0x10d: {  	s10 =	simm.s32 $0x6500;
	[sflag:s28] =	ssyncadd.s32 $0xFFFFFF80  }
0x10e: {  	[tilespmem:s10], [sflag:$0x9] =	stream.indirect.gather [hbm4b:s6+s13], $0x40, s24, s13, $0xb8;
	[tilespmem:$0x1DD40] =	vst v63  }
0x10f: {  	_ =	swait.ge [sflag:s30], $0x80  }
0x110: {  	[sflag:s30] =	ssyncset.done $0x0  }
0x111: {  	[sflag:s30] =	ssyncadd.s32 $0xFFFFFF80  }
0x112: {  	_ =	swait.ge [sflag:s30], $0x80  }
0x113: {  	[sflag:s30] =	ssyncset.done $0x0  }
0x114: {  	s8 =	simm.s32 $0x8500;
	[sflag:s30] =	ssyncadd.s32 $0xFFFFFF80  }
0x115: {  	[tilespmem:s8], [sflag:$0xA] =	stream.indirect.gather [hbm4b:s6+s13], $0x40, s16, s13, $0xb8;
	[tilespmem:$0x1DD40] =	vst v63  }
0x116: {  	_ =	swait.ge [sflag:s29], $0x2000  }
0x117: {  	[sflag:s29] =	ssyncset.done $0x0  }
0x118: {  	s16 =	simm.s32 $0x7;
	[sflag:s29] =	ssyncadd.s32 $0xFFFFE000  }
0x119: {  	[spmem:s1] =	stream.indirect.scatter.add.f32 [tilespmem:s14], [sflag:$0xB], $0x40, s17, s13, $0xb8;
	[tilespmem:$0x1DD40] =	vst v63  }
0x11a: {  	_ =	swait.ge [sflag:s16], $0x2000  }
0x11b: {  	[sflag:s16] =	ssyncset.done $0x0  }
0x11c: {  	[sflag:s16] =	ssyncadd.s32 $0xFFFFE000  }
0x11d: {  	[spmem:s1] =	stream.indirect.scatter.add.f32 [tilespmem:s22], [sflag:$0xC], $0x40, s19, s13, $0xb8;
	[tilespmem:$0x1DD40] =	vst v63  }
0x11e: {  	_ =	swait.ge [sflag:s7], $0x2000  }
0x11f: {  	[sflag:s7] =	ssyncset.done $0x0  }
0x120: {  	[sflag:s7] =	ssyncadd.s32 $0xFFFFE000  }
0x121: {  	[spmem:s1] =	stream.indirect.scatter.add.f32 [tilespmem:s0], [sflag:$0xD], $0x40, s20, s13, $0xb8;
	[tilespmem:$0x1DD40] =	vst v63  }
0x122: {  	_ =	swait.ge [sflag:s26], $0x2000  }
0x123: {  	[sflag:s26] =	ssyncset.done $0x0  }
0x124: {  	[sflag:s26] =	ssyncadd.s32 $0xFFFFE000  }
0x125: {  	[spmem:s1] =	stream.indirect.scatter.add.f32 [tilespmem:s10], [sflag:$0xE], $0x40, s31, s13, $0xb8;
	[tilespmem:$0x1DD40] =	vst v63  }
0x126: {  	_ =	swait.ge [sflag:s9], $0x2000  }
0x127: {  	[sflag:s9] =	ssyncset.done $0x0  }
0x128: {  	[sflag:s9] =	ssyncadd.s32 $0xFFFFE000  }
0x129: {  	[spmem:s1] =	stream.indirect.scatter.add.f32 [tilespmem:s8], [sflag:$0xF], $0x40, s15, s13, $0xb8;
	[tilespmem:$0x1DD40] =	vst v63  }
0x12a: {  	_ =	swait.ge [sflag:s4], $0x2000  }
0x12b: {  	[sflag:s4] =	ssyncset.done $0x0  }
0x12c: {  	[sflag:s4] =	ssyncadd.s32 $0xFFFFE000  }
0x12d: {  	_ =	swait.ge [sflag:s5], $0x2000  }
0x12e: {  	[sflag:s5] =	ssyncset.done $0x0  }
0x12f: {  	[sflag:s5] =	ssyncadd.s32 $0xFFFFE000  }
0x130: {  	_ =	swait.ge [sflag:s11], $0x2000  }
0x131: {  	[sflag:s11] =	ssyncset.done $0x0  }
0x132: {  	[sflag:s11] =	ssyncadd.s32 $0xFFFFE000  }
0x133: {  	_ =	swait.ge [sflag:s12], $0x2000  }
0x134: {  	[sflag:s12] =	ssyncset.done $0x0  }
0x135: {  	[sflag:s12] =	ssyncadd.s32 $0xFFFFE000  }
0x136: {  	_ =	swait.ge [sflag:s2], $0x2000  }
0x137: {  	[sflag:s2] =	ssyncset.done $0x0  }
0x138: {  	[sflag:s2] =	ssyncadd.s32 $0xFFFFE000  }
0x139: {  	s17 =	stileid.u32;
	[bflag:$0x0] =	sbarrier.arrive $0xFFFF  }
0x13a: {  	s24 =	simm.s32 $0x10;
	s14 =	sshll.u32 s17, $0x6;
	s17 =	rddreg [dreg:$0x5]  }
0x13b: {  	s14 =	sor.u32 $0x1C10, s14;
	s22 =	rddreg [dreg:$0x7];
	s18 =	sshrl.u32 s17, $0x3  }
0x13c: {  	[hbm:s22], [sflag:s14] =	dma.local [spmem:s18], $0x1380  }
0x13d: {  	_ =	swait.ge [sflag:s24], $0x1380  }
0x13e: {  	[sflag:s24] =	ssyncset.done $0x0;
	s18 =	rddreg [dreg:$0x6]  }
0x13f: {  	s16 =	rddreg [dreg:$0x8];
	[sflag:s24] =	ssyncadd.s32 $0xFFFFEC80;
	s15 =	sshrl.u32 @!p0 s18, $0x3  }
0x140: {  	[hbm:s16], [sflag:s14] =	dma.local @!p0 [spmem:s15], $0x80  }
0x141: {  	s14 =	simm.s32 @!p0 $0x10  }
0x142: {  	_ =	swait.ge @!p0 [sflag:s14], $0x80  }
0x143: {  	s26 =	rddreg [dreg:$0xa]  }
0x144: {  	s31 =	rddreg [dreg:$0x9];
	s16 =	sadd.s32 $0x1, s26  }
0x145: {  	p1 =	sne.s32 s16, s31  }
.Ltmp2:
0x146: {  	_ = 	snop;
	(pc) =	sbr.rel @p1 .LBB2_1-.Ltmp2, $4  }
0x147: {  	_ = 	snop  }
0x148: {  	s8 =	simm.s32 $0xD  }
0x149: {  	s4 =	simm.s32 $0xB;
	s5 =	simm.s32 $0xC;
	[sflag:s14] =	ssyncset.done @!p0 $0x0  }
0x14a: {  	s11 =	simm.s32 $0xE;
	s2 =	simm.s32 $0xF;
	[sflag:s14] =	ssyncadd.s32 @!p0 $0xFFFFFF80  }
0x14b: {  	_ =	sfence.sel $0x180000  }
0x14c: {  	[bflag:$0x0] =	sbarrier.arrive $0xFFFF  }
0x14d: {  	_ =	strace $0x9000004A  }
0x14e: {  	s0 =	stileid.u32;
	[bflag:$0x2] =	sbarrier.arrive $0xFFFF  }
0x14f: {  	p0 =	sne.s32 s0, $0x0;
	s0 =	rddreg [dreg:$0x2]  }
0x150: {  	s0 =	sadd.s32 @!p0 $0x100000, s0  }
0x151: {  	[sflag:s0] =	ssyncadd.tile.s32 @!p0 $0x1;
	_ =	shalt  }
.Lfunc_end2:
_tile_overlayer_lowered:
.L_overlay_start_2:
0x152: {  	(tag) =	ssettag $0x2  }
0x153: {  	s0 =	rddreg [dreg:$0x0];
	s2 =	stileid.u32  }
0x154: {  	s1 =	rddreg [dreg:$0x1];
	p0 =	sne.s32 s2, $0x0  }
0x155: {  	s3 =	rddreg [dreg:$0x2];
	[bflag:$0x3] =	sbarrier.arrive $0xFFFF;
	s2 =	simm.s32 @!p0 $0x1C10  }
0x156: {  	[timem:s3], [sflag:s2] =	dma.local @!p0 [hbm:s0], s1  }
0x157: {  	s0 =	simm.s32 @!p0 $0x10  }
0x158: {  	_ =	swait.ge @!p0 [sflag:s0], s1  }
0x159: {  	s1 =	ssub.s32 @!p0 $0x0, s1;
	[sflag:s0] =	ssyncset.done @!p0 $0x0  }
0x15a: {  	[sflag:s0] =	ssyncadd.s32 @!p0 s1  }
0x15b: {  	[bflag:$0x3] =	sbarrier.arrive $0xFFFF  }
0x15c: {  	_ =	shalt  }

// kernel: kernel.14.cloned.1.call-start
scs
__scs_entry_jumppad:
0x0: {  	(pc) =	sbr.rel $0x88, $3  }
0x1: {  	(tag) =	ssettag $0x0;
	lr =	simm.s32 $0x1  }
0x2: {  	[smem:$0x3F8F] =	sst lr;
	_ =	strace $0xD0000000  }
0x3: {  	_ = 	snop  }
0x4: {  	_ = 	snop  }
0x5: {  	_ = 	snop  }
0x6: {  	_ = 	snop  }
0x7: {  	_ = 	snop  }
__scs_overlays_trampoline_lowered:
0x8: {  	[smem:$0x3F9E] =	sst s0  }
0x9: {  	[smem:$0x3F9F] =	sst s1  }
0xa: {  	[smem:$0x3FA0] =	sst s2  }
0xb: {  	[smem:$0x3FA1] =	sst s3  }
0xc: {  	[smem:$0x3FA2] =	sst s4  }
0xd: {  	[smem:$0x3FA3] =	sst s5  }
0xe: {  	[smem:$0x3FA4] =	sst s6  }
0xf: {  	[smem:$0x3FA5] =	sst s7  }
0x10: {  	[smem:$0x3FA6] =	sst s8  }
0x11: {  	[smem:$0x3FA7] =	sst s9;
	s0 =	simm.s32 @!p0 $0x0  }
0x12: {  	s1 =	sld [smem:$0x3F8D];
	s0 =	simm.s32 @p0 $0x1  }
0x13: {  	[smem:$0x3FA8] =	sst s0;
	s0 =	simm.s32 @!p1 $0x0  }
0x14: {  	s2 =	sld [smem:$0x3F8C];
	s0 =	simm.s32 @p1 $0x1  }
0x15: {  	[smem:$0x3FA9] =	sst s0;
	s0 =	simm.s32 @!p2 $0x0  }
0x16: {  	s3 =	sld [smem:$0x3FDB];
	s0 =	simm.s32 @p2 $0x1  }
0x17: {  	s4 =	simm.s32 $0x1BF5;
	[smem:$0x3FAB] =	sst s0  }
0x18: {  	s0 =	sld [smem:$0x3F8E];
	_ =	swait.ge [sflag:s4], $0x0  }
0x19: {  	s7 =	sld [smem:$0x3F8F]  }
0x1a: {  	s8 =	sadd.s32 $0xFFFFE003, lr  }
0x1b: {  	s9 =	sadd.s32 $0xFFFFFEF7, lr;
	s5 =	simm.s32 $0xFFFFFFFF;
	p2 =	slt.u32 s8, $0xFFFFF086  }
0x1c: {  	p1 =	slt.u32 s9, $0xF7A;
	s5 =	simm.s32 @!p2 $0x0  }
0x1d: {  	s5 =	simm.s32 @p1 $0x1;
	p0 =	seq.s32 s7, s2  }
0x1e: {  	s7 =	smul.u32 @!p0 $0xF7A, s2;
	p2 =	seq.s32 @!p0 s5, $0x0  }
0x1f: {  	s9 =	smul.u32 $0xF7A, s1;
	s8 =	simm.s32 @!p0 $0x1BF5;
	p2 =	por !p2, p0  }
0x20: {  	[sflag:s8] =	ssyncset.s32 @!p0 $0xFFFFF086;
	s6 =	sadd.s32 @!p0 s3, s7;
	s7 =	simm.s32 @!p0 $0x108  }
0x21: {  	s3 =	sadd.s32 s3, s9;
	s6 =	sadd.s32 @!p0 $0x88, s6;
	s7 =	simm.s32 @p2 $0x1082  }
0x22: {  	[simem:s7], [sflag:s8] =	dma.local @!p0 [hbm:s6], $0xF7A  }
0x23: {  	s9 =	sor.u32 $0xD0000000, s2;
	s6 =	simm.s32 $0x108;
	_ =	swait.ge @!p0 [sflag:s8], $0x0  }
0x24: {  	s3 =	sadd.s32 $0x88, s3;
	s6 =	simm.s32 @!p1 $0x1082;
	[sflag:s4] =	ssyncset.s32 $0xFFFFF086  }
0x25: {  	[simem:s6], [sflag:s4] =	dma.local [hbm:s3], $0xF7A  }
0x26: {  	[smem:$0x3F8F] =	sst s1;
	(tag) =	ssettag s2;
	_ =	strace s9  }
0x27: {  	s1 =	sld [smem:$0x3F9F]  }
0x28: {  	s2 =	sld [smem:$0x3FA0]  }
0x29: {  	s4 =	sld [smem:$0x3FA2]  }
0x2a: {  	p0 =	seq.s32 s5, $0x0;
	s5 =	sld [smem:$0x3FA3]  }
0x2b: {  	s6 =	sld [smem:$0x3FA4]  }
0x2c: {  	s7 =	sld [smem:$0x3FA5]  }
0x2d: {  	s3 =	simm.s32 $0x108;
	s8 =	sld [smem:$0x3FA6]  }
0x2e: {  	s3 =	simm.s32 @!p0 $0x1082;
	s9 =	sld [smem:$0x3FA7]  }
0x2f: {  	lr =	sadd.s32 s0, s3;
	s0 =	sld [smem:$0x3F9E]  }
0x30: {  	s3 =	sld [smem:$0x3FA1]  }
0x31: {  	[smem:$0x3FAA] =	sst s10  }
0x32: {  	s10 =	sld [smem:$0x3FA8];
	_ =	sdelay $0x3  }
0x33: {  	p0 =	seq.s32 s10, $0x1;
	s10 =	sld [smem:$0x3FAA];
	_ =	sdelay $0x3  }
0x34: {  	[smem:$0x3FAA] =	sst s10  }
0x35: {  	s10 =	sld [smem:$0x3FA9];
	_ =	sdelay $0x3  }
0x36: {  	p1 =	seq.s32 s10, $0x1;
	s10 =	sld [smem:$0x3FAA];
	_ =	sdelay $0x3  }
0x37: {  	[smem:$0x3FAA] =	sst s10  }
0x38: {  	s10 =	sld [smem:$0x3FAB]  }
0x39: {  	_ = 	snop;
	(pc) =	sbr.ind lr, $3  }
0x3a: {  	_ = 	snop  }
0x3b: {  	_ = 	snop  }
0x3c: {  	p2 =	seq.s32 s10, $0x1;
	s10 =	sld [smem:$0x3FAA]  }
0x3d: {  	_ =	shalt  }
0x3e: {  	_ =	shalt  }
0x3f: {  	_ =	shalt  }
0x40: {  	_ =	shalt  }
0x41: {  	_ =	shalt  }
0x42: {  	_ =	shalt  }
0x43: {  	_ =	shalt  }
0x44: {  	_ =	shalt  }
0x45: {  	_ =	shalt  }
0x46: {  	_ =	shalt  }
0x47: {  	_ =	shalt  }
0x48: {  	_ =	shalt  }
0x49: {  	_ =	shalt  }
0x4a: {  	_ =	shalt  }
0x4b: {  	_ =	shalt  }
0x4c: {  	_ =	shalt  }
0x4d: {  	_ =	shalt  }
0x4e: {  	_ =	shalt  }
0x4f: {  	_ =	shalt  }
0x50: {  	_ =	shalt  }
0x51: {  	_ =	shalt  }
0x52: {  	_ =	shalt  }
0x53: {  	_ =	shalt  }
0x54: {  	_ =	shalt  }
0x55: {  	_ =	shalt  }
0x56: {  	_ =	shalt  }
0x57: {  	_ =	shalt  }
0x58: {  	_ =	shalt  }
0x59: {  	_ =	shalt  }
0x5a: {  	_ =	shalt  }
0x5b: {  	_ =	shalt  }
0x5c: {  	_ =	shalt  }
0x5d: {  	_ =	shalt  }
0x5e: {  	_ =	shalt  }
0x5f: {  	_ =	shalt  }
0x60: {  	_ =	shalt  }
0x61: {  	_ =	shalt  }
0x62: {  	_ =	shalt  }
0x63: {  	_ =	shalt  }
0x64: {  	_ =	shalt  }
0x65: {  	_ =	shalt  }
0x66: {  	_ =	shalt  }
0x67: {  	_ =	shalt  }
0x68: {  	_ =	shalt  }
0x69: {  	_ =	shalt  }
0x6a: {  	_ =	shalt  }
0x6b: {  	_ =	shalt  }
0x6c: {  	_ =	shalt  }
0x6d: {  	_ =	shalt  }
0x6e: {  	_ =	shalt  }
0x6f: {  	_ =	shalt  }
0x70: {  	_ =	shalt  }
0x71: {  	_ =	shalt  }
0x72: {  	_ =	shalt  }
0x73: {  	_ =	shalt  }
0x74: {  	_ =	shalt  }
0x75: {  	_ =	shalt  }
0x76: {  	_ =	shalt  }
0x77: {  	_ =	shalt  }
0x78: {  	_ =	shalt  }
0x79: {  	_ =	shalt  }
0x7a: {  	_ =	shalt  }
0x7b: {  	_ =	shalt  }
0x7c: {  	_ =	shalt  }
0x7d: {  	_ =	shalt  }
0x7e: {  	_ =	shalt  }
0x7f: {  	_ =	shalt  }
0x80: {  	_ =	shalt  }
0x81: {  	_ =	shalt  }
0x82: {  	_ =	shalt  }
0x83: {  	_ =	shalt  }
0x84: {  	_ =	shalt  }
0x85: {  	_ =	shalt  }
0x86: {  	_ =	shalt  }
0x87: {  	_ =	shalt  }
.Lfunc_end0:
.L_simem_size_0:
called_computation.2_lowered:
.L_overlay_start_0:
0x88: {  	s2 =	sld [smem:$0x3FD9]  }
0x89: {  	s3 =	sld [smem:$0x3FFE];
	_ =	sdelay $0x1  }
0x8a: {  	s1 =	srdreg.scid  }
0x8b: {  	s0 =	sand.u32 $0x1, s1  }
0x8c: {  	s16 =	sshll.u32 s0, $0xA;
	s2 =	sadd.s32 s3, s2  }
0x8d: {  	s2 =	sadd.s32 s2, s16  }
0x8e: {  	[smem:$0x3FB6] =	sst s2  }
0x8f: {  	_ = 	snop  }
0x90: {  	(tm) =	ssettm $0x1  }
0x91: {  	s17 =	sld [smem:$0x3FFB];
	_ =	sdelay $0x3  }
0x92: {  	_ =	strace s17  }
0x93: {  	s2 =	sld [smem:$0x3FFC];
	_ =	sdelay $0x3  }
0x94: {  	_ =	strace s2  }
0x95: {  	s2 =	sld [smem:$0x3FFD];
	_ =	sdelay $0x3  }
0x96: {  	_ =	strace s2  }
0x97: {  	_ =	strace $0x8FFFFFFF  }
0x98: {  	s18 =	sld [smem:$0x3FDB];
	_ =	sdelay $0x1  }
0x99: {  	s19 =	simm.s32 $_scs_section_size  }
0x9a: {  	s4 =	simm.s32 $_size__tile_overlayer_lowered;
	s5 =	simm.s32 $_tile_overlayer_lowered  }
0x9b: {  	s22 =	simm.s32 $0x1BFF;
	s21 =	sshll.u32 s5, $0x1;
	s2 =	sadd.s32 s19, s18  }
0x9c: {  	s6 =	simm.s32 $0x0;
	s20 =	sshll.u32 s4, $0x1;
	s4 =	sadd.s32 s21, s2  }
0x9d: {  	[timem:s6], [sflag:s22] =	dma.local [hbm:s4], s20  }
0x9e: {  	_ =	swait.ge [sflag:s22], s20  }
0x9f: {  	s3 =	ssub.s32 $0x0, s20;
	[sflag:s22] =	ssyncset.done $0x0  }
0xa0: {  	[sflag:s22] =	ssyncadd.s32 s3;
	_ =	sdelay $0x1  }
0xa1: {  	s23 =	simm.s32 $0x1B8B  }
0xa2: {  	_ =	swait.ge [sflag:s23], $0x1  }
0xa3: {  	[sflag:s23] =	ssyncset.done $0x0  }
0xa4: {  	s25 =	simm.s32 $0x1B8E;
	s24 =	sld [smem:$0x3FFE];
	[sflag:s23] =	ssyncadd.s32 $0xFFFFFFFF  }
0xa5: {  	s26 =	simm.s32 $execute0_lowered;
	[smem:$0x3FD2] =	sst s25  }
0xa6: {  	s4 =	sshll.u32 s26, $0x1;
	_ =	strace $0x8000004C;
	[dreg:$0x1] =	wrdreg $0xFFFFFFFF  }
0xa7: {  	s28 =	simm.s32 $_size_execute0_lowered;
	s2 =	sadd.s32 s2, s4;
	[dreg:$0x0] =	wrdreg $0x0  }
0xa8: {  	s4 =	sshll.u32 s28, $0x1;
	[dreg:$0x2] =	wrdreg s2  }
0xa9: {  	[dreg:$0x3] =	wrdreg s4  }
0xaa: {  	[dreg:$0x4] =	wrdreg $0xC0  }
0xab: {  	_ =	task [dreg:s6], $0x5FFFF  }
0xac: {  	[dreg:$0x1] =	wrdreg $0xFFFFFFFF  }
0xad: {  	[dreg:$0x0] =	wrdreg $0x60  }
0xae: {  	[dreg:$0x2] =	wrdreg s24  }
0xaf: {  	[dreg:$0x3] =	wrdreg $0x141000  }
0xb0: {  	[dreg:$0x4] =	wrdreg $0x9  }
0xb1: {  	_ =	task.clear_ibuf [dreg:s6], $0x5FFFF;
	_ =	strace $0x9000004C  }
0xb2: {  	s29 =	simm.s32 $0x9;
	_ =	strace $0x8000004E  }
0xb3: {  	_ =	swait.ge [sflag:s29], $0x1  }
0xb4: {  	[sflag:s29] =	ssyncadd.s32 $0xFFFFFFFF  }
0xb5: {  	_ =	strace $0x9000004E  }
0xb6: {  	_ =	sfence  }
0xb7: {  	s30 =	sld [smem:$0x0];
	_ =	sdelay $0x2  }
0xb8: {  	s31 =	sshll.u32 s1, $0xD;
	s1 =	sshrl.u32 s1, $0x2  }
0xb9: {  	s3 =	sand.u32 $0x4000, s31;
	s1 =	sadd.s32 s1, s30  }
0xba: {  	s0 =	sor.u32 s3, s0;
	s1 =	sshll.u32 s1, $0x11  }
0xbb: {  	s0 =	sor.u32 s1, s0  }
0xbc: {  	s0 =	sadd.s32 $0x8F2B, s0  }
0xbd: {  	[sflag:s0] =	ssyncadd.remote.s32 $0x1  }
0xbe: {  	_ =	sfence.sel $0xFFFF  }
0xbf: {  	[dreg:$0x0] =	wrdreg $0xFFFFFFFF;
	(pc) =	sbr.abs _section_cstart, $3  }
0xc0: {  	[dreg:$0x1] =	wrdreg $0xFFFFFFFF  }
0xc1: {  	_ =	task.clear_ibuf [dreg:s6], $0x2FFFF;
	_ =	strace $0x9FFFFFFF  }
0xc2: {  	(tm) =	ssettm $0x7FFFFFFF  }
0xc3: {  	_ =	shalt  }
tec
execute0_lowered:
.L_overlay_start_1:
0x0: {  	(tag) =	ssettag $0x1  }
0x1: {  	s0 =	rddreg [dreg:$0x0]  }
0x2: {  	s2 =	rddreg [dreg:$0x1]  }
0x3: {  	s9 =	stileid.u32;
	s1 =	srdreg.scid;
	s3 =	simm.s32 $0x0  }
0x4: {  	s13 =	simm.s32 $0x80;
	s19 =	simm.s32 $0x300;
	s20 =	simm.s32 $0x380  }
0x5: {  	s21 =	simm.s32 $0x1;
	s28 =	simm.s32 $0x4;
	s30 =	simm.s32 $0x5  }
0x6: {  	s29 =	simm.s32 $0x6;
	s11 =	simm.s32 $0xE;
	s16 =	simm.s32 $0x0  }
0x7: {  	s12 =	simm.s32 $0xE;
	s4 =	smul.u32 $0xA00, s9;
	s1 =	sand.u32 $0x1, s1  }
0x8: {  	[smem:$0x7FF] =	sst s3;
	s6 =	smul.u32 $0x9C00, s9;
	s18 =	sadd.s32 $0x9C000, s2  }
0x9: {  	p0 =	sne.s32 s9, $0xF;
	s9 =	simm.s32 $0xA;
	s5 =	smul.u32 $0x13880, s1  }
0xa: {  	_ =	strace $0x8000004D;
	s7 =	ssub.s32 $0x2, s1;
	s1 =	smul.u32 $0x9C400, s1  }
0xb: {  	[dreg:$0x6] =	wrdreg s18;
	s4 =	sadd.s32 s4, s0;
	s8 =	sshrl.u32 s7, $0x1  }
0xc: {  	s17 =	sadd.s32 s6, s2;
	s5 =	sadd.s32 s5, s0;
	s0 =	sadd.s32 $0x3D600, s0  }
0xd: {  	s7 =	ssub.s32 s7, s8;
	s23 =	sadd.s32 s6, s1;
	s1 =	sshrl.u32 s1, $0x3  }
0xe: {  	s25 =	sadd.s32 $0x29600, s4;
	s26 =	sadd.s32 $0x33600, s4;
	s4 =	simm.s32 $0xB  }
0xf: {  	s8 =	simm.s32 $0xD;
	[dreg:$0x5] =	wrdreg s17;
	s6 =	sadd.s32 $0x2400, s5  }
0x10: {  	s24 =	sshrl.u32 s23, $0x3;
	[dreg:$0x3] =	wrdreg s25;
	s31 =	smax.u32 s7, $0x1  }
0x11: {  	[dreg:$0x4] =	wrdreg s26;
	s23 =	simm.s32 $0x2;
	s25 =	simm.s32 $0x3  }
0x12: {  	s5 =	sadd.s32 s0, s24;
	s0 =	sadd.s32 s0, s1;
	[dreg:$0x9] =	wrdreg s31  }
0x13: {  	s1 =	smov.u32 s2;
	[dreg:$0x7] =	wrdreg s5;
	s0 =	sadd.s32 $0x13800, s0  }
0x14: {  	v0 =	vimm.f32 $0.0e+00;
	s2 =	simm.s32 $0xF;
	s5 =	simm.s32 $0xC;
	[dreg:$0x8] =	wrdreg s0  }
.LBB2_1:
0x15: {  	[dreg:$0xa] =	wrdreg s16;
	s15 =	simm.s32 $0x100;
	s14 =	simm.s32 $0x0  }
.LBB2_2:
0x16: {  	p1 =	sne.s32 s15, $0x26F00;
	[tilespmem:s14+$0xA530] =	vst v0;
	s16 =	smov.u32 s15;
	s15 =	sadd.s32 $0x100, s15  }
.Ltmp0:
0x17: {  	[tilespmem:s14+$0xA520] =	vst v0;
	(pc) =	sbr.rel @p1 .LBB2_2-.Ltmp0, $3  }
0x18: {  	[tilespmem:s14+$0xA500] =	vst v0  }
0x19: {  	[tilespmem:s14+$0xA510] =	vst v0;
	_ =	sdelay $0x1  }
0x1a: {  	s14 =	sshra.s32 s16, $0x2  }
0x1b: {  	[tilespmem:s14+$0xA530] =	vst v0  }
0x1c: {  	[tilespmem:s14+$0xA520] =	vst v0  }
0x1d: {  	[tilespmem:s14+$0xA500] =	vst v0  }
0x1e: {  	[tilespmem:s14+$0xA510] =	vst v0;
	s16 =	simm.s32 $0xA500  }
0x1f: {  	[spmem:s17] =	stream.linear.scatter [tilespmem:s16], [sflag:$0x10], $0x9C00, $0x38;
	[tilespmem:$0x1DD40] =	vst v63  }
0x20: {  	s17 =	simm.s32 $0x10  }
0x21: {  	_ =	swait.ge [sflag:s17], $0x9C00  }
0x22: {  	[sflag:s17] =	ssyncset.done $0x0  }
0x23: {  	s14 =	simm.s32 @!p0 $0xA500;
	[sflag:s17] =	ssyncadd.s32 $0xFFFF6400  }
0x24: {  	[spmem:s18] =	stream.linear.scatter @!p0 [tilespmem:s14], [sflag:$0x10], $0x400, $0x38;
	[tilespmem:$0x1DD40] =	vst v63  }
0x25: {  	s14 =	simm.s32 @!p0 $0x10  }
0x26: {  	_ =	swait.ge @!p0 [sflag:s14], $0x400  }
0x27: {  	[sflag:s14] =	ssyncset.done @!p0 $0x0  }
0x28: {  	[sflag:s14] =	ssyncadd.s32 @!p0 $0xFFFFFC00  }
0x29: {  	[bflag:$0x0] =	sbarrier.arrive $0xFFFF  }
0x2a: {  	s18 =	rddreg [dreg:$0x4]  }
0x2b: {  	s15 =	rddreg [dreg:$0x3];
	s14 =	sadd.s32 $0x0, s18  }
0x2c: {  	[tilespmem:s3], [sflag:$0x1] =	stream.linear.gather [hbm4b:s14+s3], $0x80, $0x38;
	[tilespmem:$0x1DD40] =	vst v63  }
0x2d: {  	s17 =	simm.s32 $0x280;
	s15 =	sadd.s32 $0x0, s15  }
0x2e: {  	[tilespmem:s17], [sflag:$0x1] =	stream.linear.gather [hbm4b:s15+s3], $0x80, $0x38;
	[tilespmem:$0x1DD40] =	vst v63  }
0x2f: {  	s16 =	sadd.s32 $0x10, s14  }
0x30: {  	[tilespmem:s13], [sflag:$0x2] =	stream.linear.gather [hbm4b:s16+s3], $0x80, $0x38;
	[tilespmem:$0x1DD40] =	vst v63  }
0x31: {  	s22 =	sadd.s32 $0x10, s15  }
0x32: {  	[tilespmem:s19], [sflag:$0x2] =	stream.linear.gather [hbm4b:s22+s3], $0x80, $0x38;
	[tilespmem:$0x1DD40] =	vst v63  }
0x33: {  	s18 =	simm.s32 $0x100;
	s24 =	sadd.s32 $0x20, s14  }
0x34: {  	[tilespmem:s18], [sflag:$0x3] =	stream.linear.gather [hbm4b:s24+s3], $0x80, $0x38;
	[tilespmem:$0x1DD40] =	vst v63  }
0x35: {  	s26 =	sadd.s32 $0x20, s15  }
0x36: {  	[tilespmem:s20], [sflag:$0x3] =	stream.linear.gather [hbm4b:s26+s3], $0x80, $0x38;
	[tilespmem:$0x1DD40] =	vst v63  }
0x37: {  	s31 =	sadd.s32 $0x30, s14;
	s22 =	simm.s32 $0x180  }
0x38: {  	[tilespmem:s22], [sflag:$0x4] =	stream.linear.gather [hbm4b:s31+s3], $0x80, $0x38;
	[tilespmem:$0x1DD40] =	vst v63  }
0x39: {  	s0 =	sadd.s32 $0x30, s15;
	s31 =	simm.s32 $0x400  }
0x3a: {  	[tilespmem:s31], [sflag:$0x4] =	stream.linear.gather [hbm4b:s0+s3], $0x80, $0x38;
	[tilespmem:$0x1DD40] =	vst v63  }
0x3b: {  	s14 =	sadd.s32 $0x40, s14;
	s16 =	simm.s32 $0x200  }
0x3c: {  	[tilespmem:s16], [sflag:$0x5] =	stream.linear.gather [hbm4b:s14+s3], $0x80, $0x38;
	[tilespmem:$0x1DD40] =	vst v63  }
0x3d: {  	s7 =	sadd.s32 $0x40, s15;
	s15 =	simm.s32 $0x480  }
0x3e: {  	[tilespmem:s15], [sflag:$0x5] =	stream.linear.gather [hbm4b:s7+s3], $0x80, $0x38;
	[tilespmem:$0x1DD40] =	vst v63  }
0x3f: {  	_ =	swait.ge [sflag:s21], $0x80  }
0x40: {  	[sflag:s21] =	ssyncset.done $0x0  }
0x41: {  	[sflag:s21] =	ssyncadd.s32 $0xFFFFFF80  }
0x42: {  	_ =	swait.ge [sflag:s21], $0x80  }
0x43: {  	[sflag:s21] =	ssyncset.done $0x0  }
0x44: {  	s10 =	simm.s32 $0x500;
	[sflag:s21] =	ssyncadd.s32 $0xFFFFFF80  }
0x45: {  	[tilespmem:s10], [sflag:$0x6] =	stream.indirect.gather [hbm4b:s6+s13], $0x40, s3, s13, $0xb8;
	[tilespmem:$0x1DD40] =	vst v63  }
0x46: {  	_ =	swait.ge [sflag:s23], $0x80  }
0x47: {  	[sflag:s23] =	ssyncset.done $0x0  }
0x48: {  	[sflag:s23] =	ssyncadd.s32 $0xFFFFFF80  }
0x49: {  	_ =	swait.ge [sflag:s23], $0x80  }
0x4a: {  	[sflag:s23] =	ssyncset.done $0x0  }
0x4b: {  	s24 =	simm.s32 $0x2500;
	[sflag:s23] =	ssyncadd.s32 $0xFFFFFF80  }
0x4c: {  	[tilespmem:s24], [sflag:$0x7] =	stream.indirect.gather [hbm4b:s6+s13], $0x40, s13, s13, $0xb8;
	[tilespmem:$0x1DD40] =	vst v63  }
0x4d: {  	_ =	swait.ge [sflag:s25], $0x80  }
0x4e: {  	[sflag:s25] =	ssyncset.done $0x0  }
0x4f: {  	[sflag:s25] =	ssyncadd.s32 $0xFFFFFF80  }
0x50: {  	_ =	swait.ge [sflag:s25], $0x80  }
0x51: {  	[sflag:s25] =	ssyncset.done $0x0  }
0x52: {  	s26 =	simm.s32 $0x4500;
	[sflag:s25] =	ssyncadd.s32 $0xFFFFFF80  }
0x53: {  	[tilespmem:s26], [sflag:$0x8] =	stream.indirect.gather [hbm4b:s6+s13], $0x40, s18, s13, $0xb8;
	[tilespmem:$0x1DD40] =	vst v63  }
0x54: {  	_ =	swait.ge [sflag:s28], $0x80  }
0x55: {  	[sflag:s28] =	ssyncset.done $0x0  }
0x56: {  	[sflag:s28] =	ssyncadd.s32 $0xFFFFFF80  }
0x57: {  	_ =	swait.ge [sflag:s28], $0x80  }
0x58: {  	[sflag:s28] =	ssyncset.done $0x0  }
0x59: {  	s0 =	simm.s32 $0x6500;
	[sflag:s28] =	ssyncadd.s32 $0xFFFFFF80  }
0x5a: {  	[tilespmem:s0], [sflag:$0x9] =	stream.indirect.gather [hbm4b:s6+s13], $0x40, s22, s13, $0xb8;
	[tilespmem:$0x1DD40] =	vst v63  }
0x5b: {  	_ =	swait.ge [sflag:s30], $0x80  }
0x5c: {  	[sflag:s30] =	ssyncset.done $0x0  }
0x5d: {  	[sflag:s30] =	ssyncadd.s32 $0xFFFFFF80  }
0x5e: {  	_ =	swait.ge [sflag:s30], $0x80  }
0x5f: {  	[sflag:s30] =	ssyncset.done $0x0  }
0x60: {  	s22 =	simm.s32 $0x8500;
	[sflag:s30] =	ssyncadd.s32 $0xFFFFFF80  }
0x61: {  	[tilespmem:s22], [sflag:$0xA] =	stream.indirect.gather [hbm4b:s6+s13], $0x40, s16, s13, $0xb8;
	[tilespmem:$0x1DD40] =	vst v63  }
0x62: {  	_ =	swait.ge [sflag:s29], $0x2000  }
0x63: {  	[sflag:s29] =	ssyncset.done $0x0  }
0x64: {  	s7 =	simm.s32 $0x7;
	[sflag:s29] =	ssyncadd.s32 $0xFFFFE000  }
0x65: {  	[spmem:s1] =	stream.indirect.scatter.add.f32 [tilespmem:s10], [sflag:$0xB], $0x40, s17, s13, $0xb8;
	[tilespmem:$0x1DD40] =	vst v63  }
0x66: {  	_ =	swait.ge [sflag:s7], $0x2000  }
0x67: {  	[sflag:s7] =	ssyncset.done $0x0  }
0x68: {  	[sflag:s7] =	ssyncadd.s32 $0xFFFFE000;
	s7 =	simm.s32 $0x8  }
0x69: {  	[spmem:s1] =	stream.indirect.scatter.add.f32 [tilespmem:s24], [sflag:$0xC], $0x40, s19, s13, $0xb8;
	[tilespmem:$0x1DD40] =	vst v63  }
0x6a: {  	_ =	swait.ge [sflag:s7], $0x2000  }
0x6b: {  	[sflag:s7] =	ssyncset.done $0x0  }
0x6c: {  	s10 =	simm.s32 $0x9;
	[sflag:s7] =	ssyncadd.s32 $0xFFFFE000  }
0x6d: {  	[spmem:s1] =	stream.indirect.scatter.add.f32 [tilespmem:s26], [sflag:$0xD], $0x40, s20, s13, $0xb8;
	[tilespmem:$0x1DD40] =	vst v63  }
0x6e: {  	_ =	swait.ge [sflag:s10], $0x2000  }
0x6f: {  	[sflag:s10] =	ssyncset.done $0x0  }
0x70: {  	[sflag:s10] =	ssyncadd.s32 $0xFFFFE000  }
0x71: {  	[spmem:s1] =	stream.indirect.scatter.add.f32 [tilespmem:s0], [sflag:$0xE], $0x40, s31, s13, $0xb8;
	[tilespmem:$0x1DD40] =	vst v63  }
0x72: {  	_ =	swait.ge [sflag:s9], $0x2000  }
0x73: {  	[sflag:s9] =	ssyncset.done $0x0  }
0x74: {  	[sflag:s9] =	ssyncadd.s32 $0xFFFFE000  }
0x75: {  	[spmem:s1] =	stream.indirect.scatter.add.f32 [tilespmem:s22], [sflag:$0xF], $0x40, s15, s13, $0xb8;
	[tilespmem:$0x1DD40] =	vst v63  }
0x76: {  	_ =	swait.ge [sflag:s4], $0x2000  }
0x77: {  	[sflag:s4] =	ssyncset.done $0x0  }
0x78: {  	[sflag:s4] =	ssyncadd.s32 $0xFFFFE000  }
0x79: {  	_ =	swait.ge [sflag:s5], $0x2000  }
0x7a: {  	[sflag:s5] =	ssyncset.done $0x0  }
0x7b: {  	[sflag:s5] =	ssyncadd.s32 $0xFFFFE000  }
0x7c: {  	_ =	swait.ge [sflag:s8], $0x2000  }
0x7d: {  	[sflag:s8] =	ssyncset.done $0x0  }
0x7e: {  	[sflag:s8] =	ssyncadd.s32 $0xFFFFE000  }
0x7f: {  	_ =	swait.ge [sflag:s11], $0x2000  }
0x80: {  	s14 =	simm.s32 $0x50;
	[sflag:s11] =	ssyncset.done $0x0  }
0x81: {  	s15 =	simm.s32 $0xA0;
	s4 =	simm.s32 $0xB;
	[sflag:s11] =	ssyncadd.s32 $0xFFFFE000  }
0x82: {  	s5 =	simm.s32 $0xC;
	s11 =	simm.s32 $0xD;
	_ =	swait.ge [sflag:s2], $0x2000  }
0x83: {  	s16 =	rddreg [dreg:$0x4];
	[sflag:s2] =	ssyncset.done $0x0;
	s2 =	simm.s32 $0xF  }
.LBB2_4:
0x84: {  	[sflag:s2] =	ssyncadd.s32 $0xFFFFE000;
	s18 =	rddreg [dreg:$0x3];
	s16 =	sadd.s32 s14, s16  }
0x85: {  	[tilespmem:s3], [sflag:$0x1] =	stream.linear.gather [hbm4b:s16+s3], $0x80, $0x38;
	[tilespmem:$0x1DD40] =	vst v63  }
0x86: {  	s19 =	simm.s32 $0x280;
	s18 =	sadd.s32 s14, s18  }
0x87: {  	[tilespmem:s19], [sflag:$0x1] =	stream.linear.gather [hbm4b:s18+s3], $0x80, $0x38;
	[tilespmem:$0x1DD40] =	vst v63  }
0x88: {  	s24 =	sadd.s32 $0x10, s16  }
0x89: {  	[tilespmem:s13], [sflag:$0x2] =	stream.linear.gather [hbm4b:s24+s3], $0x80, $0x38;
	[tilespmem:$0x1DD40] =	vst v63  }
0x8a: {  	s26 =	sadd.s32 $0x10, s18;
	s19 =	simm.s32 $0x300  }
0x8b: {  	[tilespmem:s19], [sflag:$0x2] =	stream.linear.gather [hbm4b:s26+s3], $0x80, $0x38;
	[tilespmem:$0x1DD40] =	vst v63  }
0x8c: {  	s20 =	simm.s32 $0x100;
	s31 =	sadd.s32 $0x20, s16  }
0x8d: {  	[tilespmem:s20], [sflag:$0x3] =	stream.linear.gather [hbm4b:s31+s3], $0x80, $0x38;
	[tilespmem:$0x1DD40] =	vst v63  }
0x8e: {  	s0 =	sadd.s32 $0x20, s18;
	s20 =	simm.s32 $0x380  }
0x8f: {  	[tilespmem:s20], [sflag:$0x3] =	stream.linear.gather [hbm4b:s0+s3], $0x80, $0x38;
	[tilespmem:$0x1DD40] =	vst v63  }
0x90: {  	s8 =	sadd.s32 $0x30, s16;
	s26 =	simm.s32 $0x180  }
0x91: {  	[tilespmem:s26], [sflag:$0x4] =	stream.linear.gather [hbm4b:s8+s3], $0x80, $0x38;
	[tilespmem:$0x1DD40] =	vst v63  }
0x92: {  	s10 =	sadd.s32 $0x30, s18;
	s31 =	simm.s32 $0x400  }
0x93: {  	[tilespmem:s31], [sflag:$0x4] =	stream.linear.gather [hbm4b:s10+s3], $0x80, $0x38;
	[tilespmem:$0x1DD40] =	vst v63  }
0x94: {  	s29 =	simm.s32 $0x200;
	s16 =	sadd.s32 $0x40, s16  }
0x95: {  	[tilespmem:s29], [sflag:$0x5] =	stream.linear.gather [hbm4b:s16+s3], $0x80, $0x38;
	[tilespmem:$0x1DD40] =	vst v63  }
0x96: {  	s22 =	sadd.s32 $0x40, s18;
	s24 =	simm.s32 $0x480  }
0x97: {  	[tilespmem:s24], [sflag:$0x5] =	stream.linear.gather [hbm4b:s22+s3], $0x80, $0x38;
	[tilespmem:$0x1DD40] =	vst v63  }
0x98: {  	_ =	swait.ge [sflag:s21], $0x80  }
0x99: {  	[sflag:s21] =	ssyncset.done $0x0  }
0x9a: {  	[sflag:s21] =	ssyncadd.s32 $0xFFFFFF80  }
0x9b: {  	_ =	swait.ge [sflag:s21], $0x80  }
0x9c: {  	[sflag:s21] =	ssyncset.done $0x0  }
0x9d: {  	s16 =	simm.s32 $0x500;
	[sflag:s21] =	ssyncadd.s32 $0xFFFFFF80  }
0x9e: {  	[tilespmem:s16], [sflag:$0x6] =	stream.indirect.gather [hbm4b:s6+s13], $0x40, s3, s13, $0xb8;
	[tilespmem:$0x1DD40] =	vst v63  }
0x9f: {  	_ =	swait.ge [sflag:s23], $0x80  }
0xa0: {  	[sflag:s23] =	ssyncset.done $0x0  }
0xa1: {  	[sflag:s23] =	ssyncadd.s32 $0xFFFFFF80  }
0xa2: {  	_ =	swait.ge [sflag:s23], $0x80  }
0xa3: {  	[sflag:s23] =	ssyncset.done $0x0  }
0xa4: {  	s22 =	simm.s32 $0x2500;
	[sflag:s23] =	ssyncadd.s32 $0xFFFFFF80  }
0xa5: {  	[tilespmem:s22], [sflag:$0x7] =	stream.indirect.gather [hbm4b:s6+s13], $0x40, s13, s13, $0xb8;
	[tilespmem:$0x1DD40] =	vst v63  }
0xa6: {  	_ =	swait.ge [sflag:s25], $0x80  }
0xa7: {  	[sflag:s25] =	ssyncset.done $0x0  }
0xa8: {  	[sflag:s25] =	ssyncadd.s32 $0xFFFFFF80  }
0xa9: {  	_ =	swait.ge [sflag:s25], $0x80  }
0xaa: {  	[sflag:s25] =	ssyncset.done $0x0  }
0xab: {  	s18 =	simm.s32 $0x100;
	s0 =	simm.s32 $0x4500;
	[sflag:s25] =	ssyncadd.s32 $0xFFFFFF80  }
0xac: {  	[tilespmem:s0], [sflag:$0x8] =	stream.indirect.gather [hbm4b:s6+s13], $0x40, s18, s13, $0xb8;
	[tilespmem:$0x1DD40] =	vst v63  }
0xad: {  	_ =	swait.ge [sflag:s28], $0x80  }
0xae: {  	[sflag:s28] =	ssyncset.done $0x0  }
0xaf: {  	[sflag:s28] =	ssyncadd.s32 $0xFFFFFF80  }
0xb0: {  	_ =	swait.ge [sflag:s28], $0x80  }
0xb1: {  	[sflag:s28] =	ssyncset.done $0x0  }
0xb2: {  	s10 =	simm.s32 $0x6500;
	[sflag:s28] =	ssyncadd.s32 $0xFFFFFF80  }
0xb3: {  	[tilespmem:s10], [sflag:$0x9] =	stream.indirect.gather [hbm4b:s6+s13], $0x40, s26, s13, $0xb8;
	[tilespmem:$0x1DD40] =	vst v63  }
0xb4: {  	_ =	swait.ge [sflag:s30], $0x80  }
0xb5: {  	[sflag:s30] =	ssyncset.done $0x0  }
0xb6: {  	[sflag:s30] =	ssyncadd.s32 $0xFFFFFF80  }
0xb7: {  	_ =	swait.ge [sflag:s30], $0x80  }
0xb8: {  	[sflag:s30] =	ssyncset.done $0x0  }
0xb9: {  	s8 =	simm.s32 $0x8500;
	[sflag:s30] =	ssyncadd.s32 $0xFFFFFF80  }
0xba: {  	[tilespmem:s8], [sflag:$0xA] =	stream.indirect.gather [hbm4b:s6+s13], $0x40, s29, s13, $0xb8;
	[tilespmem:$0x1DD40] =	vst v63  }
0xbb: {  	s29 =	simm.s32 $0x6  }
0xbc: {  	_ =	swait.ge [sflag:s29], $0x2000  }
0xbd: {  	s17 =	smov.u32 s15;
	[sflag:s29] =	ssyncset.done $0x0  }
0xbe: {  	s14 =	smov.u32 s17;
	s17 =	simm.s32 $0x280;
	[sflag:s29] =	ssyncadd.s32 $0xFFFFE000  }
0xbf: {  	[spmem:s1] =	stream.indirect.scatter.add.f32 [tilespmem:s16], [sflag:$0xB], $0x40, s17, s13, $0xb8;
	[tilespmem:$0x1DD40] =	vst v63  }
0xc0: {  	s16 =	simm.s32 $0x7  }
0xc1: {  	_ =	swait.ge [sflag:s16], $0x2000  }
0xc2: {  	[sflag:s16] =	ssyncset.done $0x0  }
0xc3: {  	[sflag:s16] =	ssyncadd.s32 $0xFFFFE000  }
0xc4: {  	[spmem:s1] =	stream.indirect.scatter.add.f32 [tilespmem:s22], [sflag:$0xC], $0x40, s19, s13, $0xb8;
	[tilespmem:$0x1DD40] =	vst v63  }
0xc5: {  	_ =	swait.ge [sflag:s7], $0x2000  }
0xc6: {  	[sflag:s7] =	ssyncset.done $0x0  }
0xc7: {  	s26 =	simm.s32 $0x9;
	[sflag:s7] =	ssyncadd.s32 $0xFFFFE000  }
0xc8: {  	[spmem:s1] =	stream.indirect.scatter.add.f32 [tilespmem:s0], [sflag:$0xD], $0x40, s20, s13, $0xb8;
	[tilespmem:$0x1DD40] =	vst v63  }
0xc9: {  	_ =	swait.ge [sflag:s26], $0x2000  }
0xca: {  	[sflag:s26] =	ssyncset.done $0x0  }
0xcb: {  	[sflag:s26] =	ssyncadd.s32 $0xFFFFE000  }
0xcc: {  	[spmem:s1] =	stream.indirect.scatter.add.f32 [tilespmem:s10], [sflag:$0xE], $0x40, s31, s13, $0xb8;
	[tilespmem:$0x1DD40] =	vst v63  }
0xcd: {  	_ =	swait.ge [sflag:s9], $0x2000  }
0xce: {  	[sflag:s9] =	ssyncset.done $0x0  }
0xcf: {  	[sflag:s9] =	ssyncadd.s32 $0xFFFFE000  }
0xd0: {  	[spmem:s1] =	stream.indirect.scatter.add.f32 [tilespmem:s8], [sflag:$0xF], $0x40, s24, s13, $0xb8;
	[tilespmem:$0x1DD40] =	vst v63  }
0xd1: {  	_ =	swait.ge [sflag:s4], $0x2000  }
0xd2: {  	[sflag:s4] =	ssyncset.done $0x0  }
0xd3: {  	[sflag:s4] =	ssyncadd.s32 $0xFFFFE000  }
0xd4: {  	_ =	swait.ge [sflag:s5], $0x2000  }
0xd5: {  	[sflag:s5] =	ssyncset.done $0x0  }
0xd6: {  	[sflag:s5] =	ssyncadd.s32 $0xFFFFE000  }
0xd7: {  	_ =	swait.ge [sflag:s11], $0x2000  }
0xd8: {  	[sflag:s11] =	ssyncset.done $0x0  }
0xd9: {  	p1 =	sne.s32 s15, $0x9B0;
	[sflag:s11] =	ssyncadd.s32 $0xFFFFE000  }
.Ltmp1:
0xda: {  	_ =	swait.ge [sflag:s12], $0x2000;
	(pc) =	sbr.rel @p1 .LBB2_4-.Ltmp1, $4  }
0xdb: {  	[sflag:s12] =	ssyncset.done $0x0  }
0xdc: {  	[sflag:s12] =	ssyncadd.s32 $0xFFFFE000  }
0xdd: {  	_ =	swait.ge [sflag:s2], $0x2000  }
0xde: {  	s15 =	sadd.s32 $0x50, s15;
	s16 =	rddreg [dreg:$0x4];
	[sflag:s2] =	ssyncset.done $0x0  }
0xdf: {  	s15 =	rddreg [dreg:$0x3];
	[sflag:s2] =	ssyncadd.s32 $0xFFFFE000;
	s16 =	sadd.s32 s14, s16  }
0xe0: {  	[tilespmem:s3], [sflag:$0x1] =	stream.linear.gather [hbm4b:s16+s3], $0x80, $0x38;
	[tilespmem:$0x1DD40] =	vst v63  }
0xe1: {  	s14 =	sadd.s32 s14, s15  }
0xe2: {  	[tilespmem:s17], [sflag:$0x1] =	stream.linear.gather [hbm4b:s14+s3], $0x80, $0x38;
	[tilespmem:$0x1DD40] =	vst v63  }
0xe3: {  	s10 =	sadd.s32 $0x10, s16  }
0xe4: {  	[tilespmem:s13], [sflag:$0x2] =	stream.linear.gather [hbm4b:s10+s3], $0x80, $0x38;
	[tilespmem:$0x1DD40] =	vst v63  }
0xe5: {  	s22 =	sadd.s32 $0x10, s14  }
0xe6: {  	[tilespmem:s19], [sflag:$0x2] =	stream.linear.gather [hbm4b:s22+s3], $0x80, $0x38;
	[tilespmem:$0x1DD40] =	vst v63  }
0xe7: {  	s24 =	sadd.s32 $0x20, s16  }
0xe8: {  	[tilespmem:s18], [sflag:$0x3] =	stream.linear.gather [hbm4b:s24+s3], $0x80, $0x38;
	[tilespmem:$0x1DD40] =	vst v63  }
0xe9: {  	s31 =	sadd.s32 $0x20, s14  }
0xea: {  	[tilespmem:s20], [sflag:$0x3] =	stream.linear.gather [hbm4b:s31+s3], $0x80, $0x38;
	[tilespmem:$0x1DD40] =	vst v63  }
0xeb: {  	s0 =	sadd.s32 $0x30, s16;
	s24 =	simm.s32 $0x180  }
0xec: {  	[tilespmem:s24], [sflag:$0x4] =	stream.linear.gather [hbm4b:s0+s3], $0x80, $0x38;
	[tilespmem:$0x1DD40] =	vst v63  }
0xed: {  	s8 =	sadd.s32 $0x30, s14;
	s31 =	simm.s32 $0x400  }
0xee: {  	[tilespmem:s31], [sflag:$0x4] =	stream.linear.gather [hbm4b:s8+s3], $0x80, $0x38;
	[tilespmem:$0x1DD40] =	vst v63  }
0xef: {  	s10 =	sadd.s32 $0x40, s16;
	s16 =	simm.s32 $0x200  }
0xf0: {  	[tilespmem:s16], [sflag:$0x5] =	stream.linear.gather [hbm4b:s10+s3], $0x80, $0x38;
	[tilespmem:$0x1DD40] =	vst v63  }
0xf1: {  	s15 =	simm.s32 $0x480;
	s14 =	sadd.s32 $0x40, s14  }
0xf2: {  	[tilespmem:s15], [sflag:$0x5] =	stream.linear.gather [hbm4b:s14+s3], $0x80, $0x38;
	[tilespmem:$0x1DD40] =	vst v63  }
0xf3: {  	_ =	swait.ge [sflag:s21], $0x80  }
0xf4: {  	[sflag:s21] =	ssyncset.done $0x0  }
0xf5: {  	[sflag:s21] =	ssyncadd.s32 $0xFFFFFF80  }
0xf6: {  	_ =	swait.ge [sflag:s21], $0x80  }
0xf7: {  	[sflag:s21] =	ssyncset.done $0x0  }
0xf8: {  	s14 =	simm.s32 $0x500;
	[sflag:s21] =	ssyncadd.s32 $0xFFFFFF80  }
0xf9: {  	[tilespmem:s14], [sflag:$0x6] =	stream.indirect.gather [hbm4b:s6+s13], $0x40, s3, s13, $0xb8;
	[tilespmem:$0x1DD40] =	vst v63  }
0xfa: {  	_ =	swait.ge [sflag:s23], $0x80  }
0xfb: {  	[sflag:s23] =	ssyncset.done $0x0  }
0xfc: {  	[sflag:s23] =	ssyncadd.s32 $0xFFFFFF80  }
0xfd: {  	_ =	swait.ge [sflag:s23], $0x80  }
0xfe: {  	[sflag:s23] =	ssyncset.done $0x0  }
0xff: {  	s22 =	simm.s32 $0x2500;
	[sflag:s23] =	ssyncadd.s32 $0xFFFFFF80  }
0x100: {  	[tilespmem:s22], [sflag:$0x7] =	stream.indirect.gather [hbm4b:s6+s13], $0x40, s13, s13, $0xb8;
	[tilespmem:$0x1DD40] =	vst v63  }
0x101: {  	_ =	swait.ge [sflag:s25], $0x80  }
0x102: {  	[sflag:s25] =	ssyncset.done $0x0  }
0x103: {  	[sflag:s25] =	ssyncadd.s32 $0xFFFFFF80  }
0x104: {  	_ =	swait.ge [sflag:s25], $0x80  }
0x105: {  	[sflag:s25] =	ssyncset.done $0x0  }
0x106: {  	s0 =	simm.s32 $0x4500;
	[sflag:s25] =	ssyncadd.s32 $0xFFFFFF80  }
0x107: {  	[tilespmem:s0], [sflag:$0x8] =	stream.indirect.gather [hbm4b:s6+s13], $0x40, s18, s13, $0xb8;
	[tilespmem:$0x1DD40] =	vst v63  }
0x108: {  	_ =	swait.ge [sflag:s28], $0x80  }
0x109: {  	[sflag:s28] =	ssyncset.done $0x0  }
0x10a: {  	[sflag:s28] =	ssyncadd.s32 $0xFFFFFF80  }
0x10b: {  	_ =	swait.ge [sflag:s28], $0x80  }
0x10c: {  	[sflag:s28] =	ssyncset.done $0x0  }
0x10d: {  	s10 =	simm.s32 $0x6500;
	[sflag:s28] =	ssyncadd.s32 $0xFFFFFF80  }
0x10e: {  	[tilespmem:s10], [sflag:$0x9] =	stream.indirect.gather [hbm4b:s6+s13], $0x40, s24, s13, $0xb8;
	[tilespmem:$0x1DD40] =	vst v63  }
0x10f: {  	_ =	swait.ge [sflag:s30], $0x80  }
0x110: {  	[sflag:s30] =	ssyncset.done $0x0  }
0x111: {  	[sflag:s30] =	ssyncadd.s32 $0xFFFFFF80  }
0x112: {  	_ =	swait.ge [sflag:s30], $0x80  }
0x113: {  	[sflag:s30] =	ssyncset.done $0x0  }
0x114: {  	s8 =	simm.s32 $0x8500;
	[sflag:s30] =	ssyncadd.s32 $0xFFFFFF80  }
0x115: {  	[tilespmem:s8], [sflag:$0xA] =	stream.indirect.gather [hbm4b:s6+s13], $0x40, s16, s13, $0xb8;
	[tilespmem:$0x1DD40] =	vst v63  }
0x116: {  	_ =	swait.ge [sflag:s29], $0x2000  }
0x117: {  	[sflag:s29] =	ssyncset.done $0x0  }
0x118: {  	s16 =	simm.s32 $0x7;
	[sflag:s29] =	ssyncadd.s32 $0xFFFFE000  }
0x119: {  	[spmem:s1] =	stream.indirect.scatter.add.f32 [tilespmem:s14], [sflag:$0xB], $0x40, s17, s13, $0xb8;
	[tilespmem:$0x1DD40] =	vst v63  }
0x11a: {  	_ =	swait.ge [sflag:s16], $0x2000  }
0x11b: {  	[sflag:s16] =	ssyncset.done $0x0  }
0x11c: {  	[sflag:s16] =	ssyncadd.s32 $0xFFFFE000  }
0x11d: {  	[spmem:s1] =	stream.indirect.scatter.add.f32 [tilespmem:s22], [sflag:$0xC], $0x40, s19, s13, $0xb8;
	[tilespmem:$0x1DD40] =	vst v63  }
0x11e: {  	_ =	swait.ge [sflag:s7], $0x2000  }
0x11f: {  	[sflag:s7] =	ssyncset.done $0x0  }
0x120: {  	[sflag:s7] =	ssyncadd.s32 $0xFFFFE000  }
0x121: {  	[spmem:s1] =	stream.indirect.scatter.add.f32 [tilespmem:s0], [sflag:$0xD], $0x40, s20, s13, $0xb8;
	[tilespmem:$0x1DD40] =	vst v63  }
0x122: {  	_ =	swait.ge [sflag:s26], $0x2000  }
0x123: {  	[sflag:s26] =	ssyncset.done $0x0  }
0x124: {  	[sflag:s26] =	ssyncadd.s32 $0xFFFFE000  }
0x125: {  	[spmem:s1] =	stream.indirect.scatter.add.f32 [tilespmem:s10], [sflag:$0xE], $0x40, s31, s13, $0xb8;
	[tilespmem:$0x1DD40] =	vst v63  }
0x126: {  	_ =	swait.ge [sflag:s9], $0x2000  }
0x127: {  	[sflag:s9] =	ssyncset.done $0x0  }
0x128: {  	[sflag:s9] =	ssyncadd.s32 $0xFFFFE000  }
0x129: {  	[spmem:s1] =	stream.indirect.scatter.add.f32 [tilespmem:s8], [sflag:$0xF], $0x40, s15, s13, $0xb8;
	[tilespmem:$0x1DD40] =	vst v63  }
0x12a: {  	_ =	swait.ge [sflag:s4], $0x2000  }
0x12b: {  	[sflag:s4] =	ssyncset.done $0x0  }
0x12c: {  	[sflag:s4] =	ssyncadd.s32 $0xFFFFE000  }
0x12d: {  	_ =	swait.ge [sflag:s5], $0x2000  }
0x12e: {  	[sflag:s5] =	ssyncset.done $0x0  }
0x12f: {  	[sflag:s5] =	ssyncadd.s32 $0xFFFFE000  }
0x130: {  	_ =	swait.ge [sflag:s11], $0x2000  }
0x131: {  	[sflag:s11] =	ssyncset.done $0x0  }
0x132: {  	[sflag:s11] =	ssyncadd.s32 $0xFFFFE000  }
0x133: {  	_ =	swait.ge [sflag:s12], $0x2000  }
0x134: {  	[sflag:s12] =	ssyncset.done $0x0  }
0x135: {  	[sflag:s12] =	ssyncadd.s32 $0xFFFFE000  }
0x136: {  	_ =	swait.ge [sflag:s2], $0x2000  }
0x137: {  	[sflag:s2] =	ssyncset.done $0x0  }
0x138: {  	[sflag:s2] =	ssyncadd.s32 $0xFFFFE000  }
0x139: {  	s17 =	stileid.u32;
	[bflag:$0x0] =	sbarrier.arrive $0xFFFF  }
0x13a: {  	s24 =	simm.s32 $0x10;
	s14 =	sshll.u32 s17, $0x6;
	s17 =	rddreg [dreg:$0x5]  }
0x13b: {  	s14 =	sor.u32 $0x1C10, s14;
	s22 =	rddreg [dreg:$0x7];
	s18 =	sshrl.u32 s17, $0x3  }
0x13c: {  	[hbm:s22], [sflag:s14] =	dma.local [spmem:s18], $0x1380  }
0x13d: {  	_ =	swait.ge [sflag:s24], $0x1380  }
0x13e: {  	[sflag:s24] =	ssyncset.done $0x0;
	s18 =	rddreg [dreg:$0x6]  }
0x13f: {  	s16 =	rddreg [dreg:$0x8];
	[sflag:s24] =	ssyncadd.s32 $0xFFFFEC80;
	s15 =	sshrl.u32 @!p0 s18, $0x3  }
0x140: {  	[hbm:s16], [sflag:s14] =	dma.local @!p0 [spmem:s15], $0x80  }
0x141: {  	s14 =	simm.s32 @!p0 $0x10  }
0x142: {  	_ =	swait.ge @!p0 [sflag:s14], $0x80  }
0x143: {  	s26 =	rddreg [dreg:$0xa]  }
0x144: {  	s31 =	rddreg [dreg:$0x9];
	s16 =	sadd.s32 $0x1, s26  }
0x145: {  	p1 =	sne.s32 s16, s31  }
.Ltmp2:
0x146: {  	_ = 	snop;
	(pc) =	sbr.rel @p1 .LBB2_1-.Ltmp2, $4  }
0x147: {  	_ = 	snop  }
0x148: {  	s8 =	simm.s32 $0xD  }
0x149: {  	s4 =	simm.s32 $0xB;
	s5 =	simm.s32 $0xC;
	[sflag:s14] =	ssyncset.done @!p0 $0x0  }
0x14a: {  	s11 =	simm.s32 $0xE;
	s2 =	simm.s32 $0xF;
	[sflag:s14] =	ssyncadd.s32 @!p0 $0xFFFFFF80  }
0x14b: {  	_ =	sfence.sel $0x180000  }
0x14c: {  	[bflag:$0x0] =	sbarrier.arrive $0xFFFF  }
0x14d: {  	_ =	strace $0x9000004D  }
0x14e: {  	s0 =	stileid.u32;
	[bflag:$0x2] =	sbarrier.arrive $0xFFFF  }
0x14f: {  	p0 =	sne.s32 s0, $0x0;
	s0 =	rddreg [dreg:$0x2]  }
0x150: {  	s0 =	sadd.s32 @!p0 $0x100000, s0  }
0x151: {  	[sflag:s0] =	ssyncadd.tile.s32 @!p0 $0x1;
	_ =	shalt  }
.Lfunc_end2:
_tile_overlayer_lowered:
.L_overlay_start_2:
0x152: {  	(tag) =	ssettag $0x2  }
0x153: {  	s0 =	rddreg [dreg:$0x0];
	s2 =	stileid.u32  }
0x154: {  	s1 =	rddreg [dreg:$0x1];
	p0 =	sne.s32 s2, $0x0  }
0x155: {  	s3 =	rddreg [dreg:$0x2];
	[bflag:$0x3] =	sbarrier.arrive $0xFFFF;
	s2 =	simm.s32 @!p0 $0x1C10  }
0x156: {  	[timem:s3], [sflag:s2] =	dma.local @!p0 [hbm:s0], s1  }
0x157: {  	s0 =	simm.s32 @!p0 $0x10  }
0x158: {  	_ =	swait.ge @!p0 [sflag:s0], s1  }
0x159: {  	s1 =	ssub.s32 @!p0 $0x0, s1;
	[sflag:s0] =	ssyncset.done @!p0 $0x0  }
0x15a: {  	[sflag:s0] =	ssyncadd.s32 @!p0 s1  }
0x15b: {  	[bflag:$0x3] =	sbarrier.arrive $0xFFFF  }
0x15c: {  	_ =	shalt  }

// kernel: kernel.8.cloned.1.call-start
scs
__scs_entry_jumppad:
0x0: {  	(pc) =	sbr.rel $0x88, $3  }
0x1: {  	(tag) =	ssettag $0x0;
	lr =	simm.s32 $0x1  }
0x2: {  	[smem:$0x3F8F] =	sst lr;
	_ =	strace $0xD0000000  }
0x3: {  	_ = 	snop  }
0x4: {  	_ = 	snop  }
0x5: {  	_ = 	snop  }
0x6: {  	_ = 	snop  }
0x7: {  	_ = 	snop  }
__scs_overlays_trampoline_lowered:
0x8: {  	[smem:$0x3F9E] =	sst s0  }
0x9: {  	[smem:$0x3F9F] =	sst s1  }
0xa: {  	[smem:$0x3FA0] =	sst s2  }
0xb: {  	[smem:$0x3FA1] =	sst s3  }
0xc: {  	[smem:$0x3FA2] =	sst s4  }
0xd: {  	[smem:$0x3FA3] =	sst s5  }
0xe: {  	[smem:$0x3FA4] =	sst s6  }
0xf: {  	[smem:$0x3FA5] =	sst s7  }
0x10: {  	[smem:$0x3FA6] =	sst s8  }
0x11: {  	[smem:$0x3FA7] =	sst s9;
	s0 =	simm.s32 @!p0 $0x0  }
0x12: {  	s1 =	sld [smem:$0x3F8D];
	s0 =	simm.s32 @p0 $0x1  }
0x13: {  	[smem:$0x3FA8] =	sst s0;
	s0 =	simm.s32 @!p1 $0x0  }
0x14: {  	s2 =	sld [smem:$0x3F8C];
	s0 =	simm.s32 @p1 $0x1  }
0x15: {  	[smem:$0x3FA9] =	sst s0;
	s0 =	simm.s32 @!p2 $0x0  }
0x16: {  	s3 =	sld [smem:$0x3FDB];
	s0 =	simm.s32 @p2 $0x1  }
0x17: {  	s4 =	simm.s32 $0x1BF5;
	[smem:$0x3FAB] =	sst s0  }
0x18: {  	s0 =	sld [smem:$0x3F8E];
	_ =	swait.ge [sflag:s4], $0x0  }
0x19: {  	s7 =	sld [smem:$0x3F8F]  }
0x1a: {  	s8 =	sadd.s32 $0xFFFFE003, lr  }
0x1b: {  	s9 =	sadd.s32 $0xFFFFFEF7, lr;
	s5 =	simm.s32 $0xFFFFFFFF;
	p2 =	slt.u32 s8, $0xFFFFF086  }
0x1c: {  	p1 =	slt.u32 s9, $0xF7A;
	s5 =	simm.s32 @!p2 $0x0  }
0x1d: {  	s5 =	simm.s32 @p1 $0x1;
	p0 =	seq.s32 s7, s2  }
0x1e: {  	s7 =	smul.u32 @!p0 $0xF7A, s2;
	p2 =	seq.s32 @!p0 s5, $0x0  }
0x1f: {  	s9 =	smul.u32 $0xF7A, s1;
	s8 =	simm.s32 @!p0 $0x1BF5;
	p2 =	por !p2, p0  }
0x20: {  	[sflag:s8] =	ssyncset.s32 @!p0 $0xFFFFF086;
	s6 =	sadd.s32 @!p0 s3, s7;
	s7 =	simm.s32 @!p0 $0x108  }
0x21: {  	s3 =	sadd.s32 s3, s9;
	s6 =	sadd.s32 @!p0 $0x88, s6;
	s7 =	simm.s32 @p2 $0x1082  }
0x22: {  	[simem:s7], [sflag:s8] =	dma.local @!p0 [hbm:s6], $0xF7A  }
0x23: {  	s9 =	sor.u32 $0xD0000000, s2;
	s6 =	simm.s32 $0x108;
	_ =	swait.ge @!p0 [sflag:s8], $0x0  }
0x24: {  	s3 =	sadd.s32 $0x88, s3;
	s6 =	simm.s32 @!p1 $0x1082;
	[sflag:s4] =	ssyncset.s32 $0xFFFFF086  }
0x25: {  	[simem:s6], [sflag:s4] =	dma.local [hbm:s3], $0xF7A  }
0x26: {  	[smem:$0x3F8F] =	sst s1;
	(tag) =	ssettag s2;
	_ =	strace s9  }
0x27: {  	s1 =	sld [smem:$0x3F9F]  }
0x28: {  	s2 =	sld [smem:$0x3FA0]  }
0x29: {  	s4 =	sld [smem:$0x3FA2]  }
0x2a: {  	p0 =	seq.s32 s5, $0x0;
	s5 =	sld [smem:$0x3FA3]  }
0x2b: {  	s6 =	sld [smem:$0x3FA4]  }
0x2c: {  	s7 =	sld [smem:$0x3FA5]  }
0x2d: {  	s3 =	simm.s32 $0x108;
	s8 =	sld [smem:$0x3FA6]  }
0x2e: {  	s3 =	simm.s32 @!p0 $0x1082;
	s9 =	sld [smem:$0x3FA7]  }
0x2f: {  	lr =	sadd.s32 s0, s3;
	s0 =	sld [smem:$0x3F9E]  }
0x30: {  	s3 =	sld [smem:$0x3FA1]  }
0x31: {  	[smem:$0x3FAA] =	sst s10  }
0x32: {  	s10 =	sld [smem:$0x3FA8];
	_ =	sdelay $0x3  }
0x33: {  	p0 =	seq.s32 s10, $0x1;
	s10 =	sld [smem:$0x3FAA];
	_ =	sdelay $0x3  }
0x34: {  	[smem:$0x3FAA] =	sst s10  }
0x35: {  	s10 =	sld [smem:$0x3FA9];
	_ =	sdelay $0x3  }
0x36: {  	p1 =	seq.s32 s10, $0x1;
	s10 =	sld [smem:$0x3FAA];
	_ =	sdelay $0x3  }
0x37: {  	[smem:$0x3FAA] =	sst s10  }
0x38: {  	s10 =	sld [smem:$0x3FAB]  }
0x39: {  	_ = 	snop;
	(pc) =	sbr.ind lr, $3  }
0x3a: {  	_ = 	snop  }
0x3b: {  	_ = 	snop  }
0x3c: {  	p2 =	seq.s32 s10, $0x1;
	s10 =	sld [smem:$0x3FAA]  }
0x3d: {  	_ =	shalt  }
0x3e: {  	_ =	shalt  }
0x3f: {  	_ =	shalt  }
0x40: {  	_ =	shalt  }
0x41: {  	_ =	shalt  }
0x42: {  	_ =	shalt  }
0x43: {  	_ =	shalt  }
0x44: {  	_ =	shalt  }
0x45: {  	_ =	shalt  }
0x46: {  	_ =	shalt  }
0x47: {  	_ =	shalt  }
0x48: {  	_ =	shalt  }
0x49: {  	_ =	shalt  }
0x4a: {  	_ =	shalt  }
0x4b: {  	_ =	shalt  }
0x4c: {  	_ =	shalt  }
0x4d: {  	_ =	shalt  }
0x4e: {  	_ =	shalt  }
0x4f: {  	_ =	shalt  }
0x50: {  	_ =	shalt  }
0x51: {  	_ =	shalt  }
0x52: {  	_ =	shalt  }
0x53: {  	_ =	shalt  }
0x54: {  	_ =	shalt  }
0x55: {  	_ =	shalt  }
0x56: {  	_ =	shalt  }
0x57: {  	_ =	shalt  }
0x58: {  	_ =	shalt  }
0x59: {  	_ =	shalt  }
0x5a: {  	_ =	shalt  }
0x5b: {  	_ =	shalt  }
0x5c: {  	_ =	shalt  }
0x5d: {  	_ =	shalt  }
0x5e: {  	_ =	shalt  }
0x5f: {  	_ =	shalt  }
0x60: {  	_ =	shalt  }
0x61: {  	_ =	shalt  }
0x62: {  	_ =	shalt  }
0x63: {  	_ =	shalt  }
0x64: {  	_ =	shalt  }
0x65: {  	_ =	shalt  }
0x66: {  	_ =	shalt  }
0x67: {  	_ =	shalt  }
0x68: {  	_ =	shalt  }
0x69: {  	_ =	shalt  }
0x6a: {  	_ =	shalt  }
0x6b: {  	_ =	shalt  }
0x6c: {  	_ =	shalt  }
0x6d: {  	_ =	shalt  }
0x6e: {  	_ =	shalt  }
0x6f: {  	_ =	shalt  }
0x70: {  	_ =	shalt  }
0x71: {  	_ =	shalt  }
0x72: {  	_ =	shalt  }
0x73: {  	_ =	shalt  }
0x74: {  	_ =	shalt  }
0x75: {  	_ =	shalt  }
0x76: {  	_ =	shalt  }
0x77: {  	_ =	shalt  }
0x78: {  	_ =	shalt  }
0x79: {  	_ =	shalt  }
0x7a: {  	_ =	shalt  }
0x7b: {  	_ =	shalt  }
0x7c: {  	_ =	shalt  }
0x7d: {  	_ =	shalt  }
0x7e: {  	_ =	shalt  }
0x7f: {  	_ =	shalt  }
0x80: {  	_ =	shalt  }
0x81: {  	_ =	shalt  }
0x82: {  	_ =	shalt  }
0x83: {  	_ =	shalt  }
0x84: {  	_ =	shalt  }
0x85: {  	_ =	shalt  }
0x86: {  	_ =	shalt  }
0x87: {  	_ =	shalt  }
.Lfunc_end0:
.L_simem_size_0:
called_computation_lowered:
.L_overlay_start_0:
0x88: {  	s2 =	sld [smem:$0x3FD9]  }
0x89: {  	s3 =	sld [smem:$0x3FFE];
	_ =	sdelay $0x1  }
0x8a: {  	s1 =	srdreg.scid  }
0x8b: {  	s0 =	sand.u32 $0x1, s1  }
0x8c: {  	s16 =	sshll.u32 s0, $0xA;
	s2 =	sadd.s32 s3, s2  }
0x8d: {  	s2 =	sadd.s32 s2, s16  }
0x8e: {  	[smem:$0x3FB6] =	sst s2  }
0x8f: {  	_ = 	snop  }
0x90: {  	(tm) =	ssettm $0x1  }
0x91: {  	s17 =	sld [smem:$0x3FFB];
	_ =	sdelay $0x3  }
0x92: {  	_ =	strace s17  }
0x93: {  	s2 =	sld [smem:$0x3FFC];
	_ =	sdelay $0x3  }
0x94: {  	_ =	strace s2  }
0x95: {  	s2 =	sld [smem:$0x3FFD];
	_ =	sdelay $0x3  }
0x96: {  	_ =	strace s2  }
0x97: {  	_ =	strace $0x8FFFFFFF  }
0x98: {  	s18 =	sld [smem:$0x3FDB];
	_ =	sdelay $0x1  }
0x99: {  	s19 =	simm.s32 $_scs_section_size  }
0x9a: {  	s4 =	simm.s32 $_size__tile_overlayer_lowered;
	s5 =	simm.s32 $_tile_overlayer_lowered  }
0x9b: {  	s22 =	simm.s32 $0x1BFF;
	s21 =	sshll.u32 s5, $0x1;
	s2 =	sadd.s32 s19, s18  }
0x9c: {  	s6 =	simm.s32 $0x0;
	s20 =	sshll.u32 s4, $0x1;
	s4 =	sadd.s32 s21, s2  }
0x9d: {  	[timem:s6], [sflag:s22] =	dma.local [hbm:s4], s20  }
0x9e: {  	_ =	swait.ge [sflag:s22], s20  }
0x9f: {  	s3 =	ssub.s32 $0x0, s20;
	[sflag:s22] =	ssyncset.done $0x0  }
0xa0: {  	[sflag:s22] =	ssyncadd.s32 s3;
	_ =	sdelay $0x1  }
0xa1: {  	s23 =	simm.s32 $0x1B8B  }
0xa2: {  	_ =	swait.ge [sflag:s23], $0x1  }
0xa3: {  	[sflag:s23] =	ssyncset.done $0x0  }
0xa4: {  	s25 =	simm.s32 $0x1B8E;
	s24 =	sld [smem:$0x3FFE];
	[sflag:s23] =	ssyncadd.s32 $0xFFFFFFFF  }
0xa5: {  	s26 =	simm.s32 $execute0_lowered;
	[smem:$0x3FD2] =	sst s25  }
0xa6: {  	s4 =	sshll.u32 s26, $0x1;
	_ =	strace $0x80000046;
	[dreg:$0x1] =	wrdreg $0xFFFFFFFF  }
0xa7: {  	s28 =	simm.s32 $_size_execute0_lowered;
	s2 =	sadd.s32 s2, s4;
	[dreg:$0x0] =	wrdreg $0x0  }
0xa8: {  	s4 =	sshll.u32 s28, $0x1;
	[dreg:$0x2] =	wrdreg s2  }
0xa9: {  	[dreg:$0x3] =	wrdreg s4  }
0xaa: {  	[dreg:$0x4] =	wrdreg $0xC0  }
0xab: {  	_ =	task [dreg:s6], $0x5FFFF  }
0xac: {  	[dreg:$0x1] =	wrdreg $0xFFFFFFFF  }
0xad: {  	[dreg:$0x0] =	wrdreg $0x60  }
0xae: {  	[dreg:$0x2] =	wrdreg s24  }
0xaf: {  	[dreg:$0x3] =	wrdreg $0x141000  }
0xb0: {  	[dreg:$0x4] =	wrdreg $0x9  }
0xb1: {  	_ =	task.clear_ibuf [dreg:s6], $0x5FFFF;
	_ =	strace $0x90000046  }
0xb2: {  	s29 =	simm.s32 $0x9;
	_ =	strace $0x80000048  }
0xb3: {  	_ =	swait.ge [sflag:s29], $0x1  }
0xb4: {  	[sflag:s29] =	ssyncadd.s32 $0xFFFFFFFF  }
0xb5: {  	_ =	strace $0x90000048  }
0xb6: {  	_ =	sfence  }
0xb7: {  	s30 =	sld [smem:$0x0];
	_ =	sdelay $0x2  }
0xb8: {  	s31 =	sshll.u32 s1, $0xD;
	s1 =	sshrl.u32 s1, $0x2  }
0xb9: {  	s3 =	sand.u32 $0x4000, s31;
	s1 =	sadd.s32 s1, s30  }
0xba: {  	s0 =	sor.u32 s3, s0;
	s1 =	sshll.u32 s1, $0x11  }
0xbb: {  	s0 =	sor.u32 s1, s0  }
0xbc: {  	s0 =	sadd.s32 $0x8F2B, s0  }
0xbd: {  	[sflag:s0] =	ssyncadd.remote.s32 $0x1  }
0xbe: {  	_ =	sfence.sel $0xFFFF  }
0xbf: {  	[dreg:$0x0] =	wrdreg $0xFFFFFFFF;
	(pc) =	sbr.abs _section_cstart, $3  }
0xc0: {  	[dreg:$0x1] =	wrdreg $0xFFFFFFFF  }
0xc1: {  	_ =	task.clear_ibuf [dreg:s6], $0x2FFFF;
	_ =	strace $0x9FFFFFFF  }
0xc2: {  	(tm) =	ssettm $0x7FFFFFFF  }
0xc3: {  	_ =	shalt  }
tec
execute0_lowered:
.L_overlay_start_1:
0x0: {  	(tag) =	ssettag $0x1  }
0x1: {  	s0 =	rddreg [dreg:$0x0]  }
0x2: {  	s2 =	rddreg [dreg:$0x1]  }
0x3: {  	s9 =	stileid.u32;
	s1 =	srdreg.scid;
	s3 =	simm.s32 $0x0  }
0x4: {  	s13 =	simm.s32 $0x80;
	s19 =	simm.s32 $0x300;
	s20 =	simm.s32 $0x380  }
0x5: {  	s21 =	simm.s32 $0x1;
	s28 =	simm.s32 $0x4;
	s30 =	simm.s32 $0x5  }
0x6: {  	s29 =	simm.s32 $0x6;
	s11 =	simm.s32 $0xE;
	s16 =	simm.s32 $0x0  }
0x7: {  	s12 =	simm.s32 $0xE;
	s4 =	smul.u32 $0xA00, s9;
	s1 =	sand.u32 $0x1, s1  }
0x8: {  	[smem:$0x7FF] =	sst s3;
	s6 =	smul.u32 $0x9C00, s9;
	s18 =	sadd.s32 $0x9C000, s2  }
0x9: {  	p0 =	sne.s32 s9, $0xF;
	s9 =	simm.s32 $0xA;
	s5 =	smul.u32 $0x13880, s1  }
0xa: {  	_ =	strace $0x80000047;
	s7 =	ssub.s32 $0x2, s1;
	s1 =	smul.u32 $0x9C400, s1  }
0xb: {  	[dreg:$0x6] =	wrdreg s18;
	s4 =	sadd.s32 s4, s0;
	s8 =	sshrl.u32 s7, $0x1  }
0xc: {  	s17 =	sadd.s32 s6, s2;
	s5 =	sadd.s32 s5, s0;
	s0 =	sadd.s32 $0x3D600, s0  }
0xd: {  	s7 =	ssub.s32 s7, s8;
	s23 =	sadd.s32 s6, s1;
	s1 =	sshrl.u32 s1, $0x3  }
0xe: {  	s25 =	sadd.s32 $0x29600, s4;
	s26 =	sadd.s32 $0x33600, s4;
	s4 =	simm.s32 $0xB  }
0xf: {  	s8 =	simm.s32 $0xD;
	[dreg:$0x5] =	wrdreg s17;
	s6 =	sadd.s32 $0x2400, s5  }
0x10: {  	s24 =	sshrl.u32 s23, $0x3;
	[dreg:$0x3] =	wrdreg s25;
	s31 =	smax.u32 s7, $0x1  }
0x11: {  	[dreg:$0x4] =	wrdreg s26;
	s23 =	simm.s32 $0x2;
	s25 =	simm.s32 $0x3  }
0x12: {  	s5 =	sadd.s32 s0, s24;
	s0 =	sadd.s32 s0, s1;
	[dreg:$0x9] =	wrdreg s31  }
0x13: {  	s1 =	smov.u32 s2;
	[dreg:$0x7] =	wrdreg s5;
	s0 =	sadd.s32 $0x13800, s0  }
0x14: {  	v0 =	vimm.f32 $0.0e+00;
	s2 =	simm.s32 $0xF;
	s5 =	simm.s32 $0xC;
	[dreg:$0x8] =	wrdreg s0  }
.LBB2_1:
0x15: {  	[dreg:$0xa] =	wrdreg s16;
	s15 =	simm.s32 $0x100;
	s14 =	simm.s32 $0x0  }
.LBB2_2:
0x16: {  	p1 =	sne.s32 s15, $0x26F00;
	[tilespmem:s14+$0xA530] =	vst v0;
	s16 =	smov.u32 s15;
	s15 =	sadd.s32 $0x100, s15  }
.Ltmp0:
0x17: {  	[tilespmem:s14+$0xA520] =	vst v0;
	(pc) =	sbr.rel @p1 .LBB2_2-.Ltmp0, $3  }
0x18: {  	[tilespmem:s14+$0xA500] =	vst v0  }
0x19: {  	[tilespmem:s14+$0xA510] =	vst v0;
	_ =	sdelay $0x1  }
0x1a: {  	s14 =	sshra.s32 s16, $0x2  }
0x1b: {  	[tilespmem:s14+$0xA530] =	vst v0  }
0x1c: {  	[tilespmem:s14+$0xA520] =	vst v0  }
0x1d: {  	[tilespmem:s14+$0xA500] =	vst v0  }
0x1e: {  	[tilespmem:s14+$0xA510] =	vst v0;
	s16 =	simm.s32 $0xA500  }
0x1f: {  	[spmem:s17] =	stream.linear.scatter [tilespmem:s16], [sflag:$0x10], $0x9C00, $0x38;
	[tilespmem:$0x1DD40] =	vst v63  }
0x20: {  	s17 =	simm.s32 $0x10  }
0x21: {  	_ =	swait.ge [sflag:s17], $0x9C00  }
0x22: {  	[sflag:s17] =	ssyncset.done $0x0  }
0x23: {  	s14 =	simm.s32 @!p0 $0xA500;
	[sflag:s17] =	ssyncadd.s32 $0xFFFF6400  }
0x24: {  	[spmem:s18] =	stream.linear.scatter @!p0 [tilespmem:s14], [sflag:$0x10], $0x400, $0x38;
	[tilespmem:$0x1DD40] =	vst v63  }
0x25: {  	s14 =	simm.s32 @!p0 $0x10  }
0x26: {  	_ =	swait.ge @!p0 [sflag:s14], $0x400  }
0x27: {  	[sflag:s14] =	ssyncset.done @!p0 $0x0  }
0x28: {  	[sflag:s14] =	ssyncadd.s32 @!p0 $0xFFFFFC00  }
0x29: {  	[bflag:$0x0] =	sbarrier.arrive $0xFFFF  }
0x2a: {  	s18 =	rddreg [dreg:$0x4]  }
0x2b: {  	s15 =	rddreg [dreg:$0x3];
	s14 =	sadd.s32 $0x0, s18  }
0x2c: {  	[tilespmem:s3], [sflag:$0x1] =	stream.linear.gather [hbm4b:s14+s3], $0x80, $0x38;
	[tilespmem:$0x1DD40] =	vst v63  }
0x2d: {  	s17 =	simm.s32 $0x280;
	s15 =	sadd.s32 $0x0, s15  }
0x2e: {  	[tilespmem:s17], [sflag:$0x1] =	stream.linear.gather [hbm4b:s15+s3], $0x80, $0x38;
	[tilespmem:$0x1DD40] =	vst v63  }
0x2f: {  	s16 =	sadd.s32 $0x10, s14  }
0x30: {  	[tilespmem:s13], [sflag:$0x2] =	stream.linear.gather [hbm4b:s16+s3], $0x80, $0x38;
	[tilespmem:$0x1DD40] =	vst v63  }
0x31: {  	s22 =	sadd.s32 $0x10, s15  }
0x32: {  	[tilespmem:s19], [sflag:$0x2] =	stream.linear.gather [hbm4b:s22+s3], $0x80, $0x38;
	[tilespmem:$0x1DD40] =	vst v63  }
0x33: {  	s18 =	simm.s32 $0x100;
	s24 =	sadd.s32 $0x20, s14  }
0x34: {  	[tilespmem:s18], [sflag:$0x3] =	stream.linear.gather [hbm4b:s24+s3], $0x80, $0x38;
	[tilespmem:$0x1DD40] =	vst v63  }
0x35: {  	s26 =	sadd.s32 $0x20, s15  }
0x36: {  	[tilespmem:s20], [sflag:$0x3] =	stream.linear.gather [hbm4b:s26+s3], $0x80, $0x38;
	[tilespmem:$0x1DD40] =	vst v63  }
0x37: {  	s31 =	sadd.s32 $0x30, s14;
	s22 =	simm.s32 $0x180  }
0x38: {  	[tilespmem:s22], [sflag:$0x4] =	stream.linear.gather [hbm4b:s31+s3], $0x80, $0x38;
	[tilespmem:$0x1DD40] =	vst v63  }
0x39: {  	s0 =	sadd.s32 $0x30, s15;
	s31 =	simm.s32 $0x400  }
0x3a: {  	[tilespmem:s31], [sflag:$0x4] =	stream.linear.gather [hbm4b:s0+s3], $0x80, $0x38;
	[tilespmem:$0x1DD40] =	vst v63  }
0x3b: {  	s14 =	sadd.s32 $0x40, s14;
	s16 =	simm.s32 $0x200  }
0x3c: {  	[tilespmem:s16], [sflag:$0x5] =	stream.linear.gather [hbm4b:s14+s3], $0x80, $0x38;
	[tilespmem:$0x1DD40] =	vst v63  }
0x3d: {  	s7 =	sadd.s32 $0x40, s15;
	s15 =	simm.s32 $0x480  }
0x3e: {  	[tilespmem:s15], [sflag:$0x5] =	stream.linear.gather [hbm4b:s7+s3], $0x80, $0x38;
	[tilespmem:$0x1DD40] =	vst v63  }
0x3f: {  	_ =	swait.ge [sflag:s21], $0x80  }
0x40: {  	[sflag:s21] =	ssyncset.done $0x0  }
0x41: {  	[sflag:s21] =	ssyncadd.s32 $0xFFFFFF80  }
0x42: {  	_ =	swait.ge [sflag:s21], $0x80  }
0x43: {  	[sflag:s21] =	ssyncset.done $0x0  }
0x44: {  	s10 =	simm.s32 $0x500;
	[sflag:s21] =	ssyncadd.s32 $0xFFFFFF80  }
0x45: {  	[tilespmem:s10], [sflag:$0x6] =	stream.indirect.gather [hbm4b:s6+s13], $0x40, s3, s13, $0xb8;
	[tilespmem:$0x1DD40] =	vst v63  }
0x46: {  	_ =	swait.ge [sflag:s23], $0x80  }
0x47: {  	[sflag:s23] =	ssyncset.done $0x0  }
0x48: {  	[sflag:s23] =	ssyncadd.s32 $0xFFFFFF80  }
0x49: {  	_ =	swait.ge [sflag:s23], $0x80  }
0x4a: {  	[sflag:s23] =	ssyncset.done $0x0  }
0x4b: {  	s24 =	simm.s32 $0x2500;
	[sflag:s23] =	ssyncadd.s32 $0xFFFFFF80  }
0x4c: {  	[tilespmem:s24], [sflag:$0x7] =	stream.indirect.gather [hbm4b:s6+s13], $0x40, s13, s13, $0xb8;
	[tilespmem:$0x1DD40] =	vst v63  }
0x4d: {  	_ =	swait.ge [sflag:s25], $0x80  }
0x4e: {  	[sflag:s25] =	ssyncset.done $0x0  }
0x4f: {  	[sflag:s25] =	ssyncadd.s32 $0xFFFFFF80  }
0x50: {  	_ =	swait.ge [sflag:s25], $0x80  }
0x51: {  	[sflag:s25] =	ssyncset.done $0x0  }
0x52: {  	s26 =	simm.s32 $0x4500;
	[sflag:s25] =	ssyncadd.s32 $0xFFFFFF80  }
0x53: {  	[tilespmem:s26], [sflag:$0x8] =	stream.indirect.gather [hbm4b:s6+s13], $0x40, s18, s13, $0xb8;
	[tilespmem:$0x1DD40] =	vst v63  }
0x54: {  	_ =	swait.ge [sflag:s28], $0x80  }
0x55: {  	[sflag:s28] =	ssyncset.done $0x0  }
0x56: {  	[sflag:s28] =	ssyncadd.s32 $0xFFFFFF80  }
0x57: {  	_ =	swait.ge [sflag:s28], $0x80  }
0x58: {  	[sflag:s28] =	ssyncset.done $0x0  }
0x59: {  	s0 =	simm.s32 $0x6500;
	[sflag:s28] =	ssyncadd.s32 $0xFFFFFF80  }
0x5a: {  	[tilespmem:s0], [sflag:$0x9] =	stream.indirect.gather [hbm4b:s6+s13], $0x40, s22, s13, $0xb8;
	[tilespmem:$0x1DD40] =	vst v63  }
0x5b: {  	_ =	swait.ge [sflag:s30], $0x80  }
0x5c: {  	[sflag:s30] =	ssyncset.done $0x0  }
0x5d: {  	[sflag:s30] =	ssyncadd.s32 $0xFFFFFF80  }
0x5e: {  	_ =	swait.ge [sflag:s30], $0x80  }
0x5f: {  	[sflag:s30] =	ssyncset.done $0x0  }
0x60: {  	s22 =	simm.s32 $0x8500;
	[sflag:s30] =	ssyncadd.s32 $0xFFFFFF80  }
0x61: {  	[tilespmem:s22], [sflag:$0xA] =	stream.indirect.gather [hbm4b:s6+s13], $0x40, s16, s13, $0xb8;
	[tilespmem:$0x1DD40] =	vst v63  }
0x62: {  	_ =	swait.ge [sflag:s29], $0x2000  }
0x63: {  	[sflag:s29] =	ssyncset.done $0x0  }
0x64: {  	s7 =	simm.s32 $0x7;
	[sflag:s29] =	ssyncadd.s32 $0xFFFFE000  }
0x65: {  	[spmem:s1] =	stream.indirect.scatter.add.f32 [tilespmem:s10], [sflag:$0xB], $0x40, s17, s13, $0xb8;
	[tilespmem:$0x1DD40] =	vst v63  }
0x66: {  	_ =	swait.ge [sflag:s7], $0x2000  }
0x67: {  	[sflag:s7] =	ssyncset.done $0x0  }
0x68: {  	[sflag:s7] =	ssyncadd.s32 $0xFFFFE000;
	s7 =	simm.s32 $0x8  }
0x69: {  	[spmem:s1] =	stream.indirect.scatter.add.f32 [tilespmem:s24], [sflag:$0xC], $0x40, s19, s13, $0xb8;
	[tilespmem:$0x1DD40] =	vst v63  }
0x6a: {  	_ =	swait.ge [sflag:s7], $0x2000  }
0x6b: {  	[sflag:s7] =	ssyncset.done $0x0  }
0x6c: {  	s10 =	simm.s32 $0x9;
	[sflag:s7] =	ssyncadd.s32 $0xFFFFE000  }
0x6d: {  	[spmem:s1] =	stream.indirect.scatter.add.f32 [tilespmem:s26], [sflag:$0xD], $0x40, s20, s13, $0xb8;
	[tilespmem:$0x1DD40] =	vst v63  }
0x6e: {  	_ =	swait.ge [sflag:s10], $0x2000  }
0x6f: {  	[sflag:s10] =	ssyncset.done $0x0  }
0x70: {  	[sflag:s10] =	ssyncadd.s32 $0xFFFFE000  }
0x71: {  	[spmem:s1] =	stream.indirect.scatter.add.f32 [tilespmem:s0], [sflag:$0xE], $0x40, s31, s13, $0xb8;
	[tilespmem:$0x1DD40] =	vst v63  }
0x72: {  	_ =	swait.ge [sflag:s9], $0x2000  }
0x73: {  	[sflag:s9] =	ssyncset.done $0x0  }
0x74: {  	[sflag:s9] =	ssyncadd.s32 $0xFFFFE000  }
0x75: {  	[spmem:s1] =	stream.indirect.scatter.add.f32 [tilespmem:s22], [sflag:$0xF], $0x40, s15, s13, $0xb8;
	[tilespmem:$0x1DD40] =	vst v63  }
0x76: {  	_ =	swait.ge [sflag:s4], $0x2000  }
0x77: {  	[sflag:s4] =	ssyncset.done $0x0  }
0x78: {  	[sflag:s4] =	ssyncadd.s32 $0xFFFFE000  }
0x79: {  	_ =	swait.ge [sflag:s5], $0x2000  }
0x7a: {  	[sflag:s5] =	ssyncset.done $0x0  }
0x7b: {  	[sflag:s5] =	ssyncadd.s32 $0xFFFFE000  }
0x7c: {  	_ =	swait.ge [sflag:s8], $0x2000  }
0x7d: {  	[sflag:s8] =	ssyncset.done $0x0  }
0x7e: {  	[sflag:s8] =	ssyncadd.s32 $0xFFFFE000  }
0x7f: {  	_ =	swait.ge [sflag:s11], $0x2000  }
0x80: {  	s14 =	simm.s32 $0x50;
	[sflag:s11] =	ssyncset.done $0x0  }
0x81: {  	s15 =	simm.s32 $0xA0;
	s4 =	simm.s32 $0xB;
	[sflag:s11] =	ssyncadd.s32 $0xFFFFE000  }
0x82: {  	s5 =	simm.s32 $0xC;
	s11 =	simm.s32 $0xD;
	_ =	swait.ge [sflag:s2], $0x2000  }
0x83: {  	s16 =	rddreg [dreg:$0x4];
	[sflag:s2] =	ssyncset.done $0x0;
	s2 =	simm.s32 $0xF  }
.LBB2_4:
0x84: {  	[sflag:s2] =	ssyncadd.s32 $0xFFFFE000;
	s18 =	rddreg [dreg:$0x3];
	s16 =	sadd.s32 s14, s16  }
0x85: {  	[tilespmem:s3], [sflag:$0x1] =	stream.linear.gather [hbm4b:s16+s3], $0x80, $0x38;
	[tilespmem:$0x1DD40] =	vst v63  }
0x86: {  	s19 =	simm.s32 $0x280;
	s18 =	sadd.s32 s14, s18  }
0x87: {  	[tilespmem:s19], [sflag:$0x1] =	stream.linear.gather [hbm4b:s18+s3], $0x80, $0x38;
	[tilespmem:$0x1DD40] =	vst v63  }
0x88: {  	s24 =	sadd.s32 $0x10, s16  }
0x89: {  	[tilespmem:s13], [sflag:$0x2] =	stream.linear.gather [hbm4b:s24+s3], $0x80, $0x38;
	[tilespmem:$0x1DD40] =	vst v63  }
0x8a: {  	s26 =	sadd.s32 $0x10, s18;
	s19 =	simm.s32 $0x300  }
0x8b: {  	[tilespmem:s19], [sflag:$0x2] =	stream.linear.gather [hbm4b:s26+s3], $0x80, $0x38;
	[tilespmem:$0x1DD40] =	vst v63  }
0x8c: {  	s20 =	simm.s32 $0x100;
	s31 =	sadd.s32 $0x20, s16  }
0x8d: {  	[tilespmem:s20], [sflag:$0x3] =	stream.linear.gather [hbm4b:s31+s3], $0x80, $0x38;
	[tilespmem:$0x1DD40] =	vst v63  }
0x8e: {  	s0 =	sadd.s32 $0x20, s18;
	s20 =	simm.s32 $0x380  }
0x8f: {  	[tilespmem:s20], [sflag:$0x3] =	stream.linear.gather [hbm4b:s0+s3], $0x80, $0x38;
	[tilespmem:$0x1DD40] =	vst v63  }
0x90: {  	s8 =	sadd.s32 $0x30, s16;
	s26 =	simm.s32 $0x180  }
0x91: {  	[tilespmem:s26], [sflag:$0x4] =	stream.linear.gather [hbm4b:s8+s3], $0x80, $0x38;
	[tilespmem:$0x1DD40] =	vst v63  }
0x92: {  	s10 =	sadd.s32 $0x30, s18;
	s31 =	simm.s32 $0x400  }
0x93: {  	[tilespmem:s31], [sflag:$0x4] =	stream.linear.gather [hbm4b:s10+s3], $0x80, $0x38;
	[tilespmem:$0x1DD40] =	vst v63  }
0x94: {  	s29 =	simm.s32 $0x200;
	s16 =	sadd.s32 $0x40, s16  }
0x95: {  	[tilespmem:s29], [sflag:$0x5] =	stream.linear.gather [hbm4b:s16+s3], $0x80, $0x38;
	[tilespmem:$0x1DD40] =	vst v63  }
0x96: {  	s22 =	sadd.s32 $0x40, s18;
	s24 =	simm.s32 $0x480  }
0x97: {  	[tilespmem:s24], [sflag:$0x5] =	stream.linear.gather [hbm4b:s22+s3], $0x80, $0x38;
	[tilespmem:$0x1DD40] =	vst v63  }
0x98: {  	_ =	swait.ge [sflag:s21], $0x80  }
0x99: {  	[sflag:s21] =	ssyncset.done $0x0  }
0x9a: {  	[sflag:s21] =	ssyncadd.s32 $0xFFFFFF80  }
0x9b: {  	_ =	swait.ge [sflag:s21], $0x80  }
0x9c: {  	[sflag:s21] =	ssyncset.done $0x0  }
0x9d: {  	s16 =	simm.s32 $0x500;
	[sflag:s21] =	ssyncadd.s32 $0xFFFFFF80  }
0x9e: {  	[tilespmem:s16], [sflag:$0x6] =	stream.indirect.gather [hbm4b:s6+s13], $0x40, s3, s13, $0xb8;
	[tilespmem:$0x1DD40] =	vst v63  }
0x9f: {  	_ =	swait.ge [sflag:s23], $0x80  }
0xa0: {  	[sflag:s23] =	ssyncset.done $0x0  }
0xa1: {  	[sflag:s23] =	ssyncadd.s32 $0xFFFFFF80  }
0xa2: {  	_ =	swait.ge [sflag:s23], $0x80  }
0xa3: {  	[sflag:s23] =	ssyncset.done $0x0  }
0xa4: {  	s22 =	simm.s32 $0x2500;
	[sflag:s23] =	ssyncadd.s32 $0xFFFFFF80  }
0xa5: {  	[tilespmem:s22], [sflag:$0x7] =	stream.indirect.gather [hbm4b:s6+s13], $0x40, s13, s13, $0xb8;
	[tilespmem:$0x1DD40] =	vst v63  }
0xa6: {  	_ =	swait.ge [sflag:s25], $0x80  }
0xa7: {  	[sflag:s25] =	ssyncset.done $0x0  }
0xa8: {  	[sflag:s25] =	ssyncadd.s32 $0xFFFFFF80  }
0xa9: {  	_ =	swait.ge [sflag:s25], $0x80  }
0xaa: {  	[sflag:s25] =	ssyncset.done $0x0  }
0xab: {  	s18 =	simm.s32 $0x100;
	s0 =	simm.s32 $0x4500;
	[sflag:s25] =	ssyncadd.s32 $0xFFFFFF80  }
0xac: {  	[tilespmem:s0], [sflag:$0x8] =	stream.indirect.gather [hbm4b:s6+s13], $0x40, s18, s13, $0xb8;
	[tilespmem:$0x1DD40] =	vst v63  }
0xad: {  	_ =	swait.ge [sflag:s28], $0x80  }
0xae: {  	[sflag:s28] =	ssyncset.done $0x0  }
0xaf: {  	[sflag:s28] =	ssyncadd.s32 $0xFFFFFF80  }
0xb0: {  	_ =	swait.ge [sflag:s28], $0x80  }
0xb1: {  	[sflag:s28] =	ssyncset.done $0x0  }
0xb2: {  	s10 =	simm.s32 $0x6500;
	[sflag:s28] =	ssyncadd.s32 $0xFFFFFF80  }
0xb3: {  	[tilespmem:s10], [sflag:$0x9] =	stream.indirect.gather [hbm4b:s6+s13], $0x40, s26, s13, $0xb8;
	[tilespmem:$0x1DD40] =	vst v63  }
0xb4: {  	_ =	swait.ge [sflag:s30], $0x80  }
0xb5: {  	[sflag:s30] =	ssyncset.done $0x0  }
0xb6: {  	[sflag:s30] =	ssyncadd.s32 $0xFFFFFF80  }
0xb7: {  	_ =	swait.ge [sflag:s30], $0x80  }
0xb8: {  	[sflag:s30] =	ssyncset.done $0x0  }
0xb9: {  	s8 =	simm.s32 $0x8500;
	[sflag:s30] =	ssyncadd.s32 $0xFFFFFF80  }
0xba: {  	[tilespmem:s8], [sflag:$0xA] =	stream.indirect.gather [hbm4b:s6+s13], $0x40, s29, s13, $0xb8;
	[tilespmem:$0x1DD40] =	vst v63  }
0xbb: {  	s29 =	simm.s32 $0x6  }
0xbc: {  	_ =	swait.ge [sflag:s29], $0x2000  }
0xbd: {  	s17 =	smov.u32 s15;
	[sflag:s29] =	ssyncset.done $0x0  }
0xbe: {  	s14 =	smov.u32 s17;
	s17 =	simm.s32 $0x280;
	[sflag:s29] =	ssyncadd.s32 $0xFFFFE000  }
0xbf: {  	[spmem:s1] =	stream.indirect.scatter.add.f32 [tilespmem:s16], [sflag:$0xB], $0x40, s17, s13, $0xb8;
	[tilespmem:$0x1DD40] =	vst v63  }
0xc0: {  	s16 =	simm.s32 $0x7  }
0xc1: {  	_ =	swait.ge [sflag:s16], $0x2000  }
0xc2: {  	[sflag:s16] =	ssyncset.done $0x0  }
0xc3: {  	[sflag:s16] =	ssyncadd.s32 $0xFFFFE000  }
0xc4: {  	[spmem:s1] =	stream.indirect.scatter.add.f32 [tilespmem:s22], [sflag:$0xC], $0x40, s19, s13, $0xb8;
	[tilespmem:$0x1DD40] =	vst v63  }
0xc5: {  	_ =	swait.ge [sflag:s7], $0x2000  }
0xc6: {  	[sflag:s7] =	ssyncset.done $0x0  }
0xc7: {  	s26 =	simm.s32 $0x9;
	[sflag:s7] =	ssyncadd.s32 $0xFFFFE000  }
0xc8: {  	[spmem:s1] =	stream.indirect.scatter.add.f32 [tilespmem:s0], [sflag:$0xD], $0x40, s20, s13, $0xb8;
	[tilespmem:$0x1DD40] =	vst v63  }
0xc9: {  	_ =	swait.ge [sflag:s26], $0x2000  }
0xca: {  	[sflag:s26] =	ssyncset.done $0x0  }
0xcb: {  	[sflag:s26] =	ssyncadd.s32 $0xFFFFE000  }
0xcc: {  	[spmem:s1] =	stream.indirect.scatter.add.f32 [tilespmem:s10], [sflag:$0xE], $0x40, s31, s13, $0xb8;
	[tilespmem:$0x1DD40] =	vst v63  }
0xcd: {  	_ =	swait.ge [sflag:s9], $0x2000  }
0xce: {  	[sflag:s9] =	ssyncset.done $0x0  }
0xcf: {  	[sflag:s9] =	ssyncadd.s32 $0xFFFFE000  }
0xd0: {  	[spmem:s1] =	stream.indirect.scatter.add.f32 [tilespmem:s8], [sflag:$0xF], $0x40, s24, s13, $0xb8;
	[tilespmem:$0x1DD40] =	vst v63  }
0xd1: {  	_ =	swait.ge [sflag:s4], $0x2000  }
0xd2: {  	[sflag:s4] =	ssyncset.done $0x0  }
0xd3: {  	[sflag:s4] =	ssyncadd.s32 $0xFFFFE000  }
0xd4: {  	_ =	swait.ge [sflag:s5], $0x2000  }
0xd5: {  	[sflag:s5] =	ssyncset.done $0x0  }
0xd6: {  	[sflag:s5] =	ssyncadd.s32 $0xFFFFE000  }
0xd7: {  	_ =	swait.ge [sflag:s11], $0x2000  }
0xd8: {  	[sflag:s11] =	ssyncset.done $0x0  }
0xd9: {  	p1 =	sne.s32 s15, $0x9B0;
	[sflag:s11] =	ssyncadd.s32 $0xFFFFE000  }
.Ltmp1:
0xda: {  	_ =	swait.ge [sflag:s12], $0x2000;
	(pc) =	sbr.rel @p1 .LBB2_4-.Ltmp1, $4  }
0xdb: {  	[sflag:s12] =	ssyncset.done $0x0  }
0xdc: {  	[sflag:s12] =	ssyncadd.s32 $0xFFFFE000  }
0xdd: {  	_ =	swait.ge [sflag:s2], $0x2000  }
0xde: {  	s15 =	sadd.s32 $0x50, s15;
	s16 =	rddreg [dreg:$0x4];
	[sflag:s2] =	ssyncset.done $0x0  }
0xdf: {  	s15 =	rddreg [dreg:$0x3];
	[sflag:s2] =	ssyncadd.s32 $0xFFFFE000;
	s16 =	sadd.s32 s14, s16  }
0xe0: {  	[tilespmem:s3], [sflag:$0x1] =	stream.linear.gather [hbm4b:s16+s3], $0x80, $0x38;
	[tilespmem:$0x1DD40] =	vst v63  }
0xe1: {  	s14 =	sadd.s32 s14, s15  }
0xe2: {  	[tilespmem:s17], [sflag:$0x1] =	stream.linear.gather [hbm4b:s14+s3], $0x80, $0x38;
	[tilespmem:$0x1DD40] =	vst v63  }
0xe3: {  	s10 =	sadd.s32 $0x10, s16  }
0xe4: {  	[tilespmem:s13], [sflag:$0x2] =	stream.linear.gather [hbm4b:s10+s3], $0x80, $0x38;
	[tilespmem:$0x1DD40] =	vst v63  }
0xe5: {  	s22 =	sadd.s32 $0x10, s14  }
0xe6: {  	[tilespmem:s19], [sflag:$0x2] =	stream.linear.gather [hbm4b:s22+s3], $0x80, $0x38;
	[tilespmem:$0x1DD40] =	vst v63  }
0xe7: {  	s24 =	sadd.s32 $0x20, s16  }
0xe8: {  	[tilespmem:s18], [sflag:$0x3] =	stream.linear.gather [hbm4b:s24+s3], $0x80, $0x38;
	[tilespmem:$0x1DD40] =	vst v63  }
0xe9: {  	s31 =	sadd.s32 $0x20, s14  }
0xea: {  	[tilespmem:s20], [sflag:$0x3] =	stream.linear.gather [hbm4b:s31+s3], $0x80, $0x38;
	[tilespmem:$0x1DD40] =	vst v63  }
0xeb: {  	s0 =	sadd.s32 $0x30, s16;
	s24 =	simm.s32 $0x180  }
0xec: {  	[tilespmem:s24], [sflag:$0x4] =	stream.linear.gather [hbm4b:s0+s3], $0x80, $0x38;
	[tilespmem:$0x1DD40] =	vst v63  }
0xed: {  	s8 =	sadd.s32 $0x30, s14;
	s31 =	simm.s32 $0x400  }
0xee: {  	[tilespmem:s31], [sflag:$0x4] =	stream.linear.gather [hbm4b:s8+s3], $0x80, $0x38;
	[tilespmem:$0x1DD40] =	vst v63  }
0xef: {  	s10 =	sadd.s32 $0x40, s16;
	s16 =	simm.s32 $0x200  }
0xf0: {  	[tilespmem:s16], [sflag:$0x5] =	stream.linear.gather [hbm4b:s10+s3], $0x80, $0x38;
	[tilespmem:$0x1DD40] =	vst v63  }
0xf1: {  	s15 =	simm.s32 $0x480;
	s14 =	sadd.s32 $0x40, s14  }
0xf2: {  	[tilespmem:s15], [sflag:$0x5] =	stream.linear.gather [hbm4b:s14+s3], $0x80, $0x38;
	[tilespmem:$0x1DD40] =	vst v63  }
0xf3: {  	_ =	swait.ge [sflag:s21], $0x80  }
0xf4: {  	[sflag:s21] =	ssyncset.done $0x0  }
0xf5: {  	[sflag:s21] =	ssyncadd.s32 $0xFFFFFF80  }
0xf6: {  	_ =	swait.ge [sflag:s21], $0x80  }
0xf7: {  	[sflag:s21] =	ssyncset.done $0x0  }
0xf8: {  	s14 =	simm.s32 $0x500;
	[sflag:s21] =	ssyncadd.s32 $0xFFFFFF80  }
0xf9: {  	[tilespmem:s14], [sflag:$0x6] =	stream.indirect.gather [hbm4b:s6+s13], $0x40, s3, s13, $0xb8;
	[tilespmem:$0x1DD40] =	vst v63  }
0xfa: {  	_ =	swait.ge [sflag:s23], $0x80  }
0xfb: {  	[sflag:s23] =	ssyncset.done $0x0  }
0xfc: {  	[sflag:s23] =	ssyncadd.s32 $0xFFFFFF80  }
0xfd: {  	_ =	swait.ge [sflag:s23], $0x80  }
0xfe: {  	[sflag:s23] =	ssyncset.done $0x0  }
0xff: {  	s22 =	simm.s32 $0x2500;
	[sflag:s23] =	ssyncadd.s32 $0xFFFFFF80  }
0x100: {  	[tilespmem:s22], [sflag:$0x7] =	stream.indirect.gather [hbm4b:s6+s13], $0x40, s13, s13, $0xb8;
	[tilespmem:$0x1DD40] =	vst v63  }
0x101: {  	_ =	swait.ge [sflag:s25], $0x80  }
0x102: {  	[sflag:s25] =	ssyncset.done $0x0  }
0x103: {  	[sflag:s25] =	ssyncadd.s32 $0xFFFFFF80  }
0x104: {  	_ =	swait.ge [sflag:s25], $0x80  }
0x105: {  	[sflag:s25] =	ssyncset.done $0x0  }
0x106: {  	s0 =	simm.s32 $0x4500;
	[sflag:s25] =	ssyncadd.s32 $0xFFFFFF80  }
0x107: {  	[tilespmem:s0], [sflag:$0x8] =	stream.indirect.gather [hbm4b:s6+s13], $0x40, s18, s13, $0xb8;
	[tilespmem:$0x1DD40] =	vst v63  }
0x108: {  	_ =	swait.ge [sflag:s28], $0x80  }
0x109: {  	[sflag:s28] =	ssyncset.done $0x0  }
0x10a: {  	[sflag:s28] =	ssyncadd.s32 $0xFFFFFF80  }
0x10b: {  	_ =	swait.ge [sflag:s28], $0x80  }
0x10c: {  	[sflag:s28] =	ssyncset.done $0x0  }
0x10d: {  	s10 =	simm.s32 $0x6500;
	[sflag:s28] =	ssyncadd.s32 $0xFFFFFF80  }
0x10e: {  	[tilespmem:s10], [sflag:$0x9] =	stream.indirect.gather [hbm4b:s6+s13], $0x40, s24, s13, $0xb8;
	[tilespmem:$0x1DD40] =	vst v63  }
0x10f: {  	_ =	swait.ge [sflag:s30], $0x80  }
0x110: {  	[sflag:s30] =	ssyncset.done $0x0  }
0x111: {  	[sflag:s30] =	ssyncadd.s32 $0xFFFFFF80  }
0x112: {  	_ =	swait.ge [sflag:s30], $0x80  }
0x113: {  	[sflag:s30] =	ssyncset.done $0x0  }
0x114: {  	s8 =	simm.s32 $0x8500;
	[sflag:s30] =	ssyncadd.s32 $0xFFFFFF80  }
0x115: {  	[tilespmem:s8], [sflag:$0xA] =	stream.indirect.gather [hbm4b:s6+s13], $0x40, s16, s13, $0xb8;
	[tilespmem:$0x1DD40] =	vst v63  }
0x116: {  	_ =	swait.ge [sflag:s29], $0x2000  }
0x117: {  	[sflag:s29] =	ssyncset.done $0x0  }
0x118: {  	s16 =	simm.s32 $0x7;
	[sflag:s29] =	ssyncadd.s32 $0xFFFFE000  }
0x119: {  	[spmem:s1] =	stream.indirect.scatter.add.f32 [tilespmem:s14], [sflag:$0xB], $0x40, s17, s13, $0xb8;
	[tilespmem:$0x1DD40] =	vst v63  }
0x11a: {  	_ =	swait.ge [sflag:s16], $0x2000  }
0x11b: {  	[sflag:s16] =	ssyncset.done $0x0  }
0x11c: {  	[sflag:s16] =	ssyncadd.s32 $0xFFFFE000  }
0x11d: {  	[spmem:s1] =	stream.indirect.scatter.add.f32 [tilespmem:s22], [sflag:$0xC], $0x40, s19, s13, $0xb8;
	[tilespmem:$0x1DD40] =	vst v63  }
0x11e: {  	_ =	swait.ge [sflag:s7], $0x2000  }
0x11f: {  	[sflag:s7] =	ssyncset.done $0x0  }
0x120: {  	[sflag:s7] =	ssyncadd.s32 $0xFFFFE000  }
0x121: {  	[spmem:s1] =	stream.indirect.scatter.add.f32 [tilespmem:s0], [sflag:$0xD], $0x40, s20, s13, $0xb8;
	[tilespmem:$0x1DD40] =	vst v63  }
0x122: {  	_ =	swait.ge [sflag:s26], $0x2000  }
0x123: {  	[sflag:s26] =	ssyncset.done $0x0  }
0x124: {  	[sflag:s26] =	ssyncadd.s32 $0xFFFFE000  }
0x125: {  	[spmem:s1] =	stream.indirect.scatter.add.f32 [tilespmem:s10], [sflag:$0xE], $0x40, s31, s13, $0xb8;
	[tilespmem:$0x1DD40] =	vst v63  }
0x126: {  	_ =	swait.ge [sflag:s9], $0x2000  }
0x127: {  	[sflag:s9] =	ssyncset.done $0x0  }
0x128: {  	[sflag:s9] =	ssyncadd.s32 $0xFFFFE000  }
0x129: {  	[spmem:s1] =	stream.indirect.scatter.add.f32 [tilespmem:s8], [sflag:$0xF], $0x40, s15, s13, $0xb8;
	[tilespmem:$0x1DD40] =	vst v63  }
0x12a: {  	_ =	swait.ge [sflag:s4], $0x2000  }
0x12b: {  	[sflag:s4] =	ssyncset.done $0x0  }
0x12c: {  	[sflag:s4] =	ssyncadd.s32 $0xFFFFE000  }
0x12d: {  	_ =	swait.ge [sflag:s5], $0x2000  }
0x12e: {  	[sflag:s5] =	ssyncset.done $0x0  }
0x12f: {  	[sflag:s5] =	ssyncadd.s32 $0xFFFFE000  }
0x130: {  	_ =	swait.ge [sflag:s11], $0x2000  }
0x131: {  	[sflag:s11] =	ssyncset.done $0x0  }
0x132: {  	[sflag:s11] =	ssyncadd.s32 $0xFFFFE000  }
0x133: {  	_ =	swait.ge [sflag:s12], $0x2000  }
0x134: {  	[sflag:s12] =	ssyncset.done $0x0  }
0x135: {  	[sflag:s12] =	ssyncadd.s32 $0xFFFFE000  }
0x136: {  	_ =	swait.ge [sflag:s2], $0x2000  }
0x137: {  	[sflag:s2] =	ssyncset.done $0x0  }
0x138: {  	[sflag:s2] =	ssyncadd.s32 $0xFFFFE000  }
0x139: {  	s17 =	stileid.u32;
	[bflag:$0x0] =	sbarrier.arrive $0xFFFF  }
0x13a: {  	s24 =	simm.s32 $0x10;
	s14 =	sshll.u32 s17, $0x6;
	s17 =	rddreg [dreg:$0x5]  }
0x13b: {  	s14 =	sor.u32 $0x1C10, s14;
	s22 =	rddreg [dreg:$0x7];
	s18 =	sshrl.u32 s17, $0x3  }
0x13c: {  	[hbm:s22], [sflag:s14] =	dma.local [spmem:s18], $0x1380  }
0x13d: {  	_ =	swait.ge [sflag:s24], $0x1380  }
0x13e: {  	[sflag:s24] =	ssyncset.done $0x0;
	s18 =	rddreg [dreg:$0x6]  }
0x13f: {  	s16 =	rddreg [dreg:$0x8];
	[sflag:s24] =	ssyncadd.s32 $0xFFFFEC80;
	s15 =	sshrl.u32 @!p0 s18, $0x3  }
0x140: {  	[hbm:s16], [sflag:s14] =	dma.local @!p0 [spmem:s15], $0x80  }
0x141: {  	s14 =	simm.s32 @!p0 $0x10  }
0x142: {  	_ =	swait.ge @!p0 [sflag:s14], $0x80  }
0x143: {  	s26 =	rddreg [dreg:$0xa]  }
0x144: {  	s31 =	rddreg [dreg:$0x9];
	s16 =	sadd.s32 $0x1, s26  }
0x145: {  	p1 =	sne.s32 s16, s31  }
.Ltmp2:
0x146: {  	_ = 	snop;
	(pc) =	sbr.rel @p1 .LBB2_1-.Ltmp2, $4  }
0x147: {  	_ = 	snop  }
0x148: {  	s8 =	simm.s32 $0xD  }
0x149: {  	s4 =	simm.s32 $0xB;
	s5 =	simm.s32 $0xC;
	[sflag:s14] =	ssyncset.done @!p0 $0x0  }
0x14a: {  	s11 =	simm.s32 $0xE;
	s2 =	simm.s32 $0xF;
	[sflag:s14] =	ssyncadd.s32 @!p0 $0xFFFFFF80  }
0x14b: {  	_ =	sfence.sel $0x180000  }
0x14c: {  	[bflag:$0x0] =	sbarrier.arrive $0xFFFF  }
0x14d: {  	_ =	strace $0x90000047  }
0x14e: {  	s0 =	stileid.u32;
	[bflag:$0x2] =	sbarrier.arrive $0xFFFF  }
0x14f: {  	p0 =	sne.s32 s0, $0x0;
	s0 =	rddreg [dreg:$0x2]  }
0x150: {  	s0 =	sadd.s32 @!p0 $0x100000, s0  }
0x151: {  	[sflag:s0] =	ssyncadd.tile.s32 @!p0 $0x1;
	_ =	shalt  }
.Lfunc_end2:
_tile_overlayer_lowered:
.L_overlay_start_2:
0x152: {  	(tag) =	ssettag $0x2  }
0x153: {  	s0 =	rddreg [dreg:$0x0];
	s2 =	stileid.u32  }
0x154: {  	s1 =	rddreg [dreg:$0x1];
	p0 =	sne.s32 s2, $0x0  }
0x155: {  	s3 =	rddreg [dreg:$0x2];
	[bflag:$0x3] =	sbarrier.arrive $0xFFFF;
	s2 =	simm.s32 @!p0 $0x1C10  }
0x156: {  	[timem:s3], [sflag:s2] =	dma.local @!p0 [hbm:s0], s1  }
0x157: {  	s0 =	simm.s32 @!p0 $0x10  }
0x158: {  	_ =	swait.ge @!p0 [sflag:s0], s1  }
0x159: {  	s1 =	ssub.s32 @!p0 $0x0, s1;
	[sflag:s0] =	ssyncset.done @!p0 $0x0  }
0x15a: {  	[sflag:s0] =	ssyncadd.s32 @!p0 s1  }
0x15b: {  	[bflag:$0x3] =	sbarrier.arrive $0xFFFF  }
0x15c: {  	_ =	shalt  }

</sc_bundles>
